<compile_context>
chip_gen: v7x
topology: tpu7x:2x2x1
jax: 0.10.2.dev20260603
libtpu: 0.0.44.dev20260713+nightly
codegen_flags: <defaults>
</compile_context>

<pallas_src>
import jax
import jax.numpy as jnp
from jax import lax
from jax.experimental import pallas as pl
from jax.experimental.pallas import tpu as pltpu
from jax.experimental.pallas import tpu_sc as plsc

N = 10000
E = 320000
D_IN = 128
D_HID = 128
D_OUT = 64

NC = 2
NS = 16
NW = NC * NS
CHUNK = 128
NCH = E // CHUNK
RPT = 624
TAIL0 = NS * RPT
TAILN = N - TAIL0

_MESH = dict(core_axis_name="c", subcore_axis_name="s")
_SC_PARAMS = pltpu.CompilerParams(
    needs_layout_passes=False, use_tc_tiling_on_sc=False)


DTPW = NCH // NW
DREM = NCH % NW
DMAXT = DTPW + 1


def _deg_body(eic_hbm, out_hbm, idxbuf, acc):
    c = lax.axis_index("c")
    s = lax.axis_index("s")
    w = s * NC + c

    def zero(i, carry):
        acc[pl.ds(i * 16, 16)] = jnp.zeros((16,), jnp.float32)
        return carry

    lax.fori_loop(0, N // 16, zero, 0)

    gstart = w * DTPW + jnp.minimum(w, DREM)
    ndt = jnp.where(w < DREM, DMAXT, DTPW)

    @pl.when(w < DREM)
    def _():
        pltpu.sync_copy(eic_hbm.at[pl.ds(gstart, DMAXT)], idxbuf)

    @pl.when(w >= DREM)
    def _():
        pltpu.sync_copy(eic_hbm.at[pl.ds(gstart, DTPW)],
                        idxbuf.at[pl.ds(0, DTPW)])

    ones = jnp.ones((16,), jnp.float32)

    def body(t, carry):
        for k in range(CHUNK // 16):
            idx = idxbuf[t, 1, pl.ds(k * 16, 16)]
            plsc.addupdate_scatter(acc, [idx], ones)
        return carry

    lax.fori_loop(0, ndt, body, 0)
    pltpu.sync_copy(acc, out_hbm.at[w])


_deg_call = pl.kernel(
    _deg_body,
    out_type=jax.ShapeDtypeStruct((NW, N), jnp.float32),
    mesh=plsc.VectorSubcoreMesh(**_MESH),
    compiler_params=_SC_PARAMS,
    scratch_types=[
        pltpu.VMEM((DMAXT, 2, CHUNK), jnp.int32),
        pltpu.VMEM((N,), jnp.float32),
    ],
)


HALF = NCH // NC
TPW = HALF // NS
TREM = HALF % NS
MAXT = TPW + 1


def _make_agg_body(d, nbuf, wave, async_scatter=False, interleave_out=False,
                   halfrow_table=False):
    tpw = (NCH if halfrow_table else HALF) // NS
    trem = (NCH if halfrow_table else HALF) % NS
    maxt = tpw + 1
    waves = []
    base = 0
    while base < maxt:
        waves.append((base, min(wave, maxt - base), min(wave, tpw - base)))
        base += wave

    def _agg_body(table_hbm, eic_hbm, zeros_hbm, out_hbm,
                  accum, idx, rows, gsems, ssems):
        c = lax.axis_index("c")
        s = lax.axis_index("s")

        off = pl.multiple_of(s * RPT, 8)
        pltpu.sync_copy(zeros_hbm.at[pl.ds(off, RPT)],
                        accum.at[pl.ds(off, RPT)])

        @pl.when(s == NS - 1)
        def _():
            pltpu.sync_copy(zeros_hbm.at[pl.ds(TAIL0, TAILN)],
                            accum.at[pl.ds(TAIL0, TAILN)])

        plsc.subcore_barrier()

        gstart = (0 if halfrow_table else c * HALF) \
            + s * tpw + jnp.minimum(s, trem)
        nt = jnp.where(s < trem, maxt, tpw)

        for wbase, wlong, wshort in waves:
            @pl.when(s < trem)
            def _():
                pltpu.sync_copy(eic_hbm.at[pl.ds(gstart + wbase, wlong)],
                                idx.at[pl.ds(0, wlong)])

            if wshort > 0:
                @pl.when(s >= trem)
                def _():
                    pltpu.sync_copy(
                        eic_hbm.at[pl.ds(gstart + wbase, wshort)],
                        idx.at[pl.ds(0, wshort)])

            wn = jnp.clip(nt - wbase, 0, wlong)

            if halfrow_table:
                def xform(t, carry):
                    for k in range(CHUNK // 16):
                        sl = pl.ds(k * 16, 16)
                        idx[t, 0, sl] = idx[t, 0, sl] * 2 + c
                    return carry

                lax.fori_loop(0, wn, xform, 0)

            if async_scatter:
                pltpu.async_copy(table_hbm.at[idx.at[0, 0]],
                                 rows.at[0], gsems.at[0])

                def inner(ci, carry):
                    for b in range(nbuf):
                        o = 1 - b

                        @pl.when((ci % nbuf == b) & (ci < wn))
                        def _():
                            pltpu.make_async_copy(
                                table_hbm.at[idx.at[b, 0]], rows.at[b],
                                gsems.at[b]).wait()
                            pltpu.async_copy(rows.at[b],
                                             accum.at[idx.at[ci, 1]],
                                             ssems.at[b], add=True)

                            @pl.when(ci + 1 < wn)
                            def _():
                                @pl.when(ci >= 1)
                                def _():
                                    pltpu.make_async_copy(
                                        rows.at[o],
                                        accum.at[idx.at[ci, 1]],
                                        ssems.at[o]).wait()

                                pltpu.async_copy(
                                    table_hbm.at[idx.at[ci + 1, 0]],
                                    rows.at[o], gsems.at[o])

                    return carry

                lax.fori_loop(0, wlong, inner, 0)

                for b in range(nbuf):
                    @pl.when(b < wn)
                    def _():
                        pltpu.make_async_copy(
                            rows.at[b], accum.at[idx.at[0, 1]],
                            ssems.at[b]).wait()
            else:
                for b in range(nbuf):
                    @pl.when(b < wn)
                    def _():
                        pltpu.async_copy(table_hbm.at[idx.at[b, 0]],
                                         rows.at[b], gsems.at[b])

                def inner(g, carry):
                    for b in range(nbuf):
                        ci = g * nbuf + b

                        @pl.when(ci < wn)
                        def _():
                            pltpu.make_async_copy(
                                table_hbm.at[idx.at[b, 0]], rows.at[b],
                                gsems.at[b]).wait()
                            pltpu.sync_copy(rows.at[b],
                                            accum.at[idx.at[ci, 1]],
                                            add=True)

                            @pl.when(ci + nbuf < wn)
                            def _():
                                pltpu.async_copy(
                                    table_hbm.at[idx.at[ci + nbuf, 0]],
                                    rows.at[b], gsems.at[b])

                    return carry

                lax.fori_loop(0, (wlong + nbuf - 1) // nbuf, inner, 0)

        plsc.subcore_barrier()
        if interleave_out:
            pltpu.sync_copy(accum.at[pl.ds(off, RPT)],
                            out_hbm.at[pl.ds(off, RPT), pl.ds(c * d, d)])

            @pl.when(s == NS - 1)
            def _():
                pltpu.sync_copy(
                    accum.at[pl.ds(TAIL0, TAILN)],
                    out_hbm.at[pl.ds(TAIL0, TAILN), pl.ds(c * d, d)])
        else:
            pltpu.sync_copy(accum.at[pl.ds(off, RPT)],
                            out_hbm.at[c, pl.ds(off, RPT)])

            @pl.when(s == NS - 1)
            def _():
                pltpu.sync_copy(accum.at[pl.ds(TAIL0, TAILN)],
                                out_hbm.at[c, pl.ds(TAIL0, TAILN)])

    return _agg_body


def _make_agg(d, nbuf, wave, async_scatter=False, interleave_out=False,
              halfrow_table=False):
    out_shape = (N, NC * d) if interleave_out else (NC, N, d)
    return pl.kernel(
        _make_agg_body(d, nbuf, wave, async_scatter, interleave_out,
                       halfrow_table),
        out_type=jax.ShapeDtypeStruct(out_shape, jnp.float32),
        mesh=plsc.VectorSubcoreMesh(**_MESH),
        compiler_params=_SC_PARAMS,
        scratch_types=[
            pltpu.VMEM_SHARED((N, d), jnp.float32),
            pltpu.VMEM((wave, 2, CHUNK), jnp.int32),
            pltpu.VMEM((nbuf, CHUNK, d), jnp.float32),
            pltpu.SemaphoreType.DMA((nbuf,)),
            pltpu.SemaphoreType.DMA((nbuf,)),
        ],
    )


_agg_hid = _make_agg(D_HID // NC, 4, NCH // NS + 1,
                     interleave_out=True, halfrow_table=True)
_agg_out = _make_agg(D_OUT, 4, MAXT, interleave_out=True)


def _tc1_body(x_ref, w1i_ref, w1r_ref, b1_ref, degp_ref,
              h0s_ref, root1_ref, dinv_ref):
    x = x_ref[...]
    deg = jnp.sum(degp_ref[...], axis=0)
    dinv = jnp.where(deg > 0, lax.rsqrt(jnp.maximum(deg, 1.0)), 0.0)
    h0 = jnp.dot(x, w1i_ref[...], preferred_element_type=jnp.float32)
    h0s_ref[...] = h0 * dinv[:, None]
    root1_ref[...] = (
        jnp.dot(x, w1r_ref[...], preferred_element_type=jnp.float32)
        + b1_ref[...][None, :]
    )
    dinv_ref[...] = dinv


def _tc1_call(x, w1i, w1r, b1, deg_parts):
    return pl.pallas_call(
        _tc1_body,
        out_shape=[
            jax.ShapeDtypeStruct((N, D_HID), jnp.float32),
            jax.ShapeDtypeStruct((N, D_HID), jnp.float32),
            jax.ShapeDtypeStruct((N,), jnp.float32),
        ],
    )(x, w1i, w1r, b1, deg_parts)


def _tc2_body(agg_ref, root1_ref, dinv_ref, w2i_ref, w2r_ref, b2_ref,
              h1s_ref, root2_ref):
    agg = agg_ref[...]
    dinv = dinv_ref[...]
    out1 = jnp.maximum(agg * dinv[:, None] + root1_ref[...], 0.0)
    h1 = jnp.dot(out1, w2i_ref[...], preferred_element_type=jnp.float32)
    h1s_ref[...] = h1 * dinv[:, None]
    root2_ref[...] = (
        jnp.dot(out1, w2r_ref[...], preferred_element_type=jnp.float32)
        + b2_ref[...][None, :]
    )


def _tc2_call(agg, root1, dinv, w2i, w2r, b2):
    return pl.pallas_call(
        _tc2_body,
        out_shape=[
            jax.ShapeDtypeStruct((N, D_OUT), jnp.float32),
            jax.ShapeDtypeStruct((N, D_OUT), jnp.float32),
        ],
    )(agg, root1, dinv, w2i, w2r, b2)


def _tc3_body(agg_ref, root2_ref, dinv_ref, out_ref):
    agg = agg_ref[:, :D_OUT] + agg_ref[:, D_OUT:]
    out_ref[...] = jnp.maximum(
        agg * dinv_ref[...][:, None] + root2_ref[...], 0.0)


def _tc3_call(agg, root2, dinv):
    return pl.pallas_call(
        _tc3_body,
        out_shape=jax.ShapeDtypeStruct((N, D_OUT), jnp.float32),
    )(agg, root2, dinv)


def kernel(x, edge_index, W1_init, W1_root, b1, W2_init, W2_root, b2):
    eic = edge_index.reshape(2, NCH, CHUNK).transpose(1, 0, 2)
    zeros_hid = jnp.zeros((N, D_HID // NC), jnp.float32)
    zeros_out = jnp.zeros((N, D_OUT), jnp.float32)

    deg_parts = _deg_call(eic)
    h0s, root1, dinv = _tc1_call(x, W1_init, W1_root, b1, deg_parts)
    agg1 = _agg_hid(h0s.reshape(NC * N, D_HID // NC), eic, zeros_hid)
    h1s, root2 = _tc2_call(agg1, root1, dinv, W2_init, W2_root, b2)
    agg2 = _agg_out(h1s, eic, zeros_out)
    return _tc3_call(agg2, root2, dinv)

# --- scband reference (transcript-rebuilt; emitter-appended) ---
"""Pipeline reference for scband-bi-arma-53996328845506 (READ-ONLY COPY).

The authoritative reference and input builder live on the scoring server;
editing this copy changes nothing except your own understanding.
"""

import jax, jax.numpy as jnp
import numpy as np

N = 10000
E = 320000
D_IN = 128
D_HID = 128
D_OUT = 64


def setup_inputs(seed: int = 0) -> dict:
    key = jax.random.key(seed)
    ks = jax.random.split(key, 8)
    x = jax.random.normal(ks[0], (N, D_IN), dtype=jnp.float32)
    edge_index = jax.random.randint(ks[1], (2, E), 0, N, dtype=jnp.int32)
    # ARMAConv params (num_stacks=1, num_layers=1, shared_weights=True)
    # conv1: init_weight [D_IN, D_HID], root_weight [D_IN, D_HID], bias [D_HID]
    s1 = 1.0 / np.sqrt(D_IN)
    W1_init = jax.random.normal(ks[2], (D_IN, D_HID), dtype=jnp.float32) * s1
    W1_root = jax.random.normal(ks[3], (D_IN, D_HID), dtype=jnp.float32) * s1
    b1 = jnp.zeros((D_HID,), dtype=jnp.float32)
    # conv2: init_weight [D_HID, D_OUT], root_weight [D_HID, D_OUT], bias [D_OUT]
    s2 = 1.0 / np.sqrt(D_HID)
    W2_init = jax.random.normal(ks[4], (D_HID, D_OUT), dtype=jnp.float32) * s2
    W2_root = jax.random.normal(ks[5], (D_HID, D_OUT), dtype=jnp.float32) * s2
    b2 = jnp.zeros((D_OUT,), dtype=jnp.float32)
    return {
        "x": x,
        "edge_index": edge_index,
        "W1_init": W1_init,
        "W1_root": W1_root,
        "b1": b1,
        "W2_init": W2_init,
        "W2_root": W2_root,
        "b2": b2,
    }


def reference(x, edge_index, W1_init, W1_root, b1, W2_init, W2_root, b2):
    # Eval mode: dropout is identity.
    row = edge_index[0]
    col = edge_index[1]
    # gcn_norm without self-loops (as in PyG ARMAConv)
    ones = jnp.ones((E,), dtype=x.dtype)
    deg = jnp.zeros((N,), dtype=x.dtype).at[col].add(ones)
    dinv = jnp.where(deg > 0, 1.0 / jnp.sqrt(jnp.where(deg > 0, deg, 1.0)), 0.0)
    norm = dinv[row] * dinv[col]

    def arma_conv(h, Wi, Wr, b):
        # T=1, K=1, shared weights; act = ReLU (PyG default)
        out = h @ Wi
        msg = norm[:, None] * out[row]
        agg = jnp.zeros((N, out.shape[1]), dtype=h.dtype).at[col].add(msg)
        out = agg + h @ Wr + b
        return jax.nn.relu(out)  # mean over 1 stack is identity

    h = jax.nn.relu(arma_conv(x, W1_init, W1_root, b1))
    # F.dropout in eval mode -> identity
    return arma_conv(h, W2_init, W2_root, b2)

if __name__ == "__main__":
    import jax
    _d = setup_inputs()
    print(jax.jit(kernel)(*tuple(_d.values())))

</pallas_src>

<mosaic_0001>
#map = affine_map<(d0, d1) -> (0, 0)>
#map1 = affine_map<(d0, d1) -> (0, 0, 0)>
module attributes {stable_mosaic.version = 14 : i64} {
  func.func @_agg_body(%arg0: i32, %arg1: i32, %arg2: memref<20000x64xf32, #tpu.memory_space<hbm>>, %arg3: memref<2500x2x128xi32, #tpu.memory_space<hbm>>, %arg4: memref<10000x64xf32, #tpu.memory_space<hbm>>, %arg5: memref<10000x128xf32, #tpu.memory_space<hbm>>, %arg6: memref<10000x64xf32, #tpu.memory_space<vmem_shared>>, %arg7: memref<157x2x128xi32, #tpu.memory_space<vmem>>, %arg8: memref<4x128x64xf32, #tpu.memory_space<vmem>>, %arg9: memref<4x!tpu.dma_semaphore, #tpu.memory_space<semaphore_mem>>, %arg10: memref<4x!tpu.dma_semaphore, #tpu.memory_space<semaphore_mem>>) attributes {dimension_semantics = [#tpu.dimension_semantics<core_parallel>, #tpu.dimension_semantics<subcore_parallel>], iteration_bounds = array<i64: 2, 16>, scalar_prefetch = 0 : i64, scratch_operands = 5 : i64, tpu.core_type = #tpu.core_type<sc_vector_subcore>, window_params = [{transform_indices = #map}, {transform_indices = #map1}, {transform_indices = #map}, {transform_indices = #map}]} {
    %mul3A = arith.constant 624 : i32
    %mul3A_0 = arith.muli %arg1, %mul3A : i32
    %multiple_of3A = tpu.assume_multiple %mul3A_0, 8 : i32
    "tpu.region"() ({
      %run_scoped3A = tpu.sem_alloc : memref<!tpu.dma_semaphore, #tpu.memory_space<semaphore_mem>>
      %dma_start3A = arith.constant 0 : i32
      %dma_start3A_64 = tpu.memref_slice %arg6[%multiple_of3A, %dma_start3A] : memref<10000x64xf32, #tpu.memory_space<vmem_shared>> -> memref<624x64xf32, #tpu.memory_space<vmem_shared>>
      %dma_start3A_65 = arith.constant 0 : i32
      %dma_start3A_66 = tpu.memref_slice %arg4[%multiple_of3A, %dma_start3A_65] : memref<10000x64xf32, #tpu.memory_space<hbm>> -> memref<624x64xf32, #tpu.memory_space<hbm>>
      tpu.enqueue_dma source(%dma_start3A_66 : memref<624x64xf32, #tpu.memory_space<hbm>>) target(%dma_start3A_64 : memref<624x64xf32, #tpu.memory_space<vmem_shared>>) target_semaphore(%run_scoped3A : memref<!tpu.dma_semaphore, #tpu.memory_space<semaphore_mem>>)
      %dma_wait3A = arith.constant 0 : i32
      %dma_wait3A_67 = tpu.memref_slice %arg6[%multiple_of3A, %dma_wait3A] : memref<10000x64xf32, #tpu.memory_space<vmem_shared>> -> memref<624x64xf32, #tpu.memory_space<vmem_shared>>
      %dma_wait3A_68 = arith.constant 0 : i32
      %dma_wait3A_69 = tpu.memref_slice %arg4[%multiple_of3A, %dma_wait3A_68] : memref<10000x64xf32, #tpu.memory_space<hbm>> -> memref<624x64xf32, #tpu.memory_space<hbm>>
      tpu.wait_dma2 semaphore(%run_scoped3A : memref<!tpu.dma_semaphore, #tpu.memory_space<semaphore_mem>>) src(%dma_wait3A_69 : memref<624x64xf32, #tpu.memory_space<hbm>>) dst(%dma_wait3A_67 : memref<624x64xf32, #tpu.memory_space<vmem_shared>>)
      tpu.yield
    }) : () -> ()
    %eq3A = arith.constant 15 : i32
    %eq3A_1 = arith.cmpi eq, %arg1, %eq3A : i32
    %convert_element_type3A = arith.extui %eq3A_1 : i1 to i32
    %cond3A = arith.constant 0 : i32
    %cond3A_2 = arith.cmpi ne, %convert_element_type3A, %cond3A : i32
    scf.if %cond3A_2 {
      "tpu.region"() ({
        %run_scoped3A = tpu.sem_alloc : memref<!tpu.dma_semaphore, #tpu.memory_space<semaphore_mem>>
        %dma_start3A = arith.constant 9984 : i32
        %dma_start3A_64 = arith.constant 0 : i32
        %dma_start3A_65 = tpu.memref_slice %arg6[%dma_start3A, %dma_start3A_64] : memref<10000x64xf32, #tpu.memory_space<vmem_shared>> -> memref<16x64xf32, #tpu.memory_space<vmem_shared>>
        %dma_start3A_66 = arith.constant 9984 : i32
        %dma_start3A_67 = arith.constant 0 : i32
        %dma_start3A_68 = tpu.memref_slice %arg4[%dma_start3A_66, %dma_start3A_67] : memref<10000x64xf32, #tpu.memory_space<hbm>> -> memref<16x64xf32, #tpu.memory_space<hbm>>
        tpu.enqueue_dma source(%dma_start3A_68 : memref<16x64xf32, #tpu.memory_space<hbm>>) target(%dma_start3A_65 : memref<16x64xf32, #tpu.memory_space<vmem_shared>>) target_semaphore(%run_scoped3A : memref<!tpu.dma_semaphore, #tpu.memory_space<semaphore_mem>>)
        %dma_wait3A = arith.constant 9984 : i32
        %dma_wait3A_69 = arith.constant 0 : i32
        %dma_wait3A_70 = tpu.memref_slice %arg6[%dma_wait3A, %dma_wait3A_69] : memref<10000x64xf32, #tpu.memory_space<vmem_shared>> -> memref<16x64xf32, #tpu.memory_space<vmem_shared>>
        %dma_wait3A_71 = arith.constant 9984 : i32
        %dma_wait3A_72 = arith.constant 0 : i32
        %dma_wait3A_73 = tpu.memref_slice %arg4[%dma_wait3A_71, %dma_wait3A_72] : memref<10000x64xf32, #tpu.memory_space<hbm>> -> memref<16x64xf32, #tpu.memory_space<hbm>>
        tpu.wait_dma2 semaphore(%run_scoped3A : memref<!tpu.dma_semaphore, #tpu.memory_space<semaphore_mem>>) src(%dma_wait3A_73 : memref<16x64xf32, #tpu.memory_space<hbm>>) dst(%dma_wait3A_70 : memref<16x64xf32, #tpu.memory_space<vmem_shared>>)
        tpu.yield
      }) : () -> ()
    } else {
    }
    %barrier3A = arith.constant 0 : index
    tpu.barrier barrier_id(%barrier3A)
    %mul3A_3 = arith.constant 156 : i32
    %mul3A_4 = arith.muli %arg1, %mul3A_3 : i32
    %add3A = arith.constant 0 : i32
    %add3A_5 = arith.addi %add3A, %mul3A_4 : i32
    %min3A = arith.constant 4 : i32
    %min3A_6 = arith.minsi %arg1, %min3A : i32
    %add3A_7 = arith.addi %add3A_5, %min3A_6 : i32
    %lt3A = arith.constant 4 : i32
    %lt3A_8 = arith.cmpi slt, %arg1, %lt3A : i32
    %jit3A = arith.constant 157 : i32
    %jit3A_9 = arith.constant 156 : i32
    %select_n3A = arith.select %lt3A_8, %jit3A, %jit3A_9 : i32
    %lt3A_10 = arith.constant 4 : i32
    %lt3A_11 = arith.cmpi slt, %arg1, %lt3A_10 : i32
    %convert_element_type3A_12 = arith.extui %lt3A_11 : i1 to i32
    %cond3A_13 = arith.constant 0 : i32
    %cond3A_14 = arith.cmpi ne, %convert_element_type3A_12, %cond3A_13 : i32
    scf.if %cond3A_14 {
      %add3A_64 = arith.constant 0 : i32
      %add3A_65 = arith.addi %add3A_7, %add3A_64 : i32
      "tpu.region"() ({
        %run_scoped3A = tpu.sem_alloc : memref<!tpu.dma_semaphore, #tpu.memory_space<semaphore_mem>>
        %dma_start3A = arith.constant 0 : i32
        %dma_start3A_66 = arith.constant 0 : i32
        %dma_start3A_67 = arith.constant 0 : i32
        %dma_start3A_68 = tpu.memref_slice %arg7[%dma_start3A, %dma_start3A_66, %dma_start3A_67] : memref<157x2x128xi32, #tpu.memory_space<vmem>> -> memref<157x2x128xi32, #tpu.memory_space<vmem>>
        %dma_start3A_69 = arith.constant 0 : i32
        %dma_start3A_70 = arith.constant 0 : i32
        %dma_start3A_71 = tpu.memref_slice %arg3[%add3A_65, %dma_start3A_69, %dma_start3A_70] : memref<2500x2x128xi32, #tpu.memory_space<hbm>> -> memref<157x2x128xi32, #tpu.memory_space<hbm>>
        %dma_start3A_72 = arith.constant 0 : i32
        %dma_start3A_73 = arith.constant 0 : i32
        %dma_start3A_74 = arith.constant 0 : i32
        %dma_start3A_75 = tpu.memref_slice %arg7[%dma_start3A_72, %dma_start3A_73, %dma_start3A_74] : memref<157x2x128xi32, #tpu.memory_space<vmem>> -> memref<157x2x128xi32, #tpu.memory_space<vmem>>
        %dma_start3A_76 = arith.constant 0 : i32
        %dma_start3A_77 = arith.constant 0 : i32
        %dma_start3A_78 = tpu.memref_slice %arg3[%add3A_65, %dma_start3A_76, %dma_start3A_77] : memref<2500x2x128xi32, #tpu.memory_space<hbm>> -> memref<157x2x128xi32, #tpu.memory_space<hbm>>
        tpu.enqueue_dma source(%dma_start3A_78 : memref<157x2x128xi32, #tpu.memory_space<hbm>>) target(%dma_start3A_75 : memref<157x2x128xi32, #tpu.memory_space<vmem>>) target_semaphore(%run_scoped3A : memref<!tpu.dma_semaphore, #tpu.memory_space<semaphore_mem>>)
        %dma_wait3A = arith.constant 0 : i32
        %dma_wait3A_79 = arith.constant 0 : i32
        %dma_wait3A_80 = arith.constant 0 : i32
        %dma_wait3A_81 = tpu.memref_slice %arg7[%dma_wait3A, %dma_wait3A_79, %dma_wait3A_80] : memref<157x2x128xi32, #tpu.memory_space<vmem>> -> memref<157x2x128xi32, #tpu.memory_space<vmem>>
        %dma_wait3A_82 = arith.constant 0 : i32
        %dma_wait3A_83 = arith.constant 0 : i32
        %dma_wait3A_84 = tpu.memref_slice %arg3[%add3A_65, %dma_wait3A_82, %dma_wait3A_83] : memref<2500x2x128xi32, #tpu.memory_space<hbm>> -> memref<157x2x128xi32, #tpu.memory_space<hbm>>
        %dma_wait3A_85 = arith.constant 0 : i32
        %dma_wait3A_86 = arith.constant 0 : i32
        %dma_wait3A_87 = arith.constant 0 : i32
        %dma_wait3A_88 = tpu.memref_slice %arg7[%dma_wait3A_85, %dma_wait3A_86, %dma_wait3A_87] : memref<157x2x128xi32, #tpu.memory_space<vmem>> -> memref<157x2x128xi32, #tpu.memory_space<vmem>>
        %dma_wait3A_89 = arith.constant 0 : i32
        %dma_wait3A_90 = arith.constant 0 : i32
        %dma_wait3A_91 = tpu.memref_slice %arg3[%add3A_65, %dma_wait3A_89, %dma_wait3A_90] : memref<2500x2x128xi32, #tpu.memory_space<hbm>> -> memref<157x2x128xi32, #tpu.memory_space<hbm>>
        tpu.wait_dma2 semaphore(%run_scoped3A : memref<!tpu.dma_semaphore, #tpu.memory_space<semaphore_mem>>) src(%dma_wait3A_91 : memref<157x2x128xi32, #tpu.memory_space<hbm>>) dst(%dma_wait3A_88 : memref<157x2x128xi32, #tpu.memory_space<vmem>>)
        tpu.yield
      }) : () -> ()
    } else {
    }
    %ge3A = arith.constant 4 : i32
    %ge3A_15 = arith.cmpi sge, %arg1, %ge3A : i32
    %convert_element_type3A_16 = arith.extui %ge3A_15 : i1 to i32
    %cond3A_17 = arith.constant 0 : i32
    %cond3A_18 = arith.cmpi ne, %convert_element_type3A_16, %cond3A_17 : i32
    scf.if %cond3A_18 {
      %add3A_64 = arith.constant 0 : i32
      %add3A_65 = arith.addi %add3A_7, %add3A_64 : i32
      "tpu.region"() ({
        %run_scoped3A = tpu.sem_alloc : memref<!tpu.dma_semaphore, #tpu.memory_space<semaphore_mem>>
        %dma_start3A = arith.constant 0 : i32
        %dma_start3A_66 = arith.constant 0 : i32
        %dma_start3A_67 = arith.constant 0 : i32
        %dma_start3A_68 = tpu.memref_slice %arg7[%dma_start3A, %dma_start3A_66, %dma_start3A_67] : memref<157x2x128xi32, #tpu.memory_space<vmem>> -> memref<156x2x128xi32, #tpu.memory_space<vmem>>
        %dma_start3A_69 = arith.constant 0 : i32
        %dma_start3A_70 = arith.constant 0 : i32
        %dma_start3A_71 = tpu.memref_slice %arg3[%add3A_65, %dma_start3A_69, %dma_start3A_70] : memref<2500x2x128xi32, #tpu.memory_space<hbm>> -> memref<156x2x128xi32, #tpu.memory_space<hbm>>
        %dma_start3A_72 = arith.constant 0 : i32
        %dma_start3A_73 = arith.constant 0 : i32
        %dma_start3A_74 = arith.constant 0 : i32
        %dma_start3A_75 = tpu.memref_slice %arg7[%dma_start3A_72, %dma_start3A_73, %dma_start3A_74] : memref<157x2x128xi32, #tpu.memory_space<vmem>> -> memref<156x2x128xi32, #tpu.memory_space<vmem>>
        %dma_start3A_76 = arith.constant 0 : i32
        %dma_start3A_77 = arith.constant 0 : i32
        %dma_start3A_78 = tpu.memref_slice %arg3[%add3A_65, %dma_start3A_76, %dma_start3A_77] : memref<2500x2x128xi32, #tpu.memory_space<hbm>> -> memref<156x2x128xi32, #tpu.memory_space<hbm>>
        tpu.enqueue_dma source(%dma_start3A_78 : memref<156x2x128xi32, #tpu.memory_space<hbm>>) target(%dma_start3A_75 : memref<156x2x128xi32, #tpu.memory_space<vmem>>) target_semaphore(%run_scoped3A : memref<!tpu.dma_semaphore, #tpu.memory_space<semaphore_mem>>)
        %dma_wait3A = arith.constant 0 : i32
        %dma_wait3A_79 = arith.constant 0 : i32
        %dma_wait3A_80 = arith.constant 0 : i32
        %dma_wait3A_81 = tpu.memref_slice %arg7[%dma_wait3A, %dma_wait3A_79, %dma_wait3A_80] : memref<157x2x128xi32, #tpu.memory_space<vmem>> -> memref<156x2x128xi32, #tpu.memory_space<vmem>>
        %dma_wait3A_82 = arith.constant 0 : i32
        %dma_wait3A_83 = arith.constant 0 : i32
        %dma_wait3A_84 = tpu.memref_slice %arg3[%add3A_65, %dma_wait3A_82, %dma_wait3A_83] : memref<2500x2x128xi32, #tpu.memory_space<hbm>> -> memref<156x2x128xi32, #tpu.memory_space<hbm>>
        %dma_wait3A_85 = arith.constant 0 : i32
        %dma_wait3A_86 = arith.constant 0 : i32
        %dma_wait3A_87 = arith.constant 0 : i32
        %dma_wait3A_88 = tpu.memref_slice %arg7[%dma_wait3A_85, %dma_wait3A_86, %dma_wait3A_87] : memref<157x2x128xi32, #tpu.memory_space<vmem>> -> memref<156x2x128xi32, #tpu.memory_space<vmem>>
        %dma_wait3A_89 = arith.constant 0 : i32
        %dma_wait3A_90 = arith.constant 0 : i32
        %dma_wait3A_91 = tpu.memref_slice %arg3[%add3A_65, %dma_wait3A_89, %dma_wait3A_90] : memref<2500x2x128xi32, #tpu.memory_space<hbm>> -> memref<156x2x128xi32, #tpu.memory_space<hbm>>
        tpu.wait_dma2 semaphore(%run_scoped3A : memref<!tpu.dma_semaphore, #tpu.memory_space<semaphore_mem>>) src(%dma_wait3A_91 : memref<156x2x128xi32, #tpu.memory_space<hbm>>) dst(%dma_wait3A_88 : memref<156x2x128xi32, #tpu.memory_space<vmem>>)
        tpu.yield
      }) : () -> ()
    } else {
    }
    %sub3A = arith.constant 0 : i32
    %sub3A_19 = arith.subi %select_n3A, %sub3A : i32
    %jit3A_20 = arith.constant 0 : i32
    %jit3A_21 = arith.constant 157 : i32
    %max3A = arith.maxsi %jit3A_20, %sub3A_19 : i32
    %min3A_22 = arith.minsi %jit3A_21, %max3A : i32
    %while3A = arith.constant 0 : i32
    %while3A_23 = arith.constant 0 : i32
    %while3A_24 = arith.subi %min3A_22, %while3A_23 : i32
    %while3A_25 = arith.addi %while3A_23, %while3A_24 : i32
    %while3A_26 = arith.constant 1 : i32
    %while3A_27 = arith.divsi %while3A_24, %while3A_26 : i32
    %while3A_28 = arith.muli %while3A_27, %while3A_26 : i32
    %while3A_29 = arith.addi %while3A_23, %while3A_28 : i32
    %while3A_30 = arith.constant 1 : i32
    scf.for %while3A_64 = %while3A_23 to %while3A_29 step %while3A_30  : i32 {
      %get3A = arith.constant 0 : i32
      %get3A_65 = arith.index_cast %while3A_64 : i32 to index
      %get3A_66 = arith.index_cast %get3A : i32 to index
      %get3A_67 = arith.constant 0 : index
      %get3A_68 = tpu.vector_load %arg7[%get3A_65, %get3A_66, %get3A_67] {strides = array<i32>} : memref<157x2x128xi32, #tpu.memory_space<vmem>>, vector<16xi32>,
      %mul3A_69 = arith.constant 2 : i32
      %mul3A_70 = vector.broadcast %mul3A_69 : i32 to vector<16xi32>
      %mul3A_71 = arith.muli %get3A_68, %mul3A_70 : vector<16xi32>
      %add3A_72 = vector.broadcast %arg0 : i32 to vector<16xi32>
      %add3A_73 = arith.addi %mul3A_71, %add3A_72 : vector<16xi32>
      %swap3A = arith.constant 0 : i32
      %swap3A_74 = arith.index_cast %while3A_64 : i32 to index
      %swap3A_75 = arith.index_cast %swap3A : i32 to index
      %swap3A_76 = arith.constant 0 : index
      %swap3A_77 = tpu.vector_load %arg7[%swap3A_74, %swap3A_75, %swap3A_76] {strides = array<i32>} : memref<157x2x128xi32, #tpu.memory_space<vmem>>, vector<16xi32>,
      tpu.vector_store %arg7[%swap3A_74, %swap3A_75, %swap3A_76], %add3A_73 {strides = array<i32>} : memref<157x2x128xi32, #tpu.memory_space<vmem>>, vector<16xi32>,
      %get3A_78 = arith.constant 0 : i32
      %get3A_79 = arith.index_cast %while3A_64 : i32 to index
      %get3A_80 = arith.index_cast %get3A_78 : i32 to index
      %get3A_81 = arith.constant 16 : index
      %get3A_82 = tpu.vector_load %arg7[%get3A_79, %get3A_80, %get3A_81] {strides = array<i32>} : memref<157x2x128xi32, #tpu.memory_space<vmem>>, vector<16xi32>,
      %mul3A_83 = arith.constant 2 : i32
      %mul3A_84 = vector.broadcast %mul3A_83 : i32 to vector<16xi32>
      %mul3A_85 = arith.muli %get3A_82, %mul3A_84 : vector<16xi32>
      %add3A_86 = vector.broadcast %arg0 : i32 to vector<16xi32>
      %add3A_87 = arith.addi %mul3A_85, %add3A_86 : vector<16xi32>
      %swap3A_88 = arith.constant 0 : i32
      %swap3A_89 = arith.index_cast %while3A_64 : i32 to index
      %swap3A_90 = arith.index_cast %swap3A_88 : i32 to index
      %swap3A_91 = arith.constant 16 : index
      %swap3A_92 = tpu.vector_load %arg7[%swap3A_89, %swap3A_90, %swap3A_91] {strides = array<i32>} : memref<157x2x128xi32, #tpu.memory_space<vmem>>, vector<16xi32>,
      tpu.vector_store %arg7[%swap3A_89, %swap3A_90, %swap3A_91], %add3A_87 {strides = array<i32>} : memref<157x2x128xi32, #tpu.memory_space<vmem>>, vector<16xi32>,
      %get3A_93 = arith.constant 0 : i32
      %get3A_94 = arith.index_cast %while3A_64 : i32 to index
      %get3A_95 = arith.index_cast %get3A_93 : i32 to index
      %get3A_96 = arith.constant 32 : index
      %get3A_97 = tpu.vector_load %arg7[%get3A_94, %get3A_95, %get3A_96] {strides = array<i32>} : memref<157x2x128xi32, #tpu.memory_space<vmem>>, vector<16xi32>,
      %mul3A_98 = arith.constant 2 : i32
      %mul3A_99 = vector.broadcast %mul3A_98 : i32 to vector<16xi32>
      %mul3A_100 = arith.muli %get3A_97, %mul3A_99 : vector<16xi32>
      %add3A_101 = vector.broadcast %arg0 : i32 to vector<16xi32>
      %add3A_102 = arith.addi %mul3A_100, %add3A_101 : vector<16xi32>
      %swap3A_103 = arith.constant 0 : i32
      %swap3A_104 = arith.index_cast %while3A_64 : i32 to index
      %swap3A_105 = arith.index_cast %swap3A_103 : i32 to index
      %swap3A_106 = arith.constant 32 : index
      %swap3A_107 = tpu.vector_load %arg7[%swap3A_104, %swap3A_105, %swap3A_106] {strides = array<i32>} : memref<157x2x128xi32, #tpu.memory_space<vmem>>, vector<16xi32>,
      tpu.vector_store %arg7[%swap3A_104, %swap3A_105, %swap3A_106], %add3A_102 {strides = array<i32>} : memref<157x2x128xi32, #tpu.memory_space<vmem>>, vector<16xi32>,
      %get3A_108 = arith.constant 0 : i32
      %get3A_109 = arith.index_cast %while3A_64 : i32 to index
      %get3A_110 = arith.index_cast %get3A_108 : i32 to index
      %get3A_111 = arith.constant 48 : index
      %get3A_112 = tpu.vector_load %arg7[%get3A_109, %get3A_110, %get3A_111] {strides = array<i32>} : memref<157x2x128xi32, #tpu.memory_space<vmem>>, vector<16xi32>,
      %mul3A_113 = arith.constant 2 : i32
      %mul3A_114 = vector.broadcast %mul3A_113 : i32 to vector<16xi32>
      %mul3A_115 = arith.muli %get3A_112, %mul3A_114 : vector<16xi32>
      %add3A_116 = vector.broadcast %arg0 : i32 to vector<16xi32>
      %add3A_117 = arith.addi %mul3A_115, %add3A_116 : vector<16xi32>
      %swap3A_118 = arith.constant 0 : i32
      %swap3A_119 = arith.index_cast %while3A_64 : i32 to index
      %swap3A_120 = arith.index_cast %swap3A_118 : i32 to index
      %swap3A_121 = arith.constant 48 : index
      %swap3A_122 = tpu.vector_load %arg7[%swap3A_119, %swap3A_120, %swap3A_121] {strides = array<i32>} : memref<157x2x128xi32, #tpu.memory_space<vmem>>, vector<16xi32>,
      tpu.vector_store %arg7[%swap3A_119, %swap3A_120, %swap3A_121], %add3A_117 {strides = array<i32>} : memref<157x2x128xi32, #tpu.memory_space<vmem>>, vector<16xi32>,
      %get3A_123 = arith.constant 0 : i32
      %get3A_124 = arith.index_cast %while3A_64 : i32 to index
      %get3A_125 = arith.index_cast %get3A_123 : i32 to index
      %get3A_126 = arith.constant 64 : index
      %get3A_127 = tpu.vector_load %arg7[%get3A_124, %get3A_125, %get3A_126] {strides = array<i32>} : memref<157x2x128xi32, #tpu.memory_space<vmem>>, vector<16xi32>,
      %mul3A_128 = arith.constant 2 : i32
      %mul3A_129 = vector.broadcast %mul3A_128 : i32 to vector<16xi32>
      %mul3A_130 = arith.muli %get3A_127, %mul3A_129 : vector<16xi32>
      %add3A_131 = vector.broadcast %arg0 : i32 to vector<16xi32>
      %add3A_132 = arith.addi %mul3A_130, %add3A_131 : vector<16xi32>
      %swap3A_133 = arith.constant 0 : i32
      %swap3A_134 = arith.index_cast %while3A_64 : i32 to index
      %swap3A_135 = arith.index_cast %swap3A_133 : i32 to index
      %swap3A_136 = arith.constant 64 : index
      %swap3A_137 = tpu.vector_load %arg7[%swap3A_134, %swap3A_135, %swap3A_136] {strides = array<i32>} : memref<157x2x128xi32, #tpu.memory_space<vmem>>, vector<16xi32>,
      tpu.vector_store %arg7[%swap3A_134, %swap3A_135, %swap3A_136], %add3A_132 {strides = array<i32>} : memref<157x2x128xi32, #tpu.memory_space<vmem>>, vector<16xi32>,
      %get3A_138 = arith.constant 0 : i32
      %get3A_139 = arith.index_cast %while3A_64 : i32 to index
      %get3A_140 = arith.index_cast %get3A_138 : i32 to index
      %get3A_141 = arith.constant 80 : index
      %get3A_142 = tpu.vector_load %arg7[%get3A_139, %get3A_140, %get3A_141] {strides = array<i32>} : memref<157x2x128xi32, #tpu.memory_space<vmem>>, vector<16xi32>,
      %mul3A_143 = arith.constant 2 : i32
      %mul3A_144 = vector.broadcast %mul3A_143 : i32 to vector<16xi32>
      %mul3A_145 = arith.muli %get3A_142, %mul3A_144 : vector<16xi32>
      %add3A_146 = vector.broadcast %arg0 : i32 to vector<16xi32>
      %add3A_147 = arith.addi %mul3A_145, %add3A_146 : vector<16xi32>
      %swap3A_148 = arith.constant 0 : i32
      %swap3A_149 = arith.index_cast %while3A_64 : i32 to index
      %swap3A_150 = arith.index_cast %swap3A_148 : i32 to index
      %swap3A_151 = arith.constant 80 : index
      %swap3A_152 = tpu.vector_load %arg7[%swap3A_149, %swap3A_150, %swap3A_151] {strides = array<i32>} : memref<157x2x128xi32, #tpu.memory_space<vmem>>, vector<16xi32>,
      tpu.vector_store %arg7[%swap3A_149, %swap3A_150, %swap3A_151], %add3A_147 {strides = array<i32>} : memref<157x2x128xi32, #tpu.memory_space<vmem>>, vector<16xi32>,
      %get3A_153 = arith.constant 0 : i32
      %get3A_154 = arith.index_cast %while3A_64 : i32 to index
      %get3A_155 = arith.index_cast %get3A_153 : i32 to index
      %get3A_156 = arith.constant 96 : index
      %get3A_157 = tpu.vector_load %arg7[%get3A_154, %get3A_155, %get3A_156] {strides = array<i32>} : memref<157x2x128xi32, #tpu.memory_space<vmem>>, vector<16xi32>,
      %mul3A_158 = arith.constant 2 : i32
      %mul3A_159 = vector.broadcast %mul3A_158 : i32 to vector<16xi32>
      %mul3A_160 = arith.muli %get3A_157, %mul3A_159 : vector<16xi32>
      %add3A_161 = vector.broadcast %arg0 : i32 to vector<16xi32>
      %add3A_162 = arith.addi %mul3A_160, %add3A_161 : vector<16xi32>
      %swap3A_163 = arith.constant 0 : i32
      %swap3A_164 = arith.index_cast %while3A_64 : i32 to index
      %swap3A_165 = arith.index_cast %swap3A_163 : i32 to index
      %swap3A_166 = arith.constant 96 : index
      %swap3A_167 = tpu.vector_load %arg7[%swap3A_164, %swap3A_165, %swap3A_166] {strides = array<i32>} : memref<157x2x128xi32, #tpu.memory_space<vmem>>, vector<16xi32>,
      tpu.vector_store %arg7[%swap3A_164, %swap3A_165, %swap3A_166], %add3A_162 {strides = array<i32>} : memref<157x2x128xi32, #tpu.memory_space<vmem>>, vector<16xi32>,
      %get3A_168 = arith.constant 0 : i32
      %get3A_169 = arith.index_cast %while3A_64 : i32 to index
      %get3A_170 = arith.index_cast %get3A_168 : i32 to index
      %get3A_171 = arith.constant 112 : index
      %get3A_172 = tpu.vector_load %arg7[%get3A_169, %get3A_170, %get3A_171] {strides = array<i32>} : memref<157x2x128xi32, #tpu.memory_space<vmem>>, vector<16xi32>,
      %mul3A_173 = arith.constant 2 : i32
      %mul3A_174 = vector.broadcast %mul3A_173 : i32 to vector<16xi32>
      %mul3A_175 = arith.muli %get3A_172, %mul3A_174 : vector<16xi32>
      %add3A_176 = vector.broadcast %arg0 : i32 to vector<16xi32>
      %add3A_177 = arith.addi %mul3A_175, %add3A_176 : vector<16xi32>
      %swap3A_178 = arith.constant 0 : i32
      %swap3A_179 = arith.index_cast %while3A_64 : i32 to index
      %swap3A_180 = arith.index_cast %swap3A_178 : i32 to index
      %swap3A_181 = arith.constant 112 : index
      %swap3A_182 = tpu.vector_load %arg7[%swap3A_179, %swap3A_180, %swap3A_181] {strides = array<i32>} : memref<157x2x128xi32, #tpu.memory_space<vmem>>, vector<16xi32>,
      tpu.vector_store %arg7[%swap3A_179, %swap3A_180, %swap3A_181], %add3A_177 {strides = array<i32>} : memref<157x2x128xi32, #tpu.memory_space<vmem>>, vector<16xi32>,
    }
    %while3A_31 = arith.constant 1 : i32
    scf.for %while3A_64 = %while3A_29 to %while3A_25 step %while3A_31  : i32 {
      %get3A = arith.constant 0 : i32
      %get3A_65 = arith.index_cast %while3A_64 : i32 to index
      %get3A_66 = arith.index_cast %get3A : i32 to index
      %get3A_67 = arith.constant 0 : index
      %get3A_68 = tpu.vector_load %arg7[%get3A_65, %get3A_66, %get3A_67] {strides = array<i32>} : memref<157x2x128xi32, #tpu.memory_space<vmem>>, vector<16xi32>,
      %mul3A_69 = arith.constant 2 : i32
      %mul3A_70 = vector.broadcast %mul3A_69 : i32 to vector<16xi32>
      %mul3A_71 = arith.muli %get3A_68, %mul3A_70 : vector<16xi32>
      %add3A_72 = vector.broadcast %arg0 : i32 to vector<16xi32>
      %add3A_73 = arith.addi %mul3A_71, %add3A_72 : vector<16xi32>
      %swap3A = arith.constant 0 : i32
      %swap3A_74 = arith.index_cast %while3A_64 : i32 to index
      %swap3A_75 = arith.index_cast %swap3A : i32 to index
      %swap3A_76 = arith.constant 0 : index
      %swap3A_77 = tpu.vector_load %arg7[%swap3A_74, %swap3A_75, %swap3A_76] {strides = array<i32>} : memref<157x2x128xi32, #tpu.memory_space<vmem>>, vector<16xi32>,
      tpu.vector_store %arg7[%swap3A_74, %swap3A_75, %swap3A_76], %add3A_73 {strides = array<i32>} : memref<157x2x128xi32, #tpu.memory_space<vmem>>, vector<16xi32>,
      %get3A_78 = arith.constant 0 : i32
      %get3A_79 = arith.index_cast %while3A_64 : i32 to index
      %get3A_80 = arith.index_cast %get3A_78 : i32 to index
      %get3A_81 = arith.constant 16 : index
      %get3A_82 = tpu.vector_load %arg7[%get3A_79, %get3A_80, %get3A_81] {strides = array<i32>} : memref<157x2x128xi32, #tpu.memory_space<vmem>>, vector<16xi32>,
      %mul3A_83 = arith.constant 2 : i32
      %mul3A_84 = vector.broadcast %mul3A_83 : i32 to vector<16xi32>
      %mul3A_85 = arith.muli %get3A_82, %mul3A_84 : vector<16xi32>
      %add3A_86 = vector.broadcast %arg0 : i32 to vector<16xi32>
      %add3A_87 = arith.addi %mul3A_85, %add3A_86 : vector<16xi32>
      %swap3A_88 = arith.constant 0 : i32
      %swap3A_89 = arith.index_cast %while3A_64 : i32 to index
      %swap3A_90 = arith.index_cast %swap3A_88 : i32 to index
      %swap3A_91 = arith.constant 16 : index
      %swap3A_92 = tpu.vector_load %arg7[%swap3A_89, %swap3A_90, %swap3A_91] {strides = array<i32>} : memref<157x2x128xi32, #tpu.memory_space<vmem>>, vector<16xi32>,
      tpu.vector_store %arg7[%swap3A_89, %swap3A_90, %swap3A_91], %add3A_87 {strides = array<i32>} : memref<157x2x128xi32, #tpu.memory_space<vmem>>, vector<16xi32>,
      %get3A_93 = arith.constant 0 : i32
      %get3A_94 = arith.index_cast %while3A_64 : i32 to index
      %get3A_95 = arith.index_cast %get3A_93 : i32 to index
      %get3A_96 = arith.constant 32 : index
      %get3A_97 = tpu.vector_load %arg7[%get3A_94, %get3A_95, %get3A_96] {strides = array<i32>} : memref<157x2x128xi32, #tpu.memory_space<vmem>>, vector<16xi32>,
      %mul3A_98 = arith.constant 2 : i32
      %mul3A_99 = vector.broadcast %mul3A_98 : i32 to vector<16xi32>
      %mul3A_100 = arith.muli %get3A_97, %mul3A_99 : vector<16xi32>
      %add3A_101 = vector.broadcast %arg0 : i32 to vector<16xi32>
      %add3A_102 = arith.addi %mul3A_100, %add3A_101 : vector<16xi32>
      %swap3A_103 = arith.constant 0 : i32
      %swap3A_104 = arith.index_cast %while3A_64 : i32 to index
      %swap3A_105 = arith.index_cast %swap3A_103 : i32 to index
      %swap3A_106 = arith.constant 32 : index
      %swap3A_107 = tpu.vector_load %arg7[%swap3A_104, %swap3A_105, %swap3A_106] {strides = array<i32>} : memref<157x2x128xi32, #tpu.memory_space<vmem>>, vector<16xi32>,
      tpu.vector_store %arg7[%swap3A_104, %swap3A_105, %swap3A_106], %add3A_102 {strides = array<i32>} : memref<157x2x128xi32, #tpu.memory_space<vmem>>, vector<16xi32>,
      %get3A_108 = arith.constant 0 : i32
      %get3A_109 = arith.index_cast %while3A_64 : i32 to index
      %get3A_110 = arith.index_cast %get3A_108 : i32 to index
      %get3A_111 = arith.constant 48 : index
      %get3A_112 = tpu.vector_load %arg7[%get3A_109, %get3A_110, %get3A_111] {strides = array<i32>} : memref<157x2x128xi32, #tpu.memory_space<vmem>>, vector<16xi32>,
      %mul3A_113 = arith.constant 2 : i32
      %mul3A_114 = vector.broadcast %mul3A_113 : i32 to vector<16xi32>
      %mul3A_115 = arith.muli %get3A_112, %mul3A_114 : vector<16xi32>
      %add3A_116 = vector.broadcast %arg0 : i32 to vector<16xi32>
      %add3A_117 = arith.addi %mul3A_115, %add3A_116 : vector<16xi32>
      %swap3A_118 = arith.constant 0 : i32
      %swap3A_119 = arith.index_cast %while3A_64 : i32 to index
      %swap3A_120 = arith.index_cast %swap3A_118 : i32 to index
      %swap3A_121 = arith.constant 48 : index
      %swap3A_122 = tpu.vector_load %arg7[%swap3A_119, %swap3A_120, %swap3A_121] {strides = array<i32>} : memref<157x2x128xi32, #tpu.memory_space<vmem>>, vector<16xi32>,
      tpu.vector_store %arg7[%swap3A_119, %swap3A_120, %swap3A_121], %add3A_117 {strides = array<i32>} : memref<157x2x128xi32, #tpu.memory_space<vmem>>, vector<16xi32>,
      %get3A_123 = arith.constant 0 : i32
      %get3A_124 = arith.index_cast %while3A_64 : i32 to index
      %get3A_125 = arith.index_cast %get3A_123 : i32 to index
      %get3A_126 = arith.constant 64 : index
      %get3A_127 = tpu.vector_load %arg7[%get3A_124, %get3A_125, %get3A_126] {strides = array<i32>} : memref<157x2x128xi32, #tpu.memory_space<vmem>>, vector<16xi32>,
      %mul3A_128 = arith.constant 2 : i32
      %mul3A_129 = vector.broadcast %mul3A_128 : i32 to vector<16xi32>
      %mul3A_130 = arith.muli %get3A_127, %mul3A_129 : vector<16xi32>
      %add3A_131 = vector.broadcast %arg0 : i32 to vector<16xi32>
      %add3A_132 = arith.addi %mul3A_130, %add3A_131 : vector<16xi32>
      %swap3A_133 = arith.constant 0 : i32
      %swap3A_134 = arith.index_cast %while3A_64 : i32 to index
      %swap3A_135 = arith.index_cast %swap3A_133 : i32 to index
      %swap3A_136 = arith.constant 64 : index
      %swap3A_137 = tpu.vector_load %arg7[%swap3A_134, %swap3A_135, %swap3A_136] {strides = array<i32>} : memref<157x2x128xi32, #tpu.memory_space<vmem>>, vector<16xi32>,
      tpu.vector_store %arg7[%swap3A_134, %swap3A_135, %swap3A_136], %add3A_132 {strides = array<i32>} : memref<157x2x128xi32, #tpu.memory_space<vmem>>, vector<16xi32>,
      %get3A_138 = arith.constant 0 : i32
      %get3A_139 = arith.index_cast %while3A_64 : i32 to index
      %get3A_140 = arith.index_cast %get3A_138 : i32 to index
      %get3A_141 = arith.constant 80 : index
      %get3A_142 = tpu.vector_load %arg7[%get3A_139, %get3A_140, %get3A_141] {strides = array<i32>} : memref<157x2x128xi32, #tpu.memory_space<vmem>>, vector<16xi32>,
      %mul3A_143 = arith.constant 2 : i32
      %mul3A_144 = vector.broadcast %mul3A_143 : i32 to vector<16xi32>
      %mul3A_145 = arith.muli %get3A_142, %mul3A_144 : vector<16xi32>
      %add3A_146 = vector.broadcast %arg0 : i32 to vector<16xi32>
      %add3A_147 = arith.addi %mul3A_145, %add3A_146 : vector<16xi32>
      %swap3A_148 = arith.constant 0 : i32
      %swap3A_149 = arith.index_cast %while3A_64 : i32 to index
      %swap3A_150 = arith.index_cast %swap3A_148 : i32 to index
      %swap3A_151 = arith.constant 80 : index
      %swap3A_152 = tpu.vector_load %arg7[%swap3A_149, %swap3A_150, %swap3A_151] {strides = array<i32>} : memref<157x2x128xi32, #tpu.memory_space<vmem>>, vector<16xi32>,
      tpu.vector_store %arg7[%swap3A_149, %swap3A_150, %swap3A_151], %add3A_147 {strides = array<i32>} : memref<157x2x128xi32, #tpu.memory_space<vmem>>, vector<16xi32>,
      %get3A_153 = arith.constant 0 : i32
      %get3A_154 = arith.index_cast %while3A_64 : i32 to index
      %get3A_155 = arith.index_cast %get3A_153 : i32 to index
      %get3A_156 = arith.constant 96 : index
      %get3A_157 = tpu.vector_load %arg7[%get3A_154, %get3A_155, %get3A_156] {strides = array<i32>} : memref<157x2x128xi32, #tpu.memory_space<vmem>>, vector<16xi32>,
      %mul3A_158 = arith.constant 2 : i32
      %mul3A_159 = vector.broadcast %mul3A_158 : i32 to vector<16xi32>
      %mul3A_160 = arith.muli %get3A_157, %mul3A_159 : vector<16xi32>
      %add3A_161 = vector.broadcast %arg0 : i32 to vector<16xi32>
      %add3A_162 = arith.addi %mul3A_160, %add3A_161 : vector<16xi32>
      %swap3A_163 = arith.constant 0 : i32
      %swap3A_164 = arith.index_cast %while3A_64 : i32 to index
      %swap3A_165 = arith.index_cast %swap3A_163 : i32 to index
      %swap3A_166 = arith.constant 96 : index
      %swap3A_167 = tpu.vector_load %arg7[%swap3A_164, %swap3A_165, %swap3A_166] {strides = array<i32>} : memref<157x2x128xi32, #tpu.memory_space<vmem>>, vector<16xi32>,
      tpu.vector_store %arg7[%swap3A_164, %swap3A_165, %swap3A_166], %add3A_162 {strides = array<i32>} : memref<157x2x128xi32, #tpu.memory_space<vmem>>, vector<16xi32>,
      %get3A_168 = arith.constant 0 : i32
      %get3A_169 = arith.index_cast %while3A_64 : i32 to index
      %get3A_170 = arith.index_cast %get3A_168 : i32 to index
      %get3A_171 = arith.constant 112 : index
      %get3A_172 = tpu.vector_load %arg7[%get3A_169, %get3A_170, %get3A_171] {strides = array<i32>} : memref<157x2x128xi32, #tpu.memory_space<vmem>>, vector<16xi32>,
      %mul3A_173 = arith.constant 2 : i32
      %mul3A_174 = vector.broadcast %mul3A_173 : i32 to vector<16xi32>
      %mul3A_175 = arith.muli %get3A_172, %mul3A_174 : vector<16xi32>
      %add3A_176 = vector.broadcast %arg0 : i32 to vector<16xi32>
      %add3A_177 = arith.addi %mul3A_175, %add3A_176 : vector<16xi32>
      %swap3A_178 = arith.constant 0 : i32
      %swap3A_179 = arith.index_cast %while3A_64 : i32 to index
      %swap3A_180 = arith.index_cast %swap3A_178 : i32 to index
      %swap3A_181 = arith.constant 112 : index
      %swap3A_182 = tpu.vector_load %arg7[%swap3A_179, %swap3A_180, %swap3A_181] {strides = array<i32>} : memref<157x2x128xi32, #tpu.memory_space<vmem>>, vector<16xi32>,
      tpu.vector_store %arg7[%swap3A_179, %swap3A_180, %swap3A_181], %add3A_177 {strides = array<i32>} : memref<157x2x128xi32, #tpu.memory_space<vmem>>, vector<16xi32>,
    }
    %gt3A = arith.constant 0 : i32
    %gt3A_32 = arith.cmpi sgt, %min3A_22, %gt3A : i32
    %convert_element_type3A_33 = arith.extui %gt3A_32 : i1 to i32
    %cond3A_34 = arith.constant 0 : i32
    %cond3A_35 = arith.cmpi ne, %convert_element_type3A_33, %cond3A_34 : i32
    scf.if %cond3A_35 {
      %dma_start3A = arith.constant 0 : i32
      %dma_start3A_64 = arith.constant 0 : i32
      %dma_start3A_65 = arith.constant 0 : i32
      %dma_start3A_66 = arith.constant 0 : i32
      %dma_start3A_67 = arith.constant 0 : i32
      %dma_start3A_68 = arith.constant 0 : i32
      %dma_start3A_69 = tpu.memref_slice %arg8[%dma_start3A_65, %dma_start3A_67, %dma_start3A_68] : memref<4x128x64xf32, #tpu.memory_space<vmem>> -> memref<1x128x64xf32, #tpu.memory_space<vmem>>
      %dma_start3A_70 = tpu.memref_squeeze %dma_start3A_69 : memref<1x128x64xf32, #tpu.memory_space<vmem>> -> memref<128x64xf32, #tpu.memory_space<vmem>>
      %dma_start3A_71 = arith.constant 0 : i32
      %dma_start3A_72 = tpu.memref_slice %arg7[%dma_start3A, %dma_start3A_64, %dma_start3A_71] : memref<157x2x128xi32, #tpu.memory_space<vmem>> -> memref<1x1x128xi32, #tpu.memory_space<vmem>>
      %dma_start3A_73 = tpu.memref_squeeze %dma_start3A_72 : memref<1x1x128xi32, #tpu.memory_space<vmem>> -> memref<128xi32, #tpu.memory_space<vmem>>
      %dma_start3A_74 = arith.constant 0 : i32
      %dma_start3A_75 = arith.constant 0 : i32
      %dma_start3A_76 = tpu.memref_slice %arg2[%dma_start3A_74, %dma_start3A_75] : memref<20000x64xf32, #tpu.memory_space<hbm>> -> memref<20000x64xf32, #tpu.memory_space<hbm>>
      %dma_start3A_77 = tpu.memref_slice %arg9[%dma_start3A_66] : memref<4x!tpu.dma_semaphore, #tpu.memory_space<semaphore_mem>> -> memref<1x!tpu.dma_semaphore, #tpu.memory_space<semaphore_mem>>
      %dma_start3A_78 = tpu.memref_squeeze %dma_start3A_77 : memref<1x!tpu.dma_semaphore, #tpu.memory_space<semaphore_mem>> -> memref<!tpu.dma_semaphore, #tpu.memory_space<semaphore_mem>>
      tpu.enqueue_indirect_dma source(%dma_start3A_76 : memref<20000x64xf32, #tpu.memory_space<hbm>>) target(%dma_start3A_70 : memref<128x64xf32, #tpu.memory_space<vmem>>) offsets(%dma_start3A_73 : memref<128xi32, #tpu.memory_space<vmem>>) semaphore(%dma_start3A_78 : memref<!tpu.dma_semaphore, #tpu.memory_space<semaphore_mem>>)
    } else {
    }
    %gt3A_36 = arith.constant 1 : i32
    %gt3A_37 = arith.cmpi sgt, %min3A_22, %gt3A_36 : i32
    %convert_element_type3A_38 = arith.extui %gt3A_37 : i1 to i32
    %cond3A_39 = arith.constant 0 : i32
    %cond3A_40 = arith.cmpi ne, %convert_element_type3A_38, %cond3A_39 : i32
    scf.if %cond3A_40 {
      %dma_start3A = arith.constant 1 : i32
      %dma_start3A_64 = arith.constant 0 : i32
      %dma_start3A_65 = arith.constant 1 : i32
      %dma_start3A_66 = arith.constant 1 : i32
      %dma_start3A_67 = arith.constant 0 : i32
      %dma_start3A_68 = arith.constant 0 : i32
      %dma_start3A_69 = tpu.memref_slice %arg8[%dma_start3A_65, %dma_start3A_67, %dma_start3A_68] : memref<4x128x64xf32, #tpu.memory_space<vmem>> -> memref<1x128x64xf32, #tpu.memory_space<vmem>>
      %dma_start3A_70 = tpu.memref_squeeze %dma_start3A_69 : memref<1x128x64xf32, #tpu.memory_space<vmem>> -> memref<128x64xf32, #tpu.memory_space<vmem>>
      %dma_start3A_71 = arith.constant 0 : i32
      %dma_start3A_72 = tpu.memref_slice %arg7[%dma_start3A, %dma_start3A_64, %dma_start3A_71] : memref<157x2x128xi32, #tpu.memory_space<vmem>> -> memref<1x1x128xi32, #tpu.memory_space<vmem>>
      %dma_start3A_73 = tpu.memref_squeeze %dma_start3A_72 : memref<1x1x128xi32, #tpu.memory_space<vmem>> -> memref<128xi32, #tpu.memory_space<vmem>>
      %dma_start3A_74 = arith.constant 0 : i32
      %dma_start3A_75 = arith.constant 0 : i32
      %dma_start3A_76 = tpu.memref_slice %arg2[%dma_start3A_74, %dma_start3A_75] : memref<20000x64xf32, #tpu.memory_space<hbm>> -> memref<20000x64xf32, #tpu.memory_space<hbm>>
      %dma_start3A_77 = tpu.memref_slice %arg9[%dma_start3A_66] : memref<4x!tpu.dma_semaphore, #tpu.memory_space<semaphore_mem>> -> memref<1x!tpu.dma_semaphore, #tpu.memory_space<semaphore_mem>>
      %dma_start3A_78 = tpu.memref_squeeze %dma_start3A_77 : memref<1x!tpu.dma_semaphore, #tpu.memory_space<semaphore_mem>> -> memref<!tpu.dma_semaphore, #tpu.memory_space<semaphore_mem>>
      tpu.enqueue_indirect_dma source(%dma_start3A_76 : memref<20000x64xf32, #tpu.memory_space<hbm>>) target(%dma_start3A_70 : memref<128x64xf32, #tpu.memory_space<vmem>>) offsets(%dma_start3A_73 : memref<128xi32, #tpu.memory_space<vmem>>) semaphore(%dma_start3A_78 : memref<!tpu.dma_semaphore, #tpu.memory_space<semaphore_mem>>)
    } else {
    }
    %gt3A_41 = arith.constant 2 : i32
    %gt3A_42 = arith.cmpi sgt, %min3A_22, %gt3A_41 : i32
    %convert_element_type3A_43 = arith.extui %gt3A_42 : i1 to i32
    %cond3A_44 = arith.constant 0 : i32
    %cond3A_45 = arith.cmpi ne, %convert_element_type3A_43, %cond3A_44 : i32
    scf.if %cond3A_45 {
      %dma_start3A = arith.constant 2 : i32
      %dma_start3A_64 = arith.constant 0 : i32
      %dma_start3A_65 = arith.constant 2 : i32
      %dma_start3A_66 = arith.constant 2 : i32
      %dma_start3A_67 = arith.constant 0 : i32
      %dma_start3A_68 = arith.constant 0 : i32
      %dma_start3A_69 = tpu.memref_slice %arg8[%dma_start3A_65, %dma_start3A_67, %dma_start3A_68] : memref<4x128x64xf32, #tpu.memory_space<vmem>> -> memref<1x128x64xf32, #tpu.memory_space<vmem>>
      %dma_start3A_70 = tpu.memref_squeeze %dma_start3A_69 : memref<1x128x64xf32, #tpu.memory_space<vmem>> -> memref<128x64xf32, #tpu.memory_space<vmem>>
      %dma_start3A_71 = arith.constant 0 : i32
      %dma_start3A_72 = tpu.memref_slice %arg7[%dma_start3A, %dma_start3A_64, %dma_start3A_71] : memref<157x2x128xi32, #tpu.memory_space<vmem>> -> memref<1x1x128xi32, #tpu.memory_space<vmem>>
      %dma_start3A_73 = tpu.memref_squeeze %dma_start3A_72 : memref<1x1x128xi32, #tpu.memory_space<vmem>> -> memref<128xi32, #tpu.memory_space<vmem>>
      %dma_start3A_74 = arith.constant 0 : i32
      %dma_start3A_75 = arith.constant 0 : i32
      %dma_start3A_76 = tpu.memref_slice %arg2[%dma_start3A_74, %dma_start3A_75] : memref<20000x64xf32, #tpu.memory_space<hbm>> -> memref<20000x64xf32, #tpu.memory_space<hbm>>
      %dma_start3A_77 = tpu.memref_slice %arg9[%dma_start3A_66] : memref<4x!tpu.dma_semaphore, #tpu.memory_space<semaphore_mem>> -> memref<1x!tpu.dma_semaphore, #tpu.memory_space<semaphore_mem>>
      %dma_start3A_78 = tpu.memref_squeeze %dma_start3A_77 : memref<1x!tpu.dma_semaphore, #tpu.memory_space<semaphore_mem>> -> memref<!tpu.dma_semaphore, #tpu.memory_space<semaphore_mem>>
      tpu.enqueue_indirect_dma source(%dma_start3A_76 : memref<20000x64xf32, #tpu.memory_space<hbm>>) target(%dma_start3A_70 : memref<128x64xf32, #tpu.memory_space<vmem>>) offsets(%dma_start3A_73 : memref<128xi32, #tpu.memory_space<vmem>>) semaphore(%dma_start3A_78 : memref<!tpu.dma_semaphore, #tpu.memory_space<semaphore_mem>>)
    } else {
    }
    %gt3A_46 = arith.constant 3 : i32
    %gt3A_47 = arith.cmpi sgt, %min3A_22, %gt3A_46 : i32
    %convert_element_type3A_48 = arith.extui %gt3A_47 : i1 to i32
    %cond3A_49 = arith.constant 0 : i32
    %cond3A_50 = arith.cmpi ne, %convert_element_type3A_48, %cond3A_49 : i32
    scf.if %cond3A_50 {
      %dma_start3A = arith.constant 3 : i32
      %dma_start3A_64 = arith.constant 0 : i32
      %dma_start3A_65 = arith.constant 3 : i32
      %dma_start3A_66 = arith.constant 3 : i32
      %dma_start3A_67 = arith.constant 0 : i32
      %dma_start3A_68 = arith.constant 0 : i32
      %dma_start3A_69 = tpu.memref_slice %arg8[%dma_start3A_65, %dma_start3A_67, %dma_start3A_68] : memref<4x128x64xf32, #tpu.memory_space<vmem>> -> memref<1x128x64xf32, #tpu.memory_space<vmem>>
      %dma_start3A_70 = tpu.memref_squeeze %dma_start3A_69 : memref<1x128x64xf32, #tpu.memory_space<vmem>> -> memref<128x64xf32, #tpu.memory_space<vmem>>
      %dma_start3A_71 = arith.constant 0 : i32
      %dma_start3A_72 = tpu.memref_slice %arg7[%dma_start3A, %dma_start3A_64, %dma_start3A_71] : memref<157x2x128xi32, #tpu.memory_space<vmem>> -> memref<1x1x128xi32, #tpu.memory_space<vmem>>
      %dma_start3A_73 = tpu.memref_squeeze %dma_start3A_72 : memref<1x1x128xi32, #tpu.memory_space<vmem>> -> memref<128xi32, #tpu.memory_space<vmem>>
      %dma_start3A_74 = arith.constant 0 : i32
      %dma_start3A_75 = arith.constant 0 : i32
      %dma_start3A_76 = tpu.memref_slice %arg2[%dma_start3A_74, %dma_start3A_75] : memref<20000x64xf32, #tpu.memory_space<hbm>> -> memref<20000x64xf32, #tpu.memory_space<hbm>>
      %dma_start3A_77 = tpu.memref_slice %arg9[%dma_start3A_66] : memref<4x!tpu.dma_semaphore, #tpu.memory_space<semaphore_mem>> -> memref<1x!tpu.dma_semaphore, #tpu.memory_space<semaphore_mem>>
      %dma_start3A_78 = tpu.memref_squeeze %dma_start3A_77 : memref<1x!tpu.dma_semaphore, #tpu.memory_space<semaphore_mem>> -> memref<!tpu.dma_semaphore, #tpu.memory_space<semaphore_mem>>
      tpu.enqueue_indirect_dma source(%dma_start3A_76 : memref<20000x64xf32, #tpu.memory_space<hbm>>) target(%dma_start3A_70 : memref<128x64xf32, #tpu.memory_space<vmem>>) offsets(%dma_start3A_73 : memref<128xi32, #tpu.memory_space<vmem>>) semaphore(%dma_start3A_78 : memref<!tpu.dma_semaphore, #tpu.memory_space<semaphore_mem>>)
    } else {
    }
    %scan3A = arith.constant 0 : i32
    %scan3A_51 = arith.constant 0 : i32
    %scan3A_52 = arith.constant 40 : i32
    %scan3A_53 = arith.addi %scan3A_51, %scan3A_52 : i32
    %scan3A_54 = arith.constant 1 : i32
    scf.for %scan3A_64 = %scan3A_51 to %scan3A_53 step %scan3A_54  : i32 {
      %mul3A_65 = arith.constant 4 : i32
      %mul3A_66 = arith.muli %scan3A_64, %mul3A_65 : i32
      %add3A_67 = arith.constant 0 : i32
      %add3A_68 = arith.addi %mul3A_66, %add3A_67 : i32
      %lt3A_69 = arith.cmpi slt, %add3A_68, %min3A_22 : i32
      %convert_element_type3A_70 = arith.extui %lt3A_69 : i1 to i32
      %cond3A_71 = arith.constant 0 : i32
      %cond3A_72 = arith.cmpi ne, %convert_element_type3A_70, %cond3A_71 : i32
      scf.if %cond3A_72 {
        %dma_wait3A = arith.constant 0 : i32
        %dma_wait3A_97 = arith.constant 0 : i32
        %dma_wait3A_98 = arith.constant 0 : i32
        %dma_wait3A_99 = arith.constant 0 : i32
        %dma_wait3A_100 = arith.constant 0 : i32
        %dma_wait3A_101 = arith.constant 0 : i32
        %dma_wait3A_102 = tpu.memref_slice %arg8[%dma_wait3A_98, %dma_wait3A_100, %dma_wait3A_101] : memref<4x128x64xf32, #tpu.memory_space<vmem>> -> memref<1x128x64xf32, #tpu.memory_space<vmem>>
        %dma_wait3A_103 = tpu.memref_squeeze %dma_wait3A_102 : memref<1x128x64xf32, #tpu.memory_space<vmem>> -> memref<128x64xf32, #tpu.memory_space<vmem>>
        %dma_wait3A_104 = arith.constant 0 : i32
        %dma_wait3A_105 = tpu.memref_slice %arg7[%dma_wait3A, %dma_wait3A_97, %dma_wait3A_104] : memref<157x2x128xi32, #tpu.memory_space<vmem>> -> memref<1x1x128xi32, #tpu.memory_space<vmem>>
        %dma_wait3A_106 = tpu.memref_squeeze %dma_wait3A_105 : memref<1x1x128xi32, #tpu.memory_space<vmem>> -> memref<128xi32, #tpu.memory_space<vmem>>
        %dma_wait3A_107 = arith.constant 0 : i32
        %dma_wait3A_108 = arith.constant 0 : i32
        %dma_wait3A_109 = tpu.memref_slice %arg2[%dma_wait3A_107, %dma_wait3A_108] : memref<20000x64xf32, #tpu.memory_space<hbm>> -> memref<20000x64xf32, #tpu.memory_space<hbm>>
        %dma_wait3A_110 = tpu.memref_slice %arg9[%dma_wait3A_99] : memref<4x!tpu.dma_semaphore, #tpu.memory_space<semaphore_mem>> -> memref<1x!tpu.dma_semaphore, #tpu.memory_space<semaphore_mem>>
        %dma_wait3A_111 = tpu.memref_squeeze %dma_wait3A_110 : memref<1x!tpu.dma_semaphore, #tpu.memory_space<semaphore_mem>> -> memref<!tpu.dma_semaphore, #tpu.memory_space<semaphore_mem>>
        tpu.wait_indirect_dma semaphore(%dma_wait3A_111 : memref<!tpu.dma_semaphore, #tpu.memory_space<semaphore_mem>>) src(%dma_wait3A_109 : memref<20000x64xf32, #tpu.memory_space<hbm>>) dst(%dma_wait3A_103 : memref<128x64xf32, #tpu.memory_space<vmem>>)
        %run_scoped3A = arith.constant 0 : i32
        %run_scoped3A_112 = arith.constant 1 : i32
        "tpu.region"() ({
          %run_scoped3A_119 = tpu.sem_alloc : memref<!tpu.dma_semaphore, #tpu.memory_space<semaphore_mem>>
          %dma_start3A = arith.constant 0 : i32
          %dma_start3A_120 = arith.constant 0 : i32
          %dma_start3A_121 = tpu.memref_slice %arg8[%run_scoped3A, %dma_start3A, %dma_start3A_120] : memref<4x128x64xf32, #tpu.memory_space<vmem>> -> memref<1x128x64xf32, #tpu.memory_space<vmem>>
          %dma_start3A_122 = tpu.memref_squeeze %dma_start3A_121 : memref<1x128x64xf32, #tpu.memory_space<vmem>> -> memref<128x64xf32, #tpu.memory_space<vmem>>
          %dma_start3A_123 = arith.constant 0 : i32
          %dma_start3A_124 = tpu.memref_slice %arg7[%add3A_68, %run_scoped3A_112, %dma_start3A_123] : memref<157x2x128xi32, #tpu.memory_space<vmem>> -> memref<1x1x128xi32, #tpu.memory_space<vmem>>
          %dma_start3A_125 = tpu.memref_squeeze %dma_start3A_124 : memref<1x1x128xi32, #tpu.memory_space<vmem>> -> memref<128xi32, #tpu.memory_space<vmem>>
          %dma_start3A_126 = arith.constant 0 : i32
          %dma_start3A_127 = arith.constant 0 : i32
          %dma_start3A_128 = tpu.memref_slice %arg6[%dma_start3A_126, %dma_start3A_127] : memref<10000x64xf32, #tpu.memory_space<vmem_shared>> -> memref<10000x64xf32, #tpu.memory_space<vmem_shared>>
          tpu.enqueue_indirect_dma source(%dma_start3A_122 : memref<128x64xf32, #tpu.memory_space<vmem>>) target(%dma_start3A_128 : memref<10000x64xf32, #tpu.memory_space<vmem_shared>>) offsets(%dma_start3A_125 : memref<128xi32, #tpu.memory_space<vmem>>) semaphore(%run_scoped3A_119 : memref<!tpu.dma_semaphore, #tpu.memory_space<semaphore_mem>>) {add = true}
          %dma_wait3A_129 = arith.constant 0 : i32
          %dma_wait3A_130 = arith.constant 0 : i32
          %dma_wait3A_131 = tpu.memref_slice %arg8[%run_scoped3A, %dma_wait3A_129, %dma_wait3A_130] : memref<4x128x64xf32, #tpu.memory_space<vmem>> -> memref<1x128x64xf32, #tpu.memory_space<vmem>>
          %dma_wait3A_132 = tpu.memref_squeeze %dma_wait3A_131 : memref<1x128x64xf32, #tpu.memory_space<vmem>> -> memref<128x64xf32, #tpu.memory_space<vmem>>
          %dma_wait3A_133 = arith.constant 0 : i32
          %dma_wait3A_134 = tpu.memref_slice %arg7[%add3A_68, %run_scoped3A_112, %dma_wait3A_133] : memref<157x2x128xi32, #tpu.memory_space<vmem>> -> memref<1x1x128xi32, #tpu.memory_space<vmem>>
          %dma_wait3A_135 = tpu.memref_squeeze %dma_wait3A_134 : memref<1x1x128xi32, #tpu.memory_space<vmem>> -> memref<128xi32, #tpu.memory_space<vmem>>
          %dma_wait3A_136 = arith.constant 0 : i32
          %dma_wait3A_137 = arith.constant 0 : i32
          %dma_wait3A_138 = tpu.memref_slice %arg6[%dma_wait3A_136, %dma_wait3A_137] : memref<10000x64xf32, #tpu.memory_space<vmem_shared>> -> memref<10000x64xf32, #tpu.memory_space<vmem_shared>>
          tpu.wait_indirect_dma semaphore(%run_scoped3A_119 : memref<!tpu.dma_semaphore, #tpu.memory_space<semaphore_mem>>) src(%dma_wait3A_132 : memref<128x64xf32, #tpu.memory_space<vmem>>) dst(%dma_wait3A_138 : memref<10000x64xf32, #tpu.memory_space<vmem_shared>>)
          tpu.yield
        }) : () -> ()
        %add3A_113 = arith.constant 4 : i32
        %add3A_114 = arith.addi %add3A_68, %add3A_113 : i32
        %lt3A_115 = arith.cmpi slt, %add3A_114, %min3A_22 : i32
        %convert_element_type3A_116 = arith.extui %lt3A_115 : i1 to i32
        %cond3A_117 = arith.constant 0 : i32
        %cond3A_118 = arith.cmpi ne, %convert_element_type3A_116, %cond3A_117 : i32
        scf.if %cond3A_118 {
          %add3A_119 = arith.constant 4 : i32
          %add3A_120 = arith.addi %add3A_68, %add3A_119 : i32
          %dma_start3A = arith.constant 0 : i32
          %dma_start3A_121 = arith.constant 0 : i32
          %dma_start3A_122 = arith.constant 0 : i32
          %dma_start3A_123 = arith.constant 0 : i32
          %dma_start3A_124 = arith.constant 0 : i32
          %dma_start3A_125 = tpu.memref_slice %arg8[%dma_start3A_121, %dma_start3A_123, %dma_start3A_124] : memref<4x128x64xf32, #tpu.memory_space<vmem>> -> memref<1x128x64xf32, #tpu.memory_space<vmem>>
          %dma_start3A_126 = tpu.memref_squeeze %dma_start3A_125 : memref<1x128x64xf32, #tpu.memory_space<vmem>> -> memref<128x64xf32, #tpu.memory_space<vmem>>
          %dma_start3A_127 = arith.constant 0 : i32
          %dma_start3A_128 = tpu.memref_slice %arg7[%add3A_120, %dma_start3A, %dma_start3A_127] : memref<157x2x128xi32, #tpu.memory_space<vmem>> -> memref<1x1x128xi32, #tpu.memory_space<vmem>>
          %dma_start3A_129 = tpu.memref_squeeze %dma_start3A_128 : memref<1x1x128xi32, #tpu.memory_space<vmem>> -> memref<128xi32, #tpu.memory_space<vmem>>
          %dma_start3A_130 = arith.constant 0 : i32
          %dma_start3A_131 = arith.constant 0 : i32
          %dma_start3A_132 = tpu.memref_slice %arg2[%dma_start3A_130, %dma_start3A_131] : memref<20000x64xf32, #tpu.memory_space<hbm>> -> memref<20000x64xf32, #tpu.memory_space<hbm>>
          %dma_start3A_133 = tpu.memref_slice %arg9[%dma_start3A_122] : memref<4x!tpu.dma_semaphore, #tpu.memory_space<semaphore_mem>> -> memref<1x!tpu.dma_semaphore, #tpu.memory_space<semaphore_mem>>
          %dma_start3A_134 = tpu.memref_squeeze %dma_start3A_133 : memref<1x!tpu.dma_semaphore, #tpu.memory_space<semaphore_mem>> -> memref<!tpu.dma_semaphore, #tpu.memory_space<semaphore_mem>>
          tpu.enqueue_indirect_dma source(%dma_start3A_132 : memref<20000x64xf32, #tpu.memory_space<hbm>>) target(%dma_start3A_126 : memref<128x64xf32, #tpu.memory_space<vmem>>) offsets(%dma_start3A_129 : memref<128xi32, #tpu.memory_space<vmem>>) semaphore(%dma_start3A_134 : memref<!tpu.dma_semaphore, #tpu.memory_space<semaphore_mem>>)
        } else {
        }
      } else {
      }
      %mul3A_73 = arith.constant 4 : i32
      %mul3A_74 = arith.muli %scan3A_64, %mul3A_73 : i32
      %add3A_75 = arith.constant 1 : i32
      %add3A_76 = arith.addi %mul3A_74, %add3A_75 : i32
      %lt3A_77 = arith.cmpi slt, %add3A_76, %min3A_22 : i32
      %convert_element_type3A_78 = arith.extui %lt3A_77 : i1 to i32
      %cond3A_79 = arith.constant 0 : i32
      %cond3A_80 = arith.cmpi ne, %convert_element_type3A_78, %cond3A_79 : i32
      scf.if %cond3A_80 {
        %dma_wait3A = arith.constant 1 : i32
        %dma_wait3A_97 = arith.constant 0 : i32
        %dma_wait3A_98 = arith.constant 1 : i32
        %dma_wait3A_99 = arith.constant 1 : i32
        %dma_wait3A_100 = arith.constant 0 : i32
        %dma_wait3A_101 = arith.constant 0 : i32
        %dma_wait3A_102 = tpu.memref_slice %arg8[%dma_wait3A_98, %dma_wait3A_100, %dma_wait3A_101] : memref<4x128x64xf32, #tpu.memory_space<vmem>> -> memref<1x128x64xf32, #tpu.memory_space<vmem>>
        %dma_wait3A_103 = tpu.memref_squeeze %dma_wait3A_102 : memref<1x128x64xf32, #tpu.memory_space<vmem>> -> memref<128x64xf32, #tpu.memory_space<vmem>>
        %dma_wait3A_104 = arith.constant 0 : i32
        %dma_wait3A_105 = tpu.memref_slice %arg7[%dma_wait3A, %dma_wait3A_97, %dma_wait3A_104] : memref<157x2x128xi32, #tpu.memory_space<vmem>> -> memref<1x1x128xi32, #tpu.memory_space<vmem>>
        %dma_wait3A_106 = tpu.memref_squeeze %dma_wait3A_105 : memref<1x1x128xi32, #tpu.memory_space<vmem>> -> memref<128xi32, #tpu.memory_space<vmem>>
        %dma_wait3A_107 = arith.constant 0 : i32
        %dma_wait3A_108 = arith.constant 0 : i32
        %dma_wait3A_109 = tpu.memref_slice %arg2[%dma_wait3A_107, %dma_wait3A_108] : memref<20000x64xf32, #tpu.memory_space<hbm>> -> memref<20000x64xf32, #tpu.memory_space<hbm>>
        %dma_wait3A_110 = tpu.memref_slice %arg9[%dma_wait3A_99] : memref<4x!tpu.dma_semaphore, #tpu.memory_space<semaphore_mem>> -> memref<1x!tpu.dma_semaphore, #tpu.memory_space<semaphore_mem>>
        %dma_wait3A_111 = tpu.memref_squeeze %dma_wait3A_110 : memref<1x!tpu.dma_semaphore, #tpu.memory_space<semaphore_mem>> -> memref<!tpu.dma_semaphore, #tpu.memory_space<semaphore_mem>>
        tpu.wait_indirect_dma semaphore(%dma_wait3A_111 : memref<!tpu.dma_semaphore, #tpu.memory_space<semaphore_mem>>) src(%dma_wait3A_109 : memref<20000x64xf32, #tpu.memory_space<hbm>>) dst(%dma_wait3A_103 : memref<128x64xf32, #tpu.memory_space<vmem>>)
        %run_scoped3A = arith.constant 1 : i32
        %run_scoped3A_112 = arith.constant 1 : i32
        "tpu.region"() ({
          %run_scoped3A_119 = tpu.sem_alloc : memref<!tpu.dma_semaphore, #tpu.memory_space<semaphore_mem>>
          %dma_start3A = arith.constant 0 : i32
          %dma_start3A_120 = arith.constant 0 : i32
          %dma_start3A_121 = tpu.memref_slice %arg8[%run_scoped3A, %dma_start3A, %dma_start3A_120] : memref<4x128x64xf32, #tpu.memory_space<vmem>> -> memref<1x128x64xf32, #tpu.memory_space<vmem>>
          %dma_start3A_122 = tpu.memref_squeeze %dma_start3A_121 : memref<1x128x64xf32, #tpu.memory_space<vmem>> -> memref<128x64xf32, #tpu.memory_space<vmem>>
          %dma_start3A_123 = arith.constant 0 : i32
          %dma_start3A_124 = tpu.memref_slice %arg7[%add3A_76, %run_scoped3A_112, %dma_start3A_123] : memref<157x2x128xi32, #tpu.memory_space<vmem>> -> memref<1x1x128xi32, #tpu.memory_space<vmem>>
          %dma_start3A_125 = tpu.memref_squeeze %dma_start3A_124 : memref<1x1x128xi32, #tpu.memory_space<vmem>> -> memref<128xi32, #tpu.memory_space<vmem>>
          %dma_start3A_126 = arith.constant 0 : i32
          %dma_start3A_127 = arith.constant 0 : i32
          %dma_start3A_128 = tpu.memref_slice %arg6[%dma_start3A_126, %dma_start3A_127] : memref<10000x64xf32, #tpu.memory_space<vmem_shared>> -> memref<10000x64xf32, #tpu.memory_space<vmem_shared>>
          tpu.enqueue_indirect_dma source(%dma_start3A_122 : memref<128x64xf32, #tpu.memory_space<vmem>>) target(%dma_start3A_128 : memref<10000x64xf32, #tpu.memory_space<vmem_shared>>) offsets(%dma_start3A_125 : memref<128xi32, #tpu.memory_space<vmem>>) semaphore(%run_scoped3A_119 : memref<!tpu.dma_semaphore, #tpu.memory_space<semaphore_mem>>) {add = true}
          %dma_wait3A_129 = arith.constant 0 : i32
          %dma_wait3A_130 = arith.constant 0 : i32
          %dma_wait3A_131 = tpu.memref_slice %arg8[%run_scoped3A, %dma_wait3A_129, %dma_wait3A_130] : memref<4x128x64xf32, #tpu.memory_space<vmem>> -> memref<1x128x64xf32, #tpu.memory_space<vmem>>
          %dma_wait3A_132 = tpu.memref_squeeze %dma_wait3A_131 : memref<1x128x64xf32, #tpu.memory_space<vmem>> -> memref<128x64xf32, #tpu.memory_space<vmem>>
          %dma_wait3A_133 = arith.constant 0 : i32
          %dma_wait3A_134 = tpu.memref_slice %arg7[%add3A_76, %run_scoped3A_112, %dma_wait3A_133] : memref<157x2x128xi32, #tpu.memory_space<vmem>> -> memref<1x1x128xi32, #tpu.memory_space<vmem>>
          %dma_wait3A_135 = tpu.memref_squeeze %dma_wait3A_134 : memref<1x1x128xi32, #tpu.memory_space<vmem>> -> memref<128xi32, #tpu.memory_space<vmem>>
          %dma_wait3A_136 = arith.constant 0 : i32
          %dma_wait3A_137 = arith.constant 0 : i32
          %dma_wait3A_138 = tpu.memref_slice %arg6[%dma_wait3A_136, %dma_wait3A_137] : memref<10000x64xf32, #tpu.memory_space<vmem_shared>> -> memref<10000x64xf32, #tpu.memory_space<vmem_shared>>
          tpu.wait_indirect_dma semaphore(%run_scoped3A_119 : memref<!tpu.dma_semaphore, #tpu.memory_space<semaphore_mem>>) src(%dma_wait3A_132 : memref<128x64xf32, #tpu.memory_space<vmem>>) dst(%dma_wait3A_138 : memref<10000x64xf32, #tpu.memory_space<vmem_shared>>)
          tpu.yield
        }) : () -> ()
        %add3A_113 = arith.constant 4 : i32
        %add3A_114 = arith.addi %add3A_76, %add3A_113 : i32
        %lt3A_115 = arith.cmpi slt, %add3A_114, %min3A_22 : i32
        %convert_element_type3A_116 = arith.extui %lt3A_115 : i1 to i32
        %cond3A_117 = arith.constant 0 : i32
        %cond3A_118 = arith.cmpi ne, %convert_element_type3A_116, %cond3A_117 : i32
        scf.if %cond3A_118 {
          %add3A_119 = arith.constant 4 : i32
          %add3A_120 = arith.addi %add3A_76, %add3A_119 : i32
          %dma_start3A = arith.constant 0 : i32
          %dma_start3A_121 = arith.constant 1 : i32
          %dma_start3A_122 = arith.constant 1 : i32
          %dma_start3A_123 = arith.constant 0 : i32
          %dma_start3A_124 = arith.constant 0 : i32
          %dma_start3A_125 = tpu.memref_slice %arg8[%dma_start3A_121, %dma_start3A_123, %dma_start3A_124] : memref<4x128x64xf32, #tpu.memory_space<vmem>> -> memref<1x128x64xf32, #tpu.memory_space<vmem>>
          %dma_start3A_126 = tpu.memref_squeeze %dma_start3A_125 : memref<1x128x64xf32, #tpu.memory_space<vmem>> -> memref<128x64xf32, #tpu.memory_space<vmem>>
          %dma_start3A_127 = arith.constant 0 : i32
          %dma_start3A_128 = tpu.memref_slice %arg7[%add3A_120, %dma_start3A, %dma_start3A_127] : memref<157x2x128xi32, #tpu.memory_space<vmem>> -> memref<1x1x128xi32, #tpu.memory_space<vmem>>
          %dma_start3A_129 = tpu.memref_squeeze %dma_start3A_128 : memref<1x1x128xi32, #tpu.memory_space<vmem>> -> memref<128xi32, #tpu.memory_space<vmem>>
          %dma_start3A_130 = arith.constant 0 : i32
          %dma_start3A_131 = arith.constant 0 : i32
          %dma_start3A_132 = tpu.memref_slice %arg2[%dma_start3A_130, %dma_start3A_131] : memref<20000x64xf32, #tpu.memory_space<hbm>> -> memref<20000x64xf32, #tpu.memory_space<hbm>>
          %dma_start3A_133 = tpu.memref_slice %arg9[%dma_start3A_122] : memref<4x!tpu.dma_semaphore, #tpu.memory_space<semaphore_mem>> -> memref<1x!tpu.dma_semaphore, #tpu.memory_space<semaphore_mem>>
          %dma_start3A_134 = tpu.memref_squeeze %dma_start3A_133 : memref<1x!tpu.dma_semaphore, #tpu.memory_space<semaphore_mem>> -> memref<!tpu.dma_semaphore, #tpu.memory_space<semaphore_mem>>
          tpu.enqueue_indirect_dma source(%dma_start3A_132 : memref<20000x64xf32, #tpu.memory_space<hbm>>) target(%dma_start3A_126 : memref<128x64xf32, #tpu.memory_space<vmem>>) offsets(%dma_start3A_129 : memref<128xi32, #tpu.memory_space<vmem>>) semaphore(%dma_start3A_134 : memref<!tpu.dma_semaphore, #tpu.memory_space<semaphore_mem>>)
        } else {
        }
      } else {
      }
      %mul3A_81 = arith.constant 4 : i32
      %mul3A_82 = arith.muli %scan3A_64, %mul3A_81 : i32
      %add3A_83 = arith.constant 2 : i32
      %add3A_84 = arith.addi %mul3A_82, %add3A_83 : i32
      %lt3A_85 = arith.cmpi slt, %add3A_84, %min3A_22 : i32
      %convert_element_type3A_86 = arith.extui %lt3A_85 : i1 to i32
      %cond3A_87 = arith.constant 0 : i32
      %cond3A_88 = arith.cmpi ne, %convert_element_type3A_86, %cond3A_87 : i32
      scf.if %cond3A_88 {
        %dma_wait3A = arith.constant 2 : i32
        %dma_wait3A_97 = arith.constant 0 : i32
        %dma_wait3A_98 = arith.constant 2 : i32
        %dma_wait3A_99 = arith.constant 2 : i32
        %dma_wait3A_100 = arith.constant 0 : i32
        %dma_wait3A_101 = arith.constant 0 : i32
        %dma_wait3A_102 = tpu.memref_slice %arg8[%dma_wait3A_98, %dma_wait3A_100, %dma_wait3A_101] : memref<4x128x64xf32, #tpu.memory_space<vmem>> -> memref<1x128x64xf32, #tpu.memory_space<vmem>>
        %dma_wait3A_103 = tpu.memref_squeeze %dma_wait3A_102 : memref<1x128x64xf32, #tpu.memory_space<vmem>> -> memref<128x64xf32, #tpu.memory_space<vmem>>
        %dma_wait3A_104 = arith.constant 0 : i32
        %dma_wait3A_105 = tpu.memref_slice %arg7[%dma_wait3A, %dma_wait3A_97, %dma_wait3A_104] : memref<157x2x128xi32, #tpu.memory_space<vmem>> -> memref<1x1x128xi32, #tpu.memory_space<vmem>>
        %dma_wait3A_106 = tpu.memref_squeeze %dma_wait3A_105 : memref<1x1x128xi32, #tpu.memory_space<vmem>> -> memref<128xi32, #tpu.memory_space<vmem>>
        %dma_wait3A_107 = arith.constant 0 : i32
        %dma_wait3A_108 = arith.constant 0 : i32
        %dma_wait3A_109 = tpu.memref_slice %arg2[%dma_wait3A_107, %dma_wait3A_108] : memref<20000x64xf32, #tpu.memory_space<hbm>> -> memref<20000x64xf32, #tpu.memory_space<hbm>>
        %dma_wait3A_110 = tpu.memref_slice %arg9[%dma_wait3A_99] : memref<4x!tpu.dma_semaphore, #tpu.memory_space<semaphore_mem>> -> memref<1x!tpu.dma_semaphore, #tpu.memory_space<semaphore_mem>>
        %dma_wait3A_111 = tpu.memref_squeeze %dma_wait3A_110 : memref<1x!tpu.dma_semaphore, #tpu.memory_space<semaphore_mem>> -> memref<!tpu.dma_semaphore, #tpu.memory_space<semaphore_mem>>
        tpu.wait_indirect_dma semaphore(%dma_wait3A_111 : memref<!tpu.dma_semaphore, #tpu.memory_space<semaphore_mem>>) src(%dma_wait3A_109 : memref<20000x64xf32, #tpu.memory_space<hbm>>) dst(%dma_wait3A_103 : memref<128x64xf32, #tpu.memory_space<vmem>>)
        %run_scoped3A = arith.constant 2 : i32
        %run_scoped3A_112 = arith.constant 1 : i32
        "tpu.region"() ({
          %run_scoped3A_119 = tpu.sem_alloc : memref<!tpu.dma_semaphore, #tpu.memory_space<semaphore_mem>>
          %dma_start3A = arith.constant 0 : i32
          %dma_start3A_120 = arith.constant 0 : i32
          %dma_start3A_121 = tpu.memref_slice %arg8[%run_scoped3A, %dma_start3A, %dma_start3A_120] : memref<4x128x64xf32, #tpu.memory_space<vmem>> -> memref<1x128x64xf32, #tpu.memory_space<vmem>>
          %dma_start3A_122 = tpu.memref_squeeze %dma_start3A_121 : memref<1x128x64xf32, #tpu.memory_space<vmem>> -> memref<128x64xf32, #tpu.memory_space<vmem>>
          %dma_start3A_123 = arith.constant 0 : i32
          %dma_start3A_124 = tpu.memref_slice %arg7[%add3A_84, %run_scoped3A_112, %dma_start3A_123] : memref<157x2x128xi32, #tpu.memory_space<vmem>> -> memref<1x1x128xi32, #tpu.memory_space<vmem>>
          %dma_start3A_125 = tpu.memref_squeeze %dma_start3A_124 : memref<1x1x128xi32, #tpu.memory_space<vmem>> -> memref<128xi32, #tpu.memory_space<vmem>>
          %dma_start3A_126 = arith.constant 0 : i32
          %dma_start3A_127 = arith.constant 0 : i32
          %dma_start3A_128 = tpu.memref_slice %arg6[%dma_start3A_126, %dma_start3A_127] : memref<10000x64xf32, #tpu.memory_space<vmem_shared>> -> memref<10000x64xf32, #tpu.memory_space<vmem_shared>>
          tpu.enqueue_indirect_dma source(%dma_start3A_122 : memref<128x64xf32, #tpu.memory_space<vmem>>) target(%dma_start3A_128 : memref<10000x64xf32, #tpu.memory_space<vmem_shared>>) offsets(%dma_start3A_125 : memref<128xi32, #tpu.memory_space<vmem>>) semaphore(%run_scoped3A_119 : memref<!tpu.dma_semaphore, #tpu.memory_space<semaphore_mem>>) {add = true}
          %dma_wait3A_129 = arith.constant 0 : i32
          %dma_wait3A_130 = arith.constant 0 : i32
          %dma_wait3A_131 = tpu.memref_slice %arg8[%run_scoped3A, %dma_wait3A_129, %dma_wait3A_130] : memref<4x128x64xf32, #tpu.memory_space<vmem>> -> memref<1x128x64xf32, #tpu.memory_space<vmem>>
          %dma_wait3A_132 = tpu.memref_squeeze %dma_wait3A_131 : memref<1x128x64xf32, #tpu.memory_space<vmem>> -> memref<128x64xf32, #tpu.memory_space<vmem>>
          %dma_wait3A_133 = arith.constant 0 : i32
          %dma_wait3A_134 = tpu.memref_slice %arg7[%add3A_84, %run_scoped3A_112, %dma_wait3A_133] : memref<157x2x128xi32, #tpu.memory_space<vmem>> -> memref<1x1x128xi32, #tpu.memory_space<vmem>>
          %dma_wait3A_135 = tpu.memref_squeeze %dma_wait3A_134 : memref<1x1x128xi32, #tpu.memory_space<vmem>> -> memref<128xi32, #tpu.memory_space<vmem>>
          %dma_wait3A_136 = arith.constant 0 : i32
          %dma_wait3A_137 = arith.constant 0 : i32
          %dma_wait3A_138 = tpu.memref_slice %arg6[%dma_wait3A_136, %dma_wait3A_137] : memref<10000x64xf32, #tpu.memory_space<vmem_shared>> -> memref<10000x64xf32, #tpu.memory_space<vmem_shared>>
          tpu.wait_indirect_dma semaphore(%run_scoped3A_119 : memref<!tpu.dma_semaphore, #tpu.memory_space<semaphore_mem>>) src(%dma_wait3A_132 : memref<128x64xf32, #tpu.memory_space<vmem>>) dst(%dma_wait3A_138 : memref<10000x64xf32, #tpu.memory_space<vmem_shared>>)
          tpu.yield
        }) : () -> ()
        %add3A_113 = arith.constant 4 : i32
        %add3A_114 = arith.addi %add3A_84, %add3A_113 : i32
        %lt3A_115 = arith.cmpi slt, %add3A_114, %min3A_22 : i32
        %convert_element_type3A_116 = arith.extui %lt3A_115 : i1 to i32
        %cond3A_117 = arith.constant 0 : i32
        %cond3A_118 = arith.cmpi ne, %convert_element_type3A_116, %cond3A_117 : i32
        scf.if %cond3A_118 {
          %add3A_119 = arith.constant 4 : i32
          %add3A_120 = arith.addi %add3A_84, %add3A_119 : i32
          %dma_start3A = arith.constant 0 : i32
          %dma_start3A_121 = arith.constant 2 : i32
          %dma_start3A_122 = arith.constant 2 : i32
          %dma_start3A_123 = arith.constant 0 : i32
          %dma_start3A_124 = arith.constant 0 : i32
          %dma_start3A_125 = tpu.memref_slice %arg8[%dma_start3A_121, %dma_start3A_123, %dma_start3A_124] : memref<4x128x64xf32, #tpu.memory_space<vmem>> -> memref<1x128x64xf32, #tpu.memory_space<vmem>>
          %dma_start3A_126 = tpu.memref_squeeze %dma_start3A_125 : memref<1x128x64xf32, #tpu.memory_space<vmem>> -> memref<128x64xf32, #tpu.memory_space<vmem>>
          %dma_start3A_127 = arith.constant 0 : i32
          %dma_start3A_128 = tpu.memref_slice %arg7[%add3A_120, %dma_start3A, %dma_start3A_127] : memref<157x2x128xi32, #tpu.memory_space<vmem>> -> memref<1x1x128xi32, #tpu.memory_space<vmem>>
          %dma_start3A_129 = tpu.memref_squeeze %dma_start3A_128 : memref<1x1x128xi32, #tpu.memory_space<vmem>> -> memref<128xi32, #tpu.memory_space<vmem>>
          %dma_start3A_130 = arith.constant 0 : i32
          %dma_start3A_131 = arith.constant 0 : i32
          %dma_start3A_132 = tpu.memref_slice %arg2[%dma_start3A_130, %dma_start3A_131] : memref<20000x64xf32, #tpu.memory_space<hbm>> -> memref<20000x64xf32, #tpu.memory_space<hbm>>
          %dma_start3A_133 = tpu.memref_slice %arg9[%dma_start3A_122] : memref<4x!tpu.dma_semaphore, #tpu.memory_space<semaphore_mem>> -> memref<1x!tpu.dma_semaphore, #tpu.memory_space<semaphore_mem>>
          %dma_start3A_134 = tpu.memref_squeeze %dma_start3A_133 : memref<1x!tpu.dma_semaphore, #tpu.memory_space<semaphore_mem>> -> memref<!tpu.dma_semaphore, #tpu.memory_space<semaphore_mem>>
          tpu.enqueue_indirect_dma source(%dma_start3A_132 : memref<20000x64xf32, #tpu.memory_space<hbm>>) target(%dma_start3A_126 : memref<128x64xf32, #tpu.memory_space<vmem>>) offsets(%dma_start3A_129 : memref<128xi32, #tpu.memory_space<vmem>>) semaphore(%dma_start3A_134 : memref<!tpu.dma_semaphore, #tpu.memory_space<semaphore_mem>>)
        } else {
        }
      } else {
      }
      %mul3A_89 = arith.constant 4 : i32
      %mul3A_90 = arith.muli %scan3A_64, %mul3A_89 : i32
      %add3A_91 = arith.constant 3 : i32
      %add3A_92 = arith.addi %mul3A_90, %add3A_91 : i32
      %lt3A_93 = arith.cmpi slt, %add3A_92, %min3A_22 : i32
      %convert_element_type3A_94 = arith.extui %lt3A_93 : i1 to i32
      %cond3A_95 = arith.constant 0 : i32
      %cond3A_96 = arith.cmpi ne, %convert_element_type3A_94, %cond3A_95 : i32
      scf.if %cond3A_96 {
        %dma_wait3A = arith.constant 3 : i32
        %dma_wait3A_97 = arith.constant 0 : i32
        %dma_wait3A_98 = arith.constant 3 : i32
        %dma_wait3A_99 = arith.constant 3 : i32
        %dma_wait3A_100 = arith.constant 0 : i32
        %dma_wait3A_101 = arith.constant 0 : i32
        %dma_wait3A_102 = tpu.memref_slice %arg8[%dma_wait3A_98, %dma_wait3A_100, %dma_wait3A_101] : memref<4x128x64xf32, #tpu.memory_space<vmem>> -> memref<1x128x64xf32, #tpu.memory_space<vmem>>
        %dma_wait3A_103 = tpu.memref_squeeze %dma_wait3A_102 : memref<1x128x64xf32, #tpu.memory_space<vmem>> -> memref<128x64xf32, #tpu.memory_space<vmem>>
        %dma_wait3A_104 = arith.constant 0 : i32
        %dma_wait3A_105 = tpu.memref_slice %arg7[%dma_wait3A, %dma_wait3A_97, %dma_wait3A_104] : memref<157x2x128xi32, #tpu.memory_space<vmem>> -> memref<1x1x128xi32, #tpu.memory_space<vmem>>
        %dma_wait3A_106 = tpu.memref_squeeze %dma_wait3A_105 : memref<1x1x128xi32, #tpu.memory_space<vmem>> -> memref<128xi32, #tpu.memory_space<vmem>>
        %dma_wait3A_107 = arith.constant 0 : i32
        %dma_wait3A_108 = arith.constant 0 : i32
        %dma_wait3A_109 = tpu.memref_slice %arg2[%dma_wait3A_107, %dma_wait3A_108] : memref<20000x64xf32, #tpu.memory_space<hbm>> -> memref<20000x64xf32, #tpu.memory_space<hbm>>
        %dma_wait3A_110 = tpu.memref_slice %arg9[%dma_wait3A_99] : memref<4x!tpu.dma_semaphore, #tpu.memory_space<semaphore_mem>> -> memref<1x!tpu.dma_semaphore, #tpu.memory_space<semaphore_mem>>
        %dma_wait3A_111 = tpu.memref_squeeze %dma_wait3A_110 : memref<1x!tpu.dma_semaphore, #tpu.memory_space<semaphore_mem>> -> memref<!tpu.dma_semaphore, #tpu.memory_space<semaphore_mem>>
        tpu.wait_indirect_dma semaphore(%dma_wait3A_111 : memref<!tpu.dma_semaphore, #tpu.memory_space<semaphore_mem>>) src(%dma_wait3A_109 : memref<20000x64xf32, #tpu.memory_space<hbm>>) dst(%dma_wait3A_103 : memref<128x64xf32, #tpu.memory_space<vmem>>)
        %run_scoped3A = arith.constant 3 : i32
        %run_scoped3A_112 = arith.constant 1 : i32
        "tpu.region"() ({
          %run_scoped3A_119 = tpu.sem_alloc : memref<!tpu.dma_semaphore, #tpu.memory_space<semaphore_mem>>
          %dma_start3A = arith.constant 0 : i32
          %dma_start3A_120 = arith.constant 0 : i32
          %dma_start3A_121 = tpu.memref_slice %arg8[%run_scoped3A, %dma_start3A, %dma_start3A_120] : memref<4x128x64xf32, #tpu.memory_space<vmem>> -> memref<1x128x64xf32, #tpu.memory_space<vmem>>
          %dma_start3A_122 = tpu.memref_squeeze %dma_start3A_121 : memref<1x128x64xf32, #tpu.memory_space<vmem>> -> memref<128x64xf32, #tpu.memory_space<vmem>>
          %dma_start3A_123 = arith.constant 0 : i32
          %dma_start3A_124 = tpu.memref_slice %arg7[%add3A_92, %run_scoped3A_112, %dma_start3A_123] : memref<157x2x128xi32, #tpu.memory_space<vmem>> -> memref<1x1x128xi32, #tpu.memory_space<vmem>>
          %dma_start3A_125 = tpu.memref_squeeze %dma_start3A_124 : memref<1x1x128xi32, #tpu.memory_space<vmem>> -> memref<128xi32, #tpu.memory_space<vmem>>
          %dma_start3A_126 = arith.constant 0 : i32
          %dma_start3A_127 = arith.constant 0 : i32
          %dma_start3A_128 = tpu.memref_slice %arg6[%dma_start3A_126, %dma_start3A_127] : memref<10000x64xf32, #tpu.memory_space<vmem_shared>> -> memref<10000x64xf32, #tpu.memory_space<vmem_shared>>
          tpu.enqueue_indirect_dma source(%dma_start3A_122 : memref<128x64xf32, #tpu.memory_space<vmem>>) target(%dma_start3A_128 : memref<10000x64xf32, #tpu.memory_space<vmem_shared>>) offsets(%dma_start3A_125 : memref<128xi32, #tpu.memory_space<vmem>>) semaphore(%run_scoped3A_119 : memref<!tpu.dma_semaphore, #tpu.memory_space<semaphore_mem>>) {add = true}
          %dma_wait3A_129 = arith.constant 0 : i32
          %dma_wait3A_130 = arith.constant 0 : i32
          %dma_wait3A_131 = tpu.memref_slice %arg8[%run_scoped3A, %dma_wait3A_129, %dma_wait3A_130] : memref<4x128x64xf32, #tpu.memory_space<vmem>> -> memref<1x128x64xf32, #tpu.memory_space<vmem>>
          %dma_wait3A_132 = tpu.memref_squeeze %dma_wait3A_131 : memref<1x128x64xf32, #tpu.memory_space<vmem>> -> memref<128x64xf32, #tpu.memory_space<vmem>>
          %dma_wait3A_133 = arith.constant 0 : i32
          %dma_wait3A_134 = tpu.memref_slice %arg7[%add3A_92, %run_scoped3A_112, %dma_wait3A_133] : memref<157x2x128xi32, #tpu.memory_space<vmem>> -> memref<1x1x128xi32, #tpu.memory_space<vmem>>
          %dma_wait3A_135 = tpu.memref_squeeze %dma_wait3A_134 : memref<1x1x128xi32, #tpu.memory_space<vmem>> -> memref<128xi32, #tpu.memory_space<vmem>>
          %dma_wait3A_136 = arith.constant 0 : i32
          %dma_wait3A_137 = arith.constant 0 : i32
          %dma_wait3A_138 = tpu.memref_slice %arg6[%dma_wait3A_136, %dma_wait3A_137] : memref<10000x64xf32, #tpu.memory_space<vmem_shared>> -> memref<10000x64xf32, #tpu.memory_space<vmem_shared>>
          tpu.wait_indirect_dma semaphore(%run_scoped3A_119 : memref<!tpu.dma_semaphore, #tpu.memory_space<semaphore_mem>>) src(%dma_wait3A_132 : memref<128x64xf32, #tpu.memory_space<vmem>>) dst(%dma_wait3A_138 : memref<10000x64xf32, #tpu.memory_space<vmem_shared>>)
          tpu.yield
        }) : () -> ()
        %add3A_113 = arith.constant 4 : i32
        %add3A_114 = arith.addi %add3A_92, %add3A_113 : i32
        %lt3A_115 = arith.cmpi slt, %add3A_114, %min3A_22 : i32
        %convert_element_type3A_116 = arith.extui %lt3A_115 : i1 to i32
        %cond3A_117 = arith.constant 0 : i32
        %cond3A_118 = arith.cmpi ne, %convert_element_type3A_116, %cond3A_117 : i32
        scf.if %cond3A_118 {
          %add3A_119 = arith.constant 4 : i32
          %add3A_120 = arith.addi %add3A_92, %add3A_119 : i32
          %dma_start3A = arith.constant 0 : i32
          %dma_start3A_121 = arith.constant 3 : i32
          %dma_start3A_122 = arith.constant 3 : i32
          %dma_start3A_123 = arith.constant 0 : i32
          %dma_start3A_124 = arith.constant 0 : i32
          %dma_start3A_125 = tpu.memref_slice %arg8[%dma_start3A_121, %dma_start3A_123, %dma_start3A_124] : memref<4x128x64xf32, #tpu.memory_space<vmem>> -> memref<1x128x64xf32, #tpu.memory_space<vmem>>
          %dma_start3A_126 = tpu.memref_squeeze %dma_start3A_125 : memref<1x128x64xf32, #tpu.memory_space<vmem>> -> memref<128x64xf32, #tpu.memory_space<vmem>>
          %dma_start3A_127 = arith.constant 0 : i32
          %dma_start3A_128 = tpu.memref_slice %arg7[%add3A_120, %dma_start3A, %dma_start3A_127] : memref<157x2x128xi32, #tpu.memory_space<vmem>> -> memref<1x1x128xi32, #tpu.memory_space<vmem>>
          %dma_start3A_129 = tpu.memref_squeeze %dma_start3A_128 : memref<1x1x128xi32, #tpu.memory_space<vmem>> -> memref<128xi32, #tpu.memory_space<vmem>>
          %dma_start3A_130 = arith.constant 0 : i32
          %dma_start3A_131 = arith.constant 0 : i32
          %dma_start3A_132 = tpu.memref_slice %arg2[%dma_start3A_130, %dma_start3A_131] : memref<20000x64xf32, #tpu.memory_space<hbm>> -> memref<20000x64xf32, #tpu.memory_space<hbm>>
          %dma_start3A_133 = tpu.memref_slice %arg9[%dma_start3A_122] : memref<4x!tpu.dma_semaphore, #tpu.memory_space<semaphore_mem>> -> memref<1x!tpu.dma_semaphore, #tpu.memory_space<semaphore_mem>>
          %dma_start3A_134 = tpu.memref_squeeze %dma_start3A_133 : memref<1x!tpu.dma_semaphore, #tpu.memory_space<semaphore_mem>> -> memref<!tpu.dma_semaphore, #tpu.memory_space<semaphore_mem>>
          tpu.enqueue_indirect_dma source(%dma_start3A_132 : memref<20000x64xf32, #tpu.memory_space<hbm>>) target(%dma_start3A_126 : memref<128x64xf32, #tpu.memory_space<vmem>>) offsets(%dma_start3A_129 : memref<128xi32, #tpu.memory_space<vmem>>) semaphore(%dma_start3A_134 : memref<!tpu.dma_semaphore, #tpu.memory_space<semaphore_mem>>)
        } else {
        }
      } else {
      }
    }
    %scan3A_55 = arith.constant 40 : i32
    %barrier3A_56 = arith.constant 0 : index
    tpu.barrier barrier_id(%barrier3A_56)
    %mul3A_57 = arith.constant 64 : i32
    %mul3A_58 = arith.muli %arg0, %mul3A_57 : i32
    "tpu.region"() ({
      %run_scoped3A = tpu.sem_alloc : memref<!tpu.dma_semaphore, #tpu.memory_space<semaphore_mem>>
      %dma_start3A = tpu.memref_slice %arg5[%multiple_of3A, %mul3A_58] : memref<10000x128xf32, #tpu.memory_space<hbm>> -> memref<624x64xf32, #tpu.memory_space<hbm>>
      %dma_start3A_64 = arith.constant 0 : i32
      %dma_start3A_65 = tpu.memref_slice %arg6[%multiple_of3A, %dma_start3A_64] : memref<10000x64xf32, #tpu.memory_space<vmem_shared>> -> memref<624x64xf32, #tpu.memory_space<vmem_shared>>
      tpu.enqueue_dma source(%dma_start3A_65 : memref<624x64xf32, #tpu.memory_space<vmem_shared>>) target(%dma_start3A : memref<624x64xf32, #tpu.memory_space<hbm>>) target_semaphore(%run_scoped3A : memref<!tpu.dma_semaphore, #tpu.memory_space<semaphore_mem>>)
      %dma_wait3A = tpu.memref_slice %arg5[%multiple_of3A, %mul3A_58] : memref<10000x128xf32, #tpu.memory_space<hbm>> -> memref<624x64xf32, #tpu.memory_space<hbm>>
      %dma_wait3A_66 = arith.constant 0 : i32
      %dma_wait3A_67 = tpu.memref_slice %arg6[%multiple_of3A, %dma_wait3A_66] : memref<10000x64xf32, #tpu.memory_space<vmem_shared>> -> memref<624x64xf32, #tpu.memory_space<vmem_shared>>
      tpu.wait_dma2 semaphore(%run_scoped3A : memref<!tpu.dma_semaphore, #tpu.memory_space<semaphore_mem>>) src(%dma_wait3A_67 : memref<624x64xf32, #tpu.memory_space<vmem_shared>>) dst(%dma_wait3A : memref<624x64xf32, #tpu.memory_space<hbm>>)
      tpu.yield
    }) : () -> ()
    %eq3A_59 = arith.constant 15 : i32
    %eq3A_60 = arith.cmpi eq, %arg1, %eq3A_59 : i32
    %convert_element_type3A_61 = arith.extui %eq3A_60 : i1 to i32
    %cond3A_62 = arith.constant 0 : i32
    %cond3A_63 = arith.cmpi ne, %convert_element_type3A_61, %cond3A_62 : i32
    scf.if %cond3A_63 {
      %mul3A_64 = arith.constant 64 : i32
      %mul3A_65 = arith.muli %arg0, %mul3A_64 : i32
      "tpu.region"() ({
        %run_scoped3A = tpu.sem_alloc : memref<!tpu.dma_semaphore, #tpu.memory_space<semaphore_mem>>
        %dma_start3A = arith.constant 9984 : i32
        %dma_start3A_66 = tpu.memref_slice %arg5[%dma_start3A, %mul3A_65] : memref<10000x128xf32, #tpu.memory_space<hbm>> -> memref<16x64xf32, #tpu.memory_space<hbm>>
        %dma_start3A_67 = arith.constant 9984 : i32
        %dma_start3A_68 = arith.constant 0 : i32
        %dma_start3A_69 = tpu.memref_slice %arg6[%dma_start3A_67, %dma_start3A_68] : memref<10000x64xf32, #tpu.memory_space<vmem_shared>> -> memref<16x64xf32, #tpu.memory_space<vmem_shared>>
        tpu.enqueue_dma source(%dma_start3A_69 : memref<16x64xf32, #tpu.memory_space<vmem_shared>>) target(%dma_start3A_66 : memref<16x64xf32, #tpu.memory_space<hbm>>) target_semaphore(%run_scoped3A : memref<!tpu.dma_semaphore, #tpu.memory_space<semaphore_mem>>)
        %dma_wait3A = arith.constant 9984 : i32
        %dma_wait3A_70 = tpu.memref_slice %arg5[%dma_wait3A, %mul3A_65] : memref<10000x128xf32, #tpu.memory_space<hbm>> -> memref<16x64xf32, #tpu.memory_space<hbm>>
        %dma_wait3A_71 = arith.constant 9984 : i32
        %dma_wait3A_72 = arith.constant 0 : i32
        %dma_wait3A_73 = tpu.memref_slice %arg6[%dma_wait3A_71, %dma_wait3A_72] : memref<10000x64xf32, #tpu.memory_space<vmem_shared>> -> memref<16x64xf32, #tpu.memory_space<vmem_shared>>
        tpu.wait_dma2 semaphore(%run_scoped3A : memref<!tpu.dma_semaphore, #tpu.memory_space<semaphore_mem>>) src(%dma_wait3A_73 : memref<16x64xf32, #tpu.memory_space<vmem_shared>>) dst(%dma_wait3A_70 : memref<16x64xf32, #tpu.memory_space<hbm>>)
        tpu.yield
      }) : () -> ()
    } else {
    }
    return
  }
}

#map = affine_map<(d0, d1) -> (0, 0, 0)>
#map1 = affine_map<(d0, d1) -> (0, 0)>
module attributes {stable_mosaic.version = 14 : i64} {
  func.func @_deg_body(%arg0: i32, %arg1: i32, %arg2: memref<2500x2x128xi32, #tpu.memory_space<hbm>>, %arg3: memref<32x10000xf32, #tpu.memory_space<hbm>>, %arg4: memref<79x2x128xi32, #tpu.memory_space<vmem>>, %arg5: memref<10000xf32, #tpu.memory_space<vmem>>) attributes {dimension_semantics = [#tpu.dimension_semantics<core_parallel>, #tpu.dimension_semantics<subcore_parallel>], iteration_bounds = array<i64: 2, 16>, scalar_prefetch = 0 : i64, scratch_operands = 2 : i64, tpu.core_type = #tpu.core_type<sc_vector_subcore>, window_params = [{transform_indices = #map}, {transform_indices = #map1}]} {
    %mul3A = arith.constant 2 : i32
    %mul3A_0 = arith.muli %arg1, %mul3A : i32
    %add3A = arith.addi %mul3A_0, %arg0 : i32
    %scan3A = arith.constant 0 : i32
    %scan3A_1 = arith.constant 0 : i32
    %scan3A_2 = arith.constant 625 : i32
    %scan3A_3 = arith.addi %scan3A_1, %scan3A_2 : i32
    %scan3A_4 = arith.constant 1 : i32
    scf.for %scan3A_29 = %scan3A_1 to %scan3A_3 step %scan3A_4  : i32 {
      %broadcast_in_dim3A_30 = arith.constant 0.000000e+00 : f32
      %broadcast_in_dim3A_31 = vector.broadcast %broadcast_in_dim3A_30 : f32 to vector<16xf32>
      %mul3A_32 = arith.constant 16 : i32
      %mul3A_33 = arith.muli %scan3A_29, %mul3A_32 : i32
      %swap3A = arith.index_cast %mul3A_33 : i32 to index
      %swap3A_34 = tpu.vector_load %arg5[%swap3A] {strides = array<i32>} : memref<10000xf32, #tpu.memory_space<vmem>>, vector<16xf32>,
      tpu.vector_store %arg5[%swap3A], %broadcast_in_dim3A_31 {strides = array<i32>} : memref<10000xf32, #tpu.memory_space<vmem>>, vector<16xf32>,
    }
    %scan3A_5 = arith.constant 625 : i32
    %mul3A_6 = arith.constant 78 : i32
    %mul3A_7 = arith.muli %add3A, %mul3A_6 : i32
    %min3A = arith.constant 4 : i32
    %min3A_8 = arith.minsi %add3A, %min3A : i32
    %add3A_9 = arith.addi %mul3A_7, %min3A_8 : i32
    %lt3A = arith.constant 4 : i32
    %lt3A_10 = arith.cmpi slt, %add3A, %lt3A : i32
    %jit3A = arith.constant 79 : i32
    %jit3A_11 = arith.constant 78 : i32
    %select_n3A = arith.select %lt3A_10, %jit3A, %jit3A_11 : i32
    %lt3A_12 = arith.constant 4 : i32
    %lt3A_13 = arith.cmpi slt, %add3A, %lt3A_12 : i32
    %convert_element_type3A = arith.extui %lt3A_13 : i1 to i32
    %cond3A = arith.constant 0 : i32
    %cond3A_14 = arith.cmpi ne, %convert_element_type3A, %cond3A : i32
    scf.if %cond3A_14 {
      "tpu.region"() ({
        %run_scoped3A = tpu.sem_alloc : memref<!tpu.dma_semaphore, #tpu.memory_space<semaphore_mem>>
        %dma_start3A = arith.constant 0 : i32
        %dma_start3A_29 = arith.constant 0 : i32
        %dma_start3A_30 = tpu.memref_slice %arg2[%add3A_9, %dma_start3A, %dma_start3A_29] : memref<2500x2x128xi32, #tpu.memory_space<hbm>> -> memref<79x2x128xi32, #tpu.memory_space<hbm>>
        %dma_start3A_31 = arith.constant 0 : i32
        %dma_start3A_32 = arith.constant 0 : i32
        %dma_start3A_33 = tpu.memref_slice %arg2[%add3A_9, %dma_start3A_31, %dma_start3A_32] : memref<2500x2x128xi32, #tpu.memory_space<hbm>> -> memref<79x2x128xi32, #tpu.memory_space<hbm>>
        tpu.enqueue_dma source(%dma_start3A_33 : memref<79x2x128xi32, #tpu.memory_space<hbm>>) target(%arg4 : memref<79x2x128xi32, #tpu.memory_space<vmem>>) target_semaphore(%run_scoped3A : memref<!tpu.dma_semaphore, #tpu.memory_space<semaphore_mem>>)
        %dma_wait3A = arith.constant 0 : i32
        %dma_wait3A_34 = arith.constant 0 : i32
        %dma_wait3A_35 = tpu.memref_slice %arg2[%add3A_9, %dma_wait3A, %dma_wait3A_34] : memref<2500x2x128xi32, #tpu.memory_space<hbm>> -> memref<79x2x128xi32, #tpu.memory_space<hbm>>
        %dma_wait3A_36 = arith.constant 0 : i32
        %dma_wait3A_37 = arith.constant 0 : i32
        %dma_wait3A_38 = tpu.memref_slice %arg2[%add3A_9, %dma_wait3A_36, %dma_wait3A_37] : memref<2500x2x128xi32, #tpu.memory_space<hbm>> -> memref<79x2x128xi32, #tpu.memory_space<hbm>>
        tpu.wait_dma2 semaphore(%run_scoped3A : memref<!tpu.dma_semaphore, #tpu.memory_space<semaphore_mem>>) src(%dma_wait3A_38 : memref<79x2x128xi32, #tpu.memory_space<hbm>>) dst(%arg4 : memref<79x2x128xi32, #tpu.memory_space<vmem>>)
        tpu.yield
      }) : () -> ()
    } else {
    }
    %ge3A = arith.constant 4 : i32
    %ge3A_15 = arith.cmpi sge, %add3A, %ge3A : i32
    %convert_element_type3A_16 = arith.extui %ge3A_15 : i1 to i32
    %cond3A_17 = arith.constant 0 : i32
    %cond3A_18 = arith.cmpi ne, %convert_element_type3A_16, %cond3A_17 : i32
    scf.if %cond3A_18 {
      "tpu.region"() ({
        %run_scoped3A = tpu.sem_alloc : memref<!tpu.dma_semaphore, #tpu.memory_space<semaphore_mem>>
        %dma_start3A = arith.constant 0 : i32
        %dma_start3A_29 = arith.constant 0 : i32
        %dma_start3A_30 = arith.constant 0 : i32
        %dma_start3A_31 = tpu.memref_slice %arg4[%dma_start3A, %dma_start3A_29, %dma_start3A_30] : memref<79x2x128xi32, #tpu.memory_space<vmem>> -> memref<78x2x128xi32, #tpu.memory_space<vmem>>
        %dma_start3A_32 = arith.constant 0 : i32
        %dma_start3A_33 = arith.constant 0 : i32
        %dma_start3A_34 = tpu.memref_slice %arg2[%add3A_9, %dma_start3A_32, %dma_start3A_33] : memref<2500x2x128xi32, #tpu.memory_space<hbm>> -> memref<78x2x128xi32, #tpu.memory_space<hbm>>
        %dma_start3A_35 = arith.constant 0 : i32
        %dma_start3A_36 = arith.constant 0 : i32
        %dma_start3A_37 = arith.constant 0 : i32
        %dma_start3A_38 = tpu.memref_slice %arg4[%dma_start3A_35, %dma_start3A_36, %dma_start3A_37] : memref<79x2x128xi32, #tpu.memory_space<vmem>> -> memref<78x2x128xi32, #tpu.memory_space<vmem>>
        %dma_start3A_39 = arith.constant 0 : i32
        %dma_start3A_40 = arith.constant 0 : i32
        %dma_start3A_41 = tpu.memref_slice %arg2[%add3A_9, %dma_start3A_39, %dma_start3A_40] : memref<2500x2x128xi32, #tpu.memory_space<hbm>> -> memref<78x2x128xi32, #tpu.memory_space<hbm>>
        tpu.enqueue_dma source(%dma_start3A_41 : memref<78x2x128xi32, #tpu.memory_space<hbm>>) target(%dma_start3A_38 : memref<78x2x128xi32, #tpu.memory_space<vmem>>) target_semaphore(%run_scoped3A : memref<!tpu.dma_semaphore, #tpu.memory_space<semaphore_mem>>)
        %dma_wait3A = arith.constant 0 : i32
        %dma_wait3A_42 = arith.constant 0 : i32
        %dma_wait3A_43 = arith.constant 0 : i32
        %dma_wait3A_44 = tpu.memref_slice %arg4[%dma_wait3A, %dma_wait3A_42, %dma_wait3A_43] : memref<79x2x128xi32, #tpu.memory_space<vmem>> -> memref<78x2x128xi32, #tpu.memory_space<vmem>>
        %dma_wait3A_45 = arith.constant 0 : i32
        %dma_wait3A_46 = arith.constant 0 : i32
        %dma_wait3A_47 = tpu.memref_slice %arg2[%add3A_9, %dma_wait3A_45, %dma_wait3A_46] : memref<2500x2x128xi32, #tpu.memory_space<hbm>> -> memref<78x2x128xi32, #tpu.memory_space<hbm>>
        %dma_wait3A_48 = arith.constant 0 : i32
        %dma_wait3A_49 = arith.constant 0 : i32
        %dma_wait3A_50 = arith.constant 0 : i32
        %dma_wait3A_51 = tpu.memref_slice %arg4[%dma_wait3A_48, %dma_wait3A_49, %dma_wait3A_50] : memref<79x2x128xi32, #tpu.memory_space<vmem>> -> memref<78x2x128xi32, #tpu.memory_space<vmem>>
        %dma_wait3A_52 = arith.constant 0 : i32
        %dma_wait3A_53 = arith.constant 0 : i32
        %dma_wait3A_54 = tpu.memref_slice %arg2[%add3A_9, %dma_wait3A_52, %dma_wait3A_53] : memref<2500x2x128xi32, #tpu.memory_space<hbm>> -> memref<78x2x128xi32, #tpu.memory_space<hbm>>
        tpu.wait_dma2 semaphore(%run_scoped3A : memref<!tpu.dma_semaphore, #tpu.memory_space<semaphore_mem>>) src(%dma_wait3A_54 : memref<78x2x128xi32, #tpu.memory_space<hbm>>) dst(%dma_wait3A_51 : memref<78x2x128xi32, #tpu.memory_space<vmem>>)
        tpu.yield
      }) : () -> ()
    } else {
    }
    %broadcast_in_dim3A = arith.constant 1.000000e+00 : f32
    %broadcast_in_dim3A_19 = vector.broadcast %broadcast_in_dim3A : f32 to vector<16xf32>
    %while3A = arith.constant 0 : i32
    %while3A_20 = arith.constant 0 : i32
    %while3A_21 = arith.subi %select_n3A, %while3A_20 : i32
    %while3A_22 = arith.addi %while3A_20, %while3A_21 : i32
    %while3A_23 = arith.constant 1 : i32
    %while3A_24 = arith.divsi %while3A_21, %while3A_23 : i32
    %while3A_25 = arith.muli %while3A_24, %while3A_23 : i32
    %while3A_26 = arith.addi %while3A_20, %while3A_25 : i32
    %while3A_27 = arith.constant 1 : i32
    scf.for %while3A_29 = %while3A_20 to %while3A_26 step %while3A_27  : i32 {
      %get3A = arith.constant 1 : i32
      %get3A_30 = arith.index_cast %while3A_29 : i32 to index
      %get3A_31 = arith.index_cast %get3A : i32 to index
      %get3A_32 = arith.constant 0 : index
      %get3A_33 = tpu.vector_load %arg4[%get3A_30, %get3A_31, %get3A_32] {strides = array<i32>} : memref<79x2x128xi32, #tpu.memory_space<vmem>>, vector<16xi32>,
      tpu.vector_store_idx %arg5[%get3A_33], %broadcast_in_dim3A_19 {add = true} : memref<10000xf32, #tpu.memory_space<vmem>>[vector<16xi32>], vector<16xf32>,
      %get3A_34 = arith.constant 1 : i32
      %get3A_35 = arith.index_cast %while3A_29 : i32 to index
      %get3A_36 = arith.index_cast %get3A_34 : i32 to index
      %get3A_37 = arith.constant 16 : index
      %get3A_38 = tpu.vector_load %arg4[%get3A_35, %get3A_36, %get3A_37] {strides = array<i32>} : memref<79x2x128xi32, #tpu.memory_space<vmem>>, vector<16xi32>,
      tpu.vector_store_idx %arg5[%get3A_38], %broadcast_in_dim3A_19 {add = true} : memref<10000xf32, #tpu.memory_space<vmem>>[vector<16xi32>], vector<16xf32>,
      %get3A_39 = arith.constant 1 : i32
      %get3A_40 = arith.index_cast %while3A_29 : i32 to index
      %get3A_41 = arith.index_cast %get3A_39 : i32 to index
      %get3A_42 = arith.constant 32 : index
      %get3A_43 = tpu.vector_load %arg4[%get3A_40, %get3A_41, %get3A_42] {strides = array<i32>} : memref<79x2x128xi32, #tpu.memory_space<vmem>>, vector<16xi32>,
      tpu.vector_store_idx %arg5[%get3A_43], %broadcast_in_dim3A_19 {add = true} : memref<10000xf32, #tpu.memory_space<vmem>>[vector<16xi32>], vector<16xf32>,
      %get3A_44 = arith.constant 1 : i32
      %get3A_45 = arith.index_cast %while3A_29 : i32 to index
      %get3A_46 = arith.index_cast %get3A_44 : i32 to index
      %get3A_47 = arith.constant 48 : index
      %get3A_48 = tpu.vector_load %arg4[%get3A_45, %get3A_46, %get3A_47] {strides = array<i32>} : memref<79x2x128xi32, #tpu.memory_space<vmem>>, vector<16xi32>,
      tpu.vector_store_idx %arg5[%get3A_48], %broadcast_in_dim3A_19 {add = true} : memref<10000xf32, #tpu.memory_space<vmem>>[vector<16xi32>], vector<16xf32>,
      %get3A_49 = arith.constant 1 : i32
      %get3A_50 = arith.index_cast %while3A_29 : i32 to index
      %get3A_51 = arith.index_cast %get3A_49 : i32 to index
      %get3A_52 = arith.constant 64 : index
      %get3A_53 = tpu.vector_load %arg4[%get3A_50, %get3A_51, %get3A_52] {strides = array<i32>} : memref<79x2x128xi32, #tpu.memory_space<vmem>>, vector<16xi32>,
      tpu.vector_store_idx %arg5[%get3A_53], %broadcast_in_dim3A_19 {add = true} : memref<10000xf32, #tpu.memory_space<vmem>>[vector<16xi32>], vector<16xf32>,
      %get3A_54 = arith.constant 1 : i32
      %get3A_55 = arith.index_cast %while3A_29 : i32 to index
      %get3A_56 = arith.index_cast %get3A_54 : i32 to index
      %get3A_57 = arith.constant 80 : index
      %get3A_58 = tpu.vector_load %arg4[%get3A_55, %get3A_56, %get3A_57] {strides = array<i32>} : memref<79x2x128xi32, #tpu.memory_space<vmem>>, vector<16xi32>,
      tpu.vector_store_idx %arg5[%get3A_58], %broadcast_in_dim3A_19 {add = true} : memref<10000xf32, #tpu.memory_space<vmem>>[vector<16xi32>], vector<16xf32>,
      %get3A_59 = arith.constant 1 : i32
      %get3A_60 = arith.index_cast %while3A_29 : i32 to index
      %get3A_61 = arith.index_cast %get3A_59 : i32 to index
      %get3A_62 = arith.constant 96 : index
      %get3A_63 = tpu.vector_load %arg4[%get3A_60, %get3A_61, %get3A_62] {strides = array<i32>} : memref<79x2x128xi32, #tpu.memory_space<vmem>>, vector<16xi32>,
      tpu.vector_store_idx %arg5[%get3A_63], %broadcast_in_dim3A_19 {add = true} : memref<10000xf32, #tpu.memory_space<vmem>>[vector<16xi32>], vector<16xf32>,
      %get3A_64 = arith.constant 1 : i32
      %get3A_65 = arith.index_cast %while3A_29 : i32 to index
      %get3A_66 = arith.index_cast %get3A_64 : i32 to index
      %get3A_67 = arith.constant 112 : index
      %get3A_68 = tpu.vector_load %arg4[%get3A_65, %get3A_66, %get3A_67] {strides = array<i32>} : memref<79x2x128xi32, #tpu.memory_space<vmem>>, vector<16xi32>,
      tpu.vector_store_idx %arg5[%get3A_68], %broadcast_in_dim3A_19 {add = true} : memref<10000xf32, #tpu.memory_space<vmem>>[vector<16xi32>], vector<16xf32>,
    }
    %while3A_28 = arith.constant 1 : i32
    scf.for %while3A_29 = %while3A_26 to %while3A_22 step %while3A_28  : i32 {
      %get3A = arith.constant 1 : i32
      %get3A_30 = arith.index_cast %while3A_29 : i32 to index
      %get3A_31 = arith.index_cast %get3A : i32 to index
      %get3A_32 = arith.constant 0 : index
      %get3A_33 = tpu.vector_load %arg4[%get3A_30, %get3A_31, %get3A_32] {strides = array<i32>} : memref<79x2x128xi32, #tpu.memory_space<vmem>>, vector<16xi32>,
      tpu.vector_store_idx %arg5[%get3A_33], %broadcast_in_dim3A_19 {add = true} : memref<10000xf32, #tpu.memory_space<vmem>>[vector<16xi32>], vector<16xf32>,
      %get3A_34 = arith.constant 1 : i32
      %get3A_35 = arith.index_cast %while3A_29 : i32 to index
      %get3A_36 = arith.index_cast %get3A_34 : i32 to index
      %get3A_37 = arith.constant 16 : index
      %get3A_38 = tpu.vector_load %arg4[%get3A_35, %get3A_36, %get3A_37] {strides = array<i32>} : memref<79x2x128xi32, #tpu.memory_space<vmem>>, vector<16xi32>,
      tpu.vector_store_idx %arg5[%get3A_38], %broadcast_in_dim3A_19 {add = true} : memref<10000xf32, #tpu.memory_space<vmem>>[vector<16xi32>], vector<16xf32>,
      %get3A_39 = arith.constant 1 : i32
      %get3A_40 = arith.index_cast %while3A_29 : i32 to index
      %get3A_41 = arith.index_cast %get3A_39 : i32 to index
      %get3A_42 = arith.constant 32 : index
      %get3A_43 = tpu.vector_load %arg4[%get3A_40, %get3A_41, %get3A_42] {strides = array<i32>} : memref<79x2x128xi32, #tpu.memory_space<vmem>>, vector<16xi32>,
      tpu.vector_store_idx %arg5[%get3A_43], %broadcast_in_dim3A_19 {add = true} : memref<10000xf32, #tpu.memory_space<vmem>>[vector<16xi32>], vector<16xf32>,
      %get3A_44 = arith.constant 1 : i32
      %get3A_45 = arith.index_cast %while3A_29 : i32 to index
      %get3A_46 = arith.index_cast %get3A_44 : i32 to index
      %get3A_47 = arith.constant 48 : index
      %get3A_48 = tpu.vector_load %arg4[%get3A_45, %get3A_46, %get3A_47] {strides = array<i32>} : memref<79x2x128xi32, #tpu.memory_space<vmem>>, vector<16xi32>,
      tpu.vector_store_idx %arg5[%get3A_48], %broadcast_in_dim3A_19 {add = true} : memref<10000xf32, #tpu.memory_space<vmem>>[vector<16xi32>], vector<16xf32>,
      %get3A_49 = arith.constant 1 : i32
      %get3A_50 = arith.index_cast %while3A_29 : i32 to index
      %get3A_51 = arith.index_cast %get3A_49 : i32 to index
      %get3A_52 = arith.constant 64 : index
      %get3A_53 = tpu.vector_load %arg4[%get3A_50, %get3A_51, %get3A_52] {strides = array<i32>} : memref<79x2x128xi32, #tpu.memory_space<vmem>>, vector<16xi32>,
      tpu.vector_store_idx %arg5[%get3A_53], %broadcast_in_dim3A_19 {add = true} : memref<10000xf32, #tpu.memory_space<vmem>>[vector<16xi32>], vector<16xf32>,
      %get3A_54 = arith.constant 1 : i32
      %get3A_55 = arith.index_cast %while3A_29 : i32 to index
      %get3A_56 = arith.index_cast %get3A_54 : i32 to index
      %get3A_57 = arith.constant 80 : index
      %get3A_58 = tpu.vector_load %arg4[%get3A_55, %get3A_56, %get3A_57] {strides = array<i32>} : memref<79x2x128xi32, #tpu.memory_space<vmem>>, vector<16xi32>,
      tpu.vector_store_idx %arg5[%get3A_58], %broadcast_in_dim3A_19 {add = true} : memref<10000xf32, #tpu.memory_space<vmem>>[vector<16xi32>], vector<16xf32>,
      %get3A_59 = arith.constant 1 : i32
      %get3A_60 = arith.index_cast %while3A_29 : i32 to index
      %get3A_61 = arith.index_cast %get3A_59 : i32 to index
      %get3A_62 = arith.constant 96 : index
      %get3A_63 = tpu.vector_load %arg4[%get3A_60, %get3A_61, %get3A_62] {strides = array<i32>} : memref<79x2x128xi32, #tpu.memory_space<vmem>>, vector<16xi32>,
      tpu.vector_store_idx %arg5[%get3A_63], %broadcast_in_dim3A_19 {add = true} : memref<10000xf32, #tpu.memory_space<vmem>>[vector<16xi32>], vector<16xf32>,
      %get3A_64 = arith.constant 1 : i32
      %get3A_65 = arith.index_cast %while3A_29 : i32 to index
      %get3A_66 = arith.index_cast %get3A_64 : i32 to index
      %get3A_67 = arith.constant 112 : index
      %get3A_68 = tpu.vector_load %arg4[%get3A_65, %get3A_66, %get3A_67] {strides = array<i32>} : memref<79x2x128xi32, #tpu.memory_space<vmem>>, vector<16xi32>,
      tpu.vector_store_idx %arg5[%get3A_68], %broadcast_in_dim3A_19 {add = true} : memref<10000xf32, #tpu.memory_space<vmem>>[vector<16xi32>], vector<16xf32>,
    }
    "tpu.region"() ({
      %run_scoped3A = tpu.sem_alloc : memref<!tpu.dma_semaphore, #tpu.memory_space<semaphore_mem>>
      %dma_start3A = arith.constant 0 : i32
      %dma_start3A_29 = tpu.memref_slice %arg3[%add3A, %dma_start3A] : memref<32x10000xf32, #tpu.memory_space<hbm>> -> memref<1x10000xf32, #tpu.memory_space<hbm>>
      %dma_start3A_30 = tpu.memref_squeeze %dma_start3A_29 : memref<1x10000xf32, #tpu.memory_space<hbm>> -> memref<10000xf32, #tpu.memory_space<hbm>>
      %dma_start3A_31 = arith.constant 0 : i32
      %dma_start3A_32 = tpu.memref_slice %arg3[%add3A, %dma_start3A_31] : memref<32x10000xf32, #tpu.memory_space<hbm>> -> memref<1x10000xf32, #tpu.memory_space<hbm>>
      %dma_start3A_33 = tpu.memref_squeeze %dma_start3A_32 : memref<1x10000xf32, #tpu.memory_space<hbm>> -> memref<10000xf32, #tpu.memory_space<hbm>>
      tpu.enqueue_dma source(%arg5 : memref<10000xf32, #tpu.memory_space<vmem>>) target(%dma_start3A_33 : memref<10000xf32, #tpu.memory_space<hbm>>) target_semaphore(%run_scoped3A : memref<!tpu.dma_semaphore, #tpu.memory_space<semaphore_mem>>)
      %dma_wait3A = arith.constant 0 : i32
      %dma_wait3A_34 = tpu.memref_slice %arg3[%add3A, %dma_wait3A] : memref<32x10000xf32, #tpu.memory_space<hbm>> -> memref<1x10000xf32, #tpu.memory_space<hbm>>
      %dma_wait3A_35 = tpu.memref_squeeze %dma_wait3A_34 : memref<1x10000xf32, #tpu.memory_space<hbm>> -> memref<10000xf32, #tpu.memory_space<hbm>>
      %dma_wait3A_36 = arith.constant 0 : i32
      %dma_wait3A_37 = tpu.memref_slice %arg3[%add3A, %dma_wait3A_36] : memref<32x10000xf32, #tpu.memory_space<hbm>> -> memref<1x10000xf32, #tpu.memory_space<hbm>>
      %dma_wait3A_38 = tpu.memref_squeeze %dma_wait3A_37 : memref<1x10000xf32, #tpu.memory_space<hbm>> -> memref<10000xf32, #tpu.memory_space<hbm>>
      tpu.wait_dma2 semaphore(%run_scoped3A : memref<!tpu.dma_semaphore, #tpu.memory_space<semaphore_mem>>) src(%arg5 : memref<10000xf32, #tpu.memory_space<vmem>>) dst(%dma_wait3A_38 : memref<10000xf32, #tpu.memory_space<hbm>>)
      tpu.yield
    }) : () -> ()
    return
  }
}

#map = affine_map<(d0, d1) -> (0, 0)>
#map1 = affine_map<(d0, d1) -> (0, 0, 0)>
module attributes {stable_mosaic.version = 14 : i64} {
  func.func @_agg_body(%arg0: i32, %arg1: i32, %arg2: memref<10000x64xf32, #tpu.memory_space<hbm>>, %arg3: memref<2500x2x128xi32, #tpu.memory_space<hbm>>, %arg4: memref<10000x64xf32, #tpu.memory_space<hbm>>, %arg5: memref<10000x128xf32, #tpu.memory_space<hbm>>, %arg6: memref<10000x64xf32, #tpu.memory_space<vmem_shared>>, %arg7: memref<79x2x128xi32, #tpu.memory_space<vmem>>, %arg8: memref<4x128x64xf32, #tpu.memory_space<vmem>>, %arg9: memref<4x!tpu.dma_semaphore, #tpu.memory_space<semaphore_mem>>, %arg10: memref<4x!tpu.dma_semaphore, #tpu.memory_space<semaphore_mem>>) attributes {dimension_semantics = [#tpu.dimension_semantics<core_parallel>, #tpu.dimension_semantics<subcore_parallel>], iteration_bounds = array<i64: 2, 16>, scalar_prefetch = 0 : i64, scratch_operands = 5 : i64, tpu.core_type = #tpu.core_type<sc_vector_subcore>, window_params = [{transform_indices = #map}, {transform_indices = #map1}, {transform_indices = #map}, {transform_indices = #map}]} {
    %mul3A = arith.constant 624 : i32
    %mul3A_0 = arith.muli %arg1, %mul3A : i32
    %multiple_of3A = tpu.assume_multiple %mul3A_0, 8 : i32
    "tpu.region"() ({
      %run_scoped3A = tpu.sem_alloc : memref<!tpu.dma_semaphore, #tpu.memory_space<semaphore_mem>>
      %dma_start3A = arith.constant 0 : i32
      %dma_start3A_56 = tpu.memref_slice %arg6[%multiple_of3A, %dma_start3A] : memref<10000x64xf32, #tpu.memory_space<vmem_shared>> -> memref<624x64xf32, #tpu.memory_space<vmem_shared>>
      %dma_start3A_57 = arith.constant 0 : i32
      %dma_start3A_58 = tpu.memref_slice %arg4[%multiple_of3A, %dma_start3A_57] : memref<10000x64xf32, #tpu.memory_space<hbm>> -> memref<624x64xf32, #tpu.memory_space<hbm>>
      tpu.enqueue_dma source(%dma_start3A_58 : memref<624x64xf32, #tpu.memory_space<hbm>>) target(%dma_start3A_56 : memref<624x64xf32, #tpu.memory_space<vmem_shared>>) target_semaphore(%run_scoped3A : memref<!tpu.dma_semaphore, #tpu.memory_space<semaphore_mem>>)
      %dma_wait3A = arith.constant 0 : i32
      %dma_wait3A_59 = tpu.memref_slice %arg6[%multiple_of3A, %dma_wait3A] : memref<10000x64xf32, #tpu.memory_space<vmem_shared>> -> memref<624x64xf32, #tpu.memory_space<vmem_shared>>
      %dma_wait3A_60 = arith.constant 0 : i32
      %dma_wait3A_61 = tpu.memref_slice %arg4[%multiple_of3A, %dma_wait3A_60] : memref<10000x64xf32, #tpu.memory_space<hbm>> -> memref<624x64xf32, #tpu.memory_space<hbm>>
      tpu.wait_dma2 semaphore(%run_scoped3A : memref<!tpu.dma_semaphore, #tpu.memory_space<semaphore_mem>>) src(%dma_wait3A_61 : memref<624x64xf32, #tpu.memory_space<hbm>>) dst(%dma_wait3A_59 : memref<624x64xf32, #tpu.memory_space<vmem_shared>>)
      tpu.yield
    }) : () -> ()
    %eq3A = arith.constant 15 : i32
    %eq3A_1 = arith.cmpi eq, %arg1, %eq3A : i32
    %convert_element_type3A = arith.extui %eq3A_1 : i1 to i32
    %cond3A = arith.constant 0 : i32
    %cond3A_2 = arith.cmpi ne, %convert_element_type3A, %cond3A : i32
    scf.if %cond3A_2 {
      "tpu.region"() ({
        %run_scoped3A = tpu.sem_alloc : memref<!tpu.dma_semaphore, #tpu.memory_space<semaphore_mem>>
        %dma_start3A = arith.constant 9984 : i32
        %dma_start3A_56 = arith.constant 0 : i32
        %dma_start3A_57 = tpu.memref_slice %arg6[%dma_start3A, %dma_start3A_56] : memref<10000x64xf32, #tpu.memory_space<vmem_shared>> -> memref<16x64xf32, #tpu.memory_space<vmem_shared>>
        %dma_start3A_58 = arith.constant 9984 : i32
        %dma_start3A_59 = arith.constant 0 : i32
        %dma_start3A_60 = tpu.memref_slice %arg4[%dma_start3A_58, %dma_start3A_59] : memref<10000x64xf32, #tpu.memory_space<hbm>> -> memref<16x64xf32, #tpu.memory_space<hbm>>
        tpu.enqueue_dma source(%dma_start3A_60 : memref<16x64xf32, #tpu.memory_space<hbm>>) target(%dma_start3A_57 : memref<16x64xf32, #tpu.memory_space<vmem_shared>>) target_semaphore(%run_scoped3A : memref<!tpu.dma_semaphore, #tpu.memory_space<semaphore_mem>>)
        %dma_wait3A = arith.constant 9984 : i32
        %dma_wait3A_61 = arith.constant 0 : i32
        %dma_wait3A_62 = tpu.memref_slice %arg6[%dma_wait3A, %dma_wait3A_61] : memref<10000x64xf32, #tpu.memory_space<vmem_shared>> -> memref<16x64xf32, #tpu.memory_space<vmem_shared>>
        %dma_wait3A_63 = arith.constant 9984 : i32
        %dma_wait3A_64 = arith.constant 0 : i32
        %dma_wait3A_65 = tpu.memref_slice %arg4[%dma_wait3A_63, %dma_wait3A_64] : memref<10000x64xf32, #tpu.memory_space<hbm>> -> memref<16x64xf32, #tpu.memory_space<hbm>>
        tpu.wait_dma2 semaphore(%run_scoped3A : memref<!tpu.dma_semaphore, #tpu.memory_space<semaphore_mem>>) src(%dma_wait3A_65 : memref<16x64xf32, #tpu.memory_space<hbm>>) dst(%dma_wait3A_62 : memref<16x64xf32, #tpu.memory_space<vmem_shared>>)
        tpu.yield
      }) : () -> ()
    } else {
    }
    %barrier3A = arith.constant 0 : index
    tpu.barrier barrier_id(%barrier3A)
    %mul3A_3 = arith.constant 1250 : i32
    %mul3A_4 = arith.muli %arg0, %mul3A_3 : i32
    %mul3A_5 = arith.constant 78 : i32
    %mul3A_6 = arith.muli %arg1, %mul3A_5 : i32
    %add3A = arith.addi %mul3A_4, %mul3A_6 : i32
    %min3A = arith.constant 2 : i32
    %min3A_7 = arith.minsi %arg1, %min3A : i32
    %add3A_8 = arith.addi %add3A, %min3A_7 : i32
    %lt3A = arith.constant 2 : i32
    %lt3A_9 = arith.cmpi slt, %arg1, %lt3A : i32
    %jit3A = arith.constant 79 : i32
    %jit3A_10 = arith.constant 78 : i32
    %select_n3A = arith.select %lt3A_9, %jit3A, %jit3A_10 : i32
    %lt3A_11 = arith.constant 2 : i32
    %lt3A_12 = arith.cmpi slt, %arg1, %lt3A_11 : i32
    %convert_element_type3A_13 = arith.extui %lt3A_12 : i1 to i32
    %cond3A_14 = arith.constant 0 : i32
    %cond3A_15 = arith.cmpi ne, %convert_element_type3A_13, %cond3A_14 : i32
    scf.if %cond3A_15 {
      %add3A_56 = arith.constant 0 : i32
      %add3A_57 = arith.addi %add3A_8, %add3A_56 : i32
      "tpu.region"() ({
        %run_scoped3A = tpu.sem_alloc : memref<!tpu.dma_semaphore, #tpu.memory_space<semaphore_mem>>
        %dma_start3A = arith.constant 0 : i32
        %dma_start3A_58 = arith.constant 0 : i32
        %dma_start3A_59 = arith.constant 0 : i32
        %dma_start3A_60 = tpu.memref_slice %arg7[%dma_start3A, %dma_start3A_58, %dma_start3A_59] : memref<79x2x128xi32, #tpu.memory_space<vmem>> -> memref<79x2x128xi32, #tpu.memory_space<vmem>>
        %dma_start3A_61 = arith.constant 0 : i32
        %dma_start3A_62 = arith.constant 0 : i32
        %dma_start3A_63 = tpu.memref_slice %arg3[%add3A_57, %dma_start3A_61, %dma_start3A_62] : memref<2500x2x128xi32, #tpu.memory_space<hbm>> -> memref<79x2x128xi32, #tpu.memory_space<hbm>>
        %dma_start3A_64 = arith.constant 0 : i32
        %dma_start3A_65 = arith.constant 0 : i32
        %dma_start3A_66 = arith.constant 0 : i32
        %dma_start3A_67 = tpu.memref_slice %arg7[%dma_start3A_64, %dma_start3A_65, %dma_start3A_66] : memref<79x2x128xi32, #tpu.memory_space<vmem>> -> memref<79x2x128xi32, #tpu.memory_space<vmem>>
        %dma_start3A_68 = arith.constant 0 : i32
        %dma_start3A_69 = arith.constant 0 : i32
        %dma_start3A_70 = tpu.memref_slice %arg3[%add3A_57, %dma_start3A_68, %dma_start3A_69] : memref<2500x2x128xi32, #tpu.memory_space<hbm>> -> memref<79x2x128xi32, #tpu.memory_space<hbm>>
        tpu.enqueue_dma source(%dma_start3A_70 : memref<79x2x128xi32, #tpu.memory_space<hbm>>) target(%dma_start3A_67 : memref<79x2x128xi32, #tpu.memory_space<vmem>>) target_semaphore(%run_scoped3A : memref<!tpu.dma_semaphore, #tpu.memory_space<semaphore_mem>>)
        %dma_wait3A = arith.constant 0 : i32
        %dma_wait3A_71 = arith.constant 0 : i32
        %dma_wait3A_72 = arith.constant 0 : i32
        %dma_wait3A_73 = tpu.memref_slice %arg7[%dma_wait3A, %dma_wait3A_71, %dma_wait3A_72] : memref<79x2x128xi32, #tpu.memory_space<vmem>> -> memref<79x2x128xi32, #tpu.memory_space<vmem>>
        %dma_wait3A_74 = arith.constant 0 : i32
        %dma_wait3A_75 = arith.constant 0 : i32
        %dma_wait3A_76 = tpu.memref_slice %arg3[%add3A_57, %dma_wait3A_74, %dma_wait3A_75] : memref<2500x2x128xi32, #tpu.memory_space<hbm>> -> memref<79x2x128xi32, #tpu.memory_space<hbm>>
        %dma_wait3A_77 = arith.constant 0 : i32
        %dma_wait3A_78 = arith.constant 0 : i32
        %dma_wait3A_79 = arith.constant 0 : i32
        %dma_wait3A_80 = tpu.memref_slice %arg7[%dma_wait3A_77, %dma_wait3A_78, %dma_wait3A_79] : memref<79x2x128xi32, #tpu.memory_space<vmem>> -> memref<79x2x128xi32, #tpu.memory_space<vmem>>
        %dma_wait3A_81 = arith.constant 0 : i32
        %dma_wait3A_82 = arith.constant 0 : i32
        %dma_wait3A_83 = tpu.memref_slice %arg3[%add3A_57, %dma_wait3A_81, %dma_wait3A_82] : memref<2500x2x128xi32, #tpu.memory_space<hbm>> -> memref<79x2x128xi32, #tpu.memory_space<hbm>>
        tpu.wait_dma2 semaphore(%run_scoped3A : memref<!tpu.dma_semaphore, #tpu.memory_space<semaphore_mem>>) src(%dma_wait3A_83 : memref<79x2x128xi32, #tpu.memory_space<hbm>>) dst(%dma_wait3A_80 : memref<79x2x128xi32, #tpu.memory_space<vmem>>)
        tpu.yield
      }) : () -> ()
    } else {
    }
    %ge3A = arith.constant 2 : i32
    %ge3A_16 = arith.cmpi sge, %arg1, %ge3A : i32
    %convert_element_type3A_17 = arith.extui %ge3A_16 : i1 to i32
    %cond3A_18 = arith.constant 0 : i32
    %cond3A_19 = arith.cmpi ne, %convert_element_type3A_17, %cond3A_18 : i32
    scf.if %cond3A_19 {
      %add3A_56 = arith.constant 0 : i32
      %add3A_57 = arith.addi %add3A_8, %add3A_56 : i32
      "tpu.region"() ({
        %run_scoped3A = tpu.sem_alloc : memref<!tpu.dma_semaphore, #tpu.memory_space<semaphore_mem>>
        %dma_start3A = arith.constant 0 : i32
        %dma_start3A_58 = arith.constant 0 : i32
        %dma_start3A_59 = arith.constant 0 : i32
        %dma_start3A_60 = tpu.memref_slice %arg7[%dma_start3A, %dma_start3A_58, %dma_start3A_59] : memref<79x2x128xi32, #tpu.memory_space<vmem>> -> memref<78x2x128xi32, #tpu.memory_space<vmem>>
        %dma_start3A_61 = arith.constant 0 : i32
        %dma_start3A_62 = arith.constant 0 : i32
        %dma_start3A_63 = tpu.memref_slice %arg3[%add3A_57, %dma_start3A_61, %dma_start3A_62] : memref<2500x2x128xi32, #tpu.memory_space<hbm>> -> memref<78x2x128xi32, #tpu.memory_space<hbm>>
        %dma_start3A_64 = arith.constant 0 : i32
        %dma_start3A_65 = arith.constant 0 : i32
        %dma_start3A_66 = arith.constant 0 : i32
        %dma_start3A_67 = tpu.memref_slice %arg7[%dma_start3A_64, %dma_start3A_65, %dma_start3A_66] : memref<79x2x128xi32, #tpu.memory_space<vmem>> -> memref<78x2x128xi32, #tpu.memory_space<vmem>>
        %dma_start3A_68 = arith.constant 0 : i32
        %dma_start3A_69 = arith.constant 0 : i32
        %dma_start3A_70 = tpu.memref_slice %arg3[%add3A_57, %dma_start3A_68, %dma_start3A_69] : memref<2500x2x128xi32, #tpu.memory_space<hbm>> -> memref<78x2x128xi32, #tpu.memory_space<hbm>>
        tpu.enqueue_dma source(%dma_start3A_70 : memref<78x2x128xi32, #tpu.memory_space<hbm>>) target(%dma_start3A_67 : memref<78x2x128xi32, #tpu.memory_space<vmem>>) target_semaphore(%run_scoped3A : memref<!tpu.dma_semaphore, #tpu.memory_space<semaphore_mem>>)
        %dma_wait3A = arith.constant 0 : i32
        %dma_wait3A_71 = arith.constant 0 : i32
        %dma_wait3A_72 = arith.constant 0 : i32
        %dma_wait3A_73 = tpu.memref_slice %arg7[%dma_wait3A, %dma_wait3A_71, %dma_wait3A_72] : memref<79x2x128xi32, #tpu.memory_space<vmem>> -> memref<78x2x128xi32, #tpu.memory_space<vmem>>
        %dma_wait3A_74 = arith.constant 0 : i32
        %dma_wait3A_75 = arith.constant 0 : i32
        %dma_wait3A_76 = tpu.memref_slice %arg3[%add3A_57, %dma_wait3A_74, %dma_wait3A_75] : memref<2500x2x128xi32, #tpu.memory_space<hbm>> -> memref<78x2x128xi32, #tpu.memory_space<hbm>>
        %dma_wait3A_77 = arith.constant 0 : i32
        %dma_wait3A_78 = arith.constant 0 : i32
        %dma_wait3A_79 = arith.constant 0 : i32
        %dma_wait3A_80 = tpu.memref_slice %arg7[%dma_wait3A_77, %dma_wait3A_78, %dma_wait3A_79] : memref<79x2x128xi32, #tpu.memory_space<vmem>> -> memref<78x2x128xi32, #tpu.memory_space<vmem>>
        %dma_wait3A_81 = arith.constant 0 : i32
        %dma_wait3A_82 = arith.constant 0 : i32
        %dma_wait3A_83 = tpu.memref_slice %arg3[%add3A_57, %dma_wait3A_81, %dma_wait3A_82] : memref<2500x2x128xi32, #tpu.memory_space<hbm>> -> memref<78x2x128xi32, #tpu.memory_space<hbm>>
        tpu.wait_dma2 semaphore(%run_scoped3A : memref<!tpu.dma_semaphore, #tpu.memory_space<semaphore_mem>>) src(%dma_wait3A_83 : memref<78x2x128xi32, #tpu.memory_space<hbm>>) dst(%dma_wait3A_80 : memref<78x2x128xi32, #tpu.memory_space<vmem>>)
        tpu.yield
      }) : () -> ()
    } else {
    }
    %sub3A = arith.constant 0 : i32
    %sub3A_20 = arith.subi %select_n3A, %sub3A : i32
    %jit3A_21 = arith.constant 0 : i32
    %jit3A_22 = arith.constant 79 : i32
    %max3A = arith.maxsi %jit3A_21, %sub3A_20 : i32
    %min3A_23 = arith.minsi %jit3A_22, %max3A : i32
    %gt3A = arith.constant 0 : i32
    %gt3A_24 = arith.cmpi sgt, %min3A_23, %gt3A : i32
    %convert_element_type3A_25 = arith.extui %gt3A_24 : i1 to i32
    %cond3A_26 = arith.constant 0 : i32
    %cond3A_27 = arith.cmpi ne, %convert_element_type3A_25, %cond3A_26 : i32
    scf.if %cond3A_27 {
      %dma_start3A = arith.constant 0 : i32
      %dma_start3A_56 = arith.constant 0 : i32
      %dma_start3A_57 = arith.constant 0 : i32
      %dma_start3A_58 = arith.constant 0 : i32
      %dma_start3A_59 = arith.constant 0 : i32
      %dma_start3A_60 = arith.constant 0 : i32
      %dma_start3A_61 = tpu.memref_slice %arg8[%dma_start3A_57, %dma_start3A_59, %dma_start3A_60] : memref<4x128x64xf32, #tpu.memory_space<vmem>> -> memref<1x128x64xf32, #tpu.memory_space<vmem>>
      %dma_start3A_62 = tpu.memref_squeeze %dma_start3A_61 : memref<1x128x64xf32, #tpu.memory_space<vmem>> -> memref<128x64xf32, #tpu.memory_space<vmem>>
      %dma_start3A_63 = arith.constant 0 : i32
      %dma_start3A_64 = tpu.memref_slice %arg7[%dma_start3A, %dma_start3A_56, %dma_start3A_63] : memref<79x2x128xi32, #tpu.memory_space<vmem>> -> memref<1x1x128xi32, #tpu.memory_space<vmem>>
      %dma_start3A_65 = tpu.memref_squeeze %dma_start3A_64 : memref<1x1x128xi32, #tpu.memory_space<vmem>> -> memref<128xi32, #tpu.memory_space<vmem>>
      %dma_start3A_66 = arith.constant 0 : i32
      %dma_start3A_67 = arith.constant 0 : i32
      %dma_start3A_68 = tpu.memref_slice %arg2[%dma_start3A_66, %dma_start3A_67] : memref<10000x64xf32, #tpu.memory_space<hbm>> -> memref<10000x64xf32, #tpu.memory_space<hbm>>
      %dma_start3A_69 = tpu.memref_slice %arg9[%dma_start3A_58] : memref<4x!tpu.dma_semaphore, #tpu.memory_space<semaphore_mem>> -> memref<1x!tpu.dma_semaphore, #tpu.memory_space<semaphore_mem>>
      %dma_start3A_70 = tpu.memref_squeeze %dma_start3A_69 : memref<1x!tpu.dma_semaphore, #tpu.memory_space<semaphore_mem>> -> memref<!tpu.dma_semaphore, #tpu.memory_space<semaphore_mem>>
      tpu.enqueue_indirect_dma source(%dma_start3A_68 : memref<10000x64xf32, #tpu.memory_space<hbm>>) target(%dma_start3A_62 : memref<128x64xf32, #tpu.memory_space<vmem>>) offsets(%dma_start3A_65 : memref<128xi32, #tpu.memory_space<vmem>>) semaphore(%dma_start3A_70 : memref<!tpu.dma_semaphore, #tpu.memory_space<semaphore_mem>>)
    } else {
    }
    %gt3A_28 = arith.constant 1 : i32
    %gt3A_29 = arith.cmpi sgt, %min3A_23, %gt3A_28 : i32
    %convert_element_type3A_30 = arith.extui %gt3A_29 : i1 to i32
    %cond3A_31 = arith.constant 0 : i32
    %cond3A_32 = arith.cmpi ne, %convert_element_type3A_30, %cond3A_31 : i32
    scf.if %cond3A_32 {
      %dma_start3A = arith.constant 1 : i32
      %dma_start3A_56 = arith.constant 0 : i32
      %dma_start3A_57 = arith.constant 1 : i32
      %dma_start3A_58 = arith.constant 1 : i32
      %dma_start3A_59 = arith.constant 0 : i32
      %dma_start3A_60 = arith.constant 0 : i32
      %dma_start3A_61 = tpu.memref_slice %arg8[%dma_start3A_57, %dma_start3A_59, %dma_start3A_60] : memref<4x128x64xf32, #tpu.memory_space<vmem>> -> memref<1x128x64xf32, #tpu.memory_space<vmem>>
      %dma_start3A_62 = tpu.memref_squeeze %dma_start3A_61 : memref<1x128x64xf32, #tpu.memory_space<vmem>> -> memref<128x64xf32, #tpu.memory_space<vmem>>
      %dma_start3A_63 = arith.constant 0 : i32
      %dma_start3A_64 = tpu.memref_slice %arg7[%dma_start3A, %dma_start3A_56, %dma_start3A_63] : memref<79x2x128xi32, #tpu.memory_space<vmem>> -> memref<1x1x128xi32, #tpu.memory_space<vmem>>
      %dma_start3A_65 = tpu.memref_squeeze %dma_start3A_64 : memref<1x1x128xi32, #tpu.memory_space<vmem>> -> memref<128xi32, #tpu.memory_space<vmem>>
      %dma_start3A_66 = arith.constant 0 : i32
      %dma_start3A_67 = arith.constant 0 : i32
      %dma_start3A_68 = tpu.memref_slice %arg2[%dma_start3A_66, %dma_start3A_67] : memref<10000x64xf32, #tpu.memory_space<hbm>> -> memref<10000x64xf32, #tpu.memory_space<hbm>>
      %dma_start3A_69 = tpu.memref_slice %arg9[%dma_start3A_58] : memref<4x!tpu.dma_semaphore, #tpu.memory_space<semaphore_mem>> -> memref<1x!tpu.dma_semaphore, #tpu.memory_space<semaphore_mem>>
      %dma_start3A_70 = tpu.memref_squeeze %dma_start3A_69 : memref<1x!tpu.dma_semaphore, #tpu.memory_space<semaphore_mem>> -> memref<!tpu.dma_semaphore, #tpu.memory_space<semaphore_mem>>
      tpu.enqueue_indirect_dma source(%dma_start3A_68 : memref<10000x64xf32, #tpu.memory_space<hbm>>) target(%dma_start3A_62 : memref<128x64xf32, #tpu.memory_space<vmem>>) offsets(%dma_start3A_65 : memref<128xi32, #tpu.memory_space<vmem>>) semaphore(%dma_start3A_70 : memref<!tpu.dma_semaphore, #tpu.memory_space<semaphore_mem>>)
    } else {
    }
    %gt3A_33 = arith.constant 2 : i32
    %gt3A_34 = arith.cmpi sgt, %min3A_23, %gt3A_33 : i32
    %convert_element_type3A_35 = arith.extui %gt3A_34 : i1 to i32
    %cond3A_36 = arith.constant 0 : i32
    %cond3A_37 = arith.cmpi ne, %convert_element_type3A_35, %cond3A_36 : i32
    scf.if %cond3A_37 {
      %dma_start3A = arith.constant 2 : i32
      %dma_start3A_56 = arith.constant 0 : i32
      %dma_start3A_57 = arith.constant 2 : i32
      %dma_start3A_58 = arith.constant 2 : i32
      %dma_start3A_59 = arith.constant 0 : i32
      %dma_start3A_60 = arith.constant 0 : i32
      %dma_start3A_61 = tpu.memref_slice %arg8[%dma_start3A_57, %dma_start3A_59, %dma_start3A_60] : memref<4x128x64xf32, #tpu.memory_space<vmem>> -> memref<1x128x64xf32, #tpu.memory_space<vmem>>
      %dma_start3A_62 = tpu.memref_squeeze %dma_start3A_61 : memref<1x128x64xf32, #tpu.memory_space<vmem>> -> memref<128x64xf32, #tpu.memory_space<vmem>>
      %dma_start3A_63 = arith.constant 0 : i32
      %dma_start3A_64 = tpu.memref_slice %arg7[%dma_start3A, %dma_start3A_56, %dma_start3A_63] : memref<79x2x128xi32, #tpu.memory_space<vmem>> -> memref<1x1x128xi32, #tpu.memory_space<vmem>>
      %dma_start3A_65 = tpu.memref_squeeze %dma_start3A_64 : memref<1x1x128xi32, #tpu.memory_space<vmem>> -> memref<128xi32, #tpu.memory_space<vmem>>
      %dma_start3A_66 = arith.constant 0 : i32
      %dma_start3A_67 = arith.constant 0 : i32
      %dma_start3A_68 = tpu.memref_slice %arg2[%dma_start3A_66, %dma_start3A_67] : memref<10000x64xf32, #tpu.memory_space<hbm>> -> memref<10000x64xf32, #tpu.memory_space<hbm>>
      %dma_start3A_69 = tpu.memref_slice %arg9[%dma_start3A_58] : memref<4x!tpu.dma_semaphore, #tpu.memory_space<semaphore_mem>> -> memref<1x!tpu.dma_semaphore, #tpu.memory_space<semaphore_mem>>
      %dma_start3A_70 = tpu.memref_squeeze %dma_start3A_69 : memref<1x!tpu.dma_semaphore, #tpu.memory_space<semaphore_mem>> -> memref<!tpu.dma_semaphore, #tpu.memory_space<semaphore_mem>>
      tpu.enqueue_indirect_dma source(%dma_start3A_68 : memref<10000x64xf32, #tpu.memory_space<hbm>>) target(%dma_start3A_62 : memref<128x64xf32, #tpu.memory_space<vmem>>) offsets(%dma_start3A_65 : memref<128xi32, #tpu.memory_space<vmem>>) semaphore(%dma_start3A_70 : memref<!tpu.dma_semaphore, #tpu.memory_space<semaphore_mem>>)
    } else {
    }
    %gt3A_38 = arith.constant 3 : i32
    %gt3A_39 = arith.cmpi sgt, %min3A_23, %gt3A_38 : i32
    %convert_element_type3A_40 = arith.extui %gt3A_39 : i1 to i32
    %cond3A_41 = arith.constant 0 : i32
    %cond3A_42 = arith.cmpi ne, %convert_element_type3A_40, %cond3A_41 : i32
    scf.if %cond3A_42 {
      %dma_start3A = arith.constant 3 : i32
      %dma_start3A_56 = arith.constant 0 : i32
      %dma_start3A_57 = arith.constant 3 : i32
      %dma_start3A_58 = arith.constant 3 : i32
      %dma_start3A_59 = arith.constant 0 : i32
      %dma_start3A_60 = arith.constant 0 : i32
      %dma_start3A_61 = tpu.memref_slice %arg8[%dma_start3A_57, %dma_start3A_59, %dma_start3A_60] : memref<4x128x64xf32, #tpu.memory_space<vmem>> -> memref<1x128x64xf32, #tpu.memory_space<vmem>>
      %dma_start3A_62 = tpu.memref_squeeze %dma_start3A_61 : memref<1x128x64xf32, #tpu.memory_space<vmem>> -> memref<128x64xf32, #tpu.memory_space<vmem>>
      %dma_start3A_63 = arith.constant 0 : i32
      %dma_start3A_64 = tpu.memref_slice %arg7[%dma_start3A, %dma_start3A_56, %dma_start3A_63] : memref<79x2x128xi32, #tpu.memory_space<vmem>> -> memref<1x1x128xi32, #tpu.memory_space<vmem>>
      %dma_start3A_65 = tpu.memref_squeeze %dma_start3A_64 : memref<1x1x128xi32, #tpu.memory_space<vmem>> -> memref<128xi32, #tpu.memory_space<vmem>>
      %dma_start3A_66 = arith.constant 0 : i32
      %dma_start3A_67 = arith.constant 0 : i32
      %dma_start3A_68 = tpu.memref_slice %arg2[%dma_start3A_66, %dma_start3A_67] : memref<10000x64xf32, #tpu.memory_space<hbm>> -> memref<10000x64xf32, #tpu.memory_space<hbm>>
      %dma_start3A_69 = tpu.memref_slice %arg9[%dma_start3A_58] : memref<4x!tpu.dma_semaphore, #tpu.memory_space<semaphore_mem>> -> memref<1x!tpu.dma_semaphore, #tpu.memory_space<semaphore_mem>>
      %dma_start3A_70 = tpu.memref_squeeze %dma_start3A_69 : memref<1x!tpu.dma_semaphore, #tpu.memory_space<semaphore_mem>> -> memref<!tpu.dma_semaphore, #tpu.memory_space<semaphore_mem>>
      tpu.enqueue_indirect_dma source(%dma_start3A_68 : memref<10000x64xf32, #tpu.memory_space<hbm>>) target(%dma_start3A_62 : memref<128x64xf32, #tpu.memory_space<vmem>>) offsets(%dma_start3A_65 : memref<128xi32, #tpu.memory_space<vmem>>) semaphore(%dma_start3A_70 : memref<!tpu.dma_semaphore, #tpu.memory_space<semaphore_mem>>)
    } else {
    }
    %scan3A = arith.constant 0 : i32
    %scan3A_43 = arith.constant 0 : i32
    %scan3A_44 = arith.constant 20 : i32
    %scan3A_45 = arith.addi %scan3A_43, %scan3A_44 : i32
    %scan3A_46 = arith.constant 1 : i32
    scf.for %scan3A_56 = %scan3A_43 to %scan3A_45 step %scan3A_46  : i32 {
      %mul3A_57 = arith.constant 4 : i32
      %mul3A_58 = arith.muli %scan3A_56, %mul3A_57 : i32
      %add3A_59 = arith.constant 0 : i32
      %add3A_60 = arith.addi %mul3A_58, %add3A_59 : i32
      %lt3A_61 = arith.cmpi slt, %add3A_60, %min3A_23 : i32
      %convert_element_type3A_62 = arith.extui %lt3A_61 : i1 to i32
      %cond3A_63 = arith.constant 0 : i32
      %cond3A_64 = arith.cmpi ne, %convert_element_type3A_62, %cond3A_63 : i32
      scf.if %cond3A_64 {
        %dma_wait3A = arith.constant 0 : i32
        %dma_wait3A_89 = arith.constant 0 : i32
        %dma_wait3A_90 = arith.constant 0 : i32
        %dma_wait3A_91 = arith.constant 0 : i32
        %dma_wait3A_92 = arith.constant 0 : i32
        %dma_wait3A_93 = arith.constant 0 : i32
        %dma_wait3A_94 = tpu.memref_slice %arg8[%dma_wait3A_90, %dma_wait3A_92, %dma_wait3A_93] : memref<4x128x64xf32, #tpu.memory_space<vmem>> -> memref<1x128x64xf32, #tpu.memory_space<vmem>>
        %dma_wait3A_95 = tpu.memref_squeeze %dma_wait3A_94 : memref<1x128x64xf32, #tpu.memory_space<vmem>> -> memref<128x64xf32, #tpu.memory_space<vmem>>
        %dma_wait3A_96 = arith.constant 0 : i32
        %dma_wait3A_97 = tpu.memref_slice %arg7[%dma_wait3A, %dma_wait3A_89, %dma_wait3A_96] : memref<79x2x128xi32, #tpu.memory_space<vmem>> -> memref<1x1x128xi32, #tpu.memory_space<vmem>>
        %dma_wait3A_98 = tpu.memref_squeeze %dma_wait3A_97 : memref<1x1x128xi32, #tpu.memory_space<vmem>> -> memref<128xi32, #tpu.memory_space<vmem>>
        %dma_wait3A_99 = arith.constant 0 : i32
        %dma_wait3A_100 = arith.constant 0 : i32
        %dma_wait3A_101 = tpu.memref_slice %arg2[%dma_wait3A_99, %dma_wait3A_100] : memref<10000x64xf32, #tpu.memory_space<hbm>> -> memref<10000x64xf32, #tpu.memory_space<hbm>>
        %dma_wait3A_102 = tpu.memref_slice %arg9[%dma_wait3A_91] : memref<4x!tpu.dma_semaphore, #tpu.memory_space<semaphore_mem>> -> memref<1x!tpu.dma_semaphore, #tpu.memory_space<semaphore_mem>>
        %dma_wait3A_103 = tpu.memref_squeeze %dma_wait3A_102 : memref<1x!tpu.dma_semaphore, #tpu.memory_space<semaphore_mem>> -> memref<!tpu.dma_semaphore, #tpu.memory_space<semaphore_mem>>
        tpu.wait_indirect_dma semaphore(%dma_wait3A_103 : memref<!tpu.dma_semaphore, #tpu.memory_space<semaphore_mem>>) src(%dma_wait3A_101 : memref<10000x64xf32, #tpu.memory_space<hbm>>) dst(%dma_wait3A_95 : memref<128x64xf32, #tpu.memory_space<vmem>>)
        %run_scoped3A = arith.constant 0 : i32
        %run_scoped3A_104 = arith.constant 1 : i32
        "tpu.region"() ({
          %run_scoped3A_111 = tpu.sem_alloc : memref<!tpu.dma_semaphore, #tpu.memory_space<semaphore_mem>>
          %dma_start3A = arith.constant 0 : i32
          %dma_start3A_112 = arith.constant 0 : i32
          %dma_start3A_113 = tpu.memref_slice %arg8[%run_scoped3A, %dma_start3A, %dma_start3A_112] : memref<4x128x64xf32, #tpu.memory_space<vmem>> -> memref<1x128x64xf32, #tpu.memory_space<vmem>>
          %dma_start3A_114 = tpu.memref_squeeze %dma_start3A_113 : memref<1x128x64xf32, #tpu.memory_space<vmem>> -> memref<128x64xf32, #tpu.memory_space<vmem>>
          %dma_start3A_115 = arith.constant 0 : i32
          %dma_start3A_116 = tpu.memref_slice %arg7[%add3A_60, %run_scoped3A_104, %dma_start3A_115] : memref<79x2x128xi32, #tpu.memory_space<vmem>> -> memref<1x1x128xi32, #tpu.memory_space<vmem>>
          %dma_start3A_117 = tpu.memref_squeeze %dma_start3A_116 : memref<1x1x128xi32, #tpu.memory_space<vmem>> -> memref<128xi32, #tpu.memory_space<vmem>>
          %dma_start3A_118 = arith.constant 0 : i32
          %dma_start3A_119 = arith.constant 0 : i32
          %dma_start3A_120 = tpu.memref_slice %arg6[%dma_start3A_118, %dma_start3A_119] : memref<10000x64xf32, #tpu.memory_space<vmem_shared>> -> memref<10000x64xf32, #tpu.memory_space<vmem_shared>>
          tpu.enqueue_indirect_dma source(%dma_start3A_114 : memref<128x64xf32, #tpu.memory_space<vmem>>) target(%dma_start3A_120 : memref<10000x64xf32, #tpu.memory_space<vmem_shared>>) offsets(%dma_start3A_117 : memref<128xi32, #tpu.memory_space<vmem>>) semaphore(%run_scoped3A_111 : memref<!tpu.dma_semaphore, #tpu.memory_space<semaphore_mem>>) {add = true}
          %dma_wait3A_121 = arith.constant 0 : i32
          %dma_wait3A_122 = arith.constant 0 : i32
          %dma_wait3A_123 = tpu.memref_slice %arg8[%run_scoped3A, %dma_wait3A_121, %dma_wait3A_122] : memref<4x128x64xf32, #tpu.memory_space<vmem>> -> memref<1x128x64xf32, #tpu.memory_space<vmem>>
          %dma_wait3A_124 = tpu.memref_squeeze %dma_wait3A_123 : memref<1x128x64xf32, #tpu.memory_space<vmem>> -> memref<128x64xf32, #tpu.memory_space<vmem>>
          %dma_wait3A_125 = arith.constant 0 : i32
          %dma_wait3A_126 = tpu.memref_slice %arg7[%add3A_60, %run_scoped3A_104, %dma_wait3A_125] : memref<79x2x128xi32, #tpu.memory_space<vmem>> -> memref<1x1x128xi32, #tpu.memory_space<vmem>>
          %dma_wait3A_127 = tpu.memref_squeeze %dma_wait3A_126 : memref<1x1x128xi32, #tpu.memory_space<vmem>> -> memref<128xi32, #tpu.memory_space<vmem>>
          %dma_wait3A_128 = arith.constant 0 : i32
          %dma_wait3A_129 = arith.constant 0 : i32
          %dma_wait3A_130 = tpu.memref_slice %arg6[%dma_wait3A_128, %dma_wait3A_129] : memref<10000x64xf32, #tpu.memory_space<vmem_shared>> -> memref<10000x64xf32, #tpu.memory_space<vmem_shared>>
          tpu.wait_indirect_dma semaphore(%run_scoped3A_111 : memref<!tpu.dma_semaphore, #tpu.memory_space<semaphore_mem>>) src(%dma_wait3A_124 : memref<128x64xf32, #tpu.memory_space<vmem>>) dst(%dma_wait3A_130 : memref<10000x64xf32, #tpu.memory_space<vmem_shared>>)
          tpu.yield
        }) : () -> ()
        %add3A_105 = arith.constant 4 : i32
        %add3A_106 = arith.addi %add3A_60, %add3A_105 : i32
        %lt3A_107 = arith.cmpi slt, %add3A_106, %min3A_23 : i32
        %convert_element_type3A_108 = arith.extui %lt3A_107 : i1 to i32
        %cond3A_109 = arith.constant 0 : i32
        %cond3A_110 = arith.cmpi ne, %convert_element_type3A_108, %cond3A_109 : i32
        scf.if %cond3A_110 {
          %add3A_111 = arith.constant 4 : i32
          %add3A_112 = arith.addi %add3A_60, %add3A_111 : i32
          %dma_start3A = arith.constant 0 : i32
          %dma_start3A_113 = arith.constant 0 : i32
          %dma_start3A_114 = arith.constant 0 : i32
          %dma_start3A_115 = arith.constant 0 : i32
          %dma_start3A_116 = arith.constant 0 : i32
          %dma_start3A_117 = tpu.memref_slice %arg8[%dma_start3A_113, %dma_start3A_115, %dma_start3A_116] : memref<4x128x64xf32, #tpu.memory_space<vmem>> -> memref<1x128x64xf32, #tpu.memory_space<vmem>>
          %dma_start3A_118 = tpu.memref_squeeze %dma_start3A_117 : memref<1x128x64xf32, #tpu.memory_space<vmem>> -> memref<128x64xf32, #tpu.memory_space<vmem>>
          %dma_start3A_119 = arith.constant 0 : i32
          %dma_start3A_120 = tpu.memref_slice %arg7[%add3A_112, %dma_start3A, %dma_start3A_119] : memref<79x2x128xi32, #tpu.memory_space<vmem>> -> memref<1x1x128xi32, #tpu.memory_space<vmem>>
          %dma_start3A_121 = tpu.memref_squeeze %dma_start3A_120 : memref<1x1x128xi32, #tpu.memory_space<vmem>> -> memref<128xi32, #tpu.memory_space<vmem>>
          %dma_start3A_122 = arith.constant 0 : i32
          %dma_start3A_123 = arith.constant 0 : i32
          %dma_start3A_124 = tpu.memref_slice %arg2[%dma_start3A_122, %dma_start3A_123] : memref<10000x64xf32, #tpu.memory_space<hbm>> -> memref<10000x64xf32, #tpu.memory_space<hbm>>
          %dma_start3A_125 = tpu.memref_slice %arg9[%dma_start3A_114] : memref<4x!tpu.dma_semaphore, #tpu.memory_space<semaphore_mem>> -> memref<1x!tpu.dma_semaphore, #tpu.memory_space<semaphore_mem>>
          %dma_start3A_126 = tpu.memref_squeeze %dma_start3A_125 : memref<1x!tpu.dma_semaphore, #tpu.memory_space<semaphore_mem>> -> memref<!tpu.dma_semaphore, #tpu.memory_space<semaphore_mem>>
          tpu.enqueue_indirect_dma source(%dma_start3A_124 : memref<10000x64xf32, #tpu.memory_space<hbm>>) target(%dma_start3A_118 : memref<128x64xf32, #tpu.memory_space<vmem>>) offsets(%dma_start3A_121 : memref<128xi32, #tpu.memory_space<vmem>>) semaphore(%dma_start3A_126 : memref<!tpu.dma_semaphore, #tpu.memory_space<semaphore_mem>>)
        } else {
        }
      } else {
      }
      %mul3A_65 = arith.constant 4 : i32
      %mul3A_66 = arith.muli %scan3A_56, %mul3A_65 : i32
      %add3A_67 = arith.constant 1 : i32
      %add3A_68 = arith.addi %mul3A_66, %add3A_67 : i32
      %lt3A_69 = arith.cmpi slt, %add3A_68, %min3A_23 : i32
      %convert_element_type3A_70 = arith.extui %lt3A_69 : i1 to i32
      %cond3A_71 = arith.constant 0 : i32
      %cond3A_72 = arith.cmpi ne, %convert_element_type3A_70, %cond3A_71 : i32
      scf.if %cond3A_72 {
        %dma_wait3A = arith.constant 1 : i32
        %dma_wait3A_89 = arith.constant 0 : i32
        %dma_wait3A_90 = arith.constant 1 : i32
        %dma_wait3A_91 = arith.constant 1 : i32
        %dma_wait3A_92 = arith.constant 0 : i32
        %dma_wait3A_93 = arith.constant 0 : i32
        %dma_wait3A_94 = tpu.memref_slice %arg8[%dma_wait3A_90, %dma_wait3A_92, %dma_wait3A_93] : memref<4x128x64xf32, #tpu.memory_space<vmem>> -> memref<1x128x64xf32, #tpu.memory_space<vmem>>
        %dma_wait3A_95 = tpu.memref_squeeze %dma_wait3A_94 : memref<1x128x64xf32, #tpu.memory_space<vmem>> -> memref<128x64xf32, #tpu.memory_space<vmem>>
        %dma_wait3A_96 = arith.constant 0 : i32
        %dma_wait3A_97 = tpu.memref_slice %arg7[%dma_wait3A, %dma_wait3A_89, %dma_wait3A_96] : memref<79x2x128xi32, #tpu.memory_space<vmem>> -> memref<1x1x128xi32, #tpu.memory_space<vmem>>
        %dma_wait3A_98 = tpu.memref_squeeze %dma_wait3A_97 : memref<1x1x128xi32, #tpu.memory_space<vmem>> -> memref<128xi32, #tpu.memory_space<vmem>>
        %dma_wait3A_99 = arith.constant 0 : i32
        %dma_wait3A_100 = arith.constant 0 : i32
        %dma_wait3A_101 = tpu.memref_slice %arg2[%dma_wait3A_99, %dma_wait3A_100] : memref<10000x64xf32, #tpu.memory_space<hbm>> -> memref<10000x64xf32, #tpu.memory_space<hbm>>
        %dma_wait3A_102 = tpu.memref_slice %arg9[%dma_wait3A_91] : memref<4x!tpu.dma_semaphore, #tpu.memory_space<semaphore_mem>> -> memref<1x!tpu.dma_semaphore, #tpu.memory_space<semaphore_mem>>
        %dma_wait3A_103 = tpu.memref_squeeze %dma_wait3A_102 : memref<1x!tpu.dma_semaphore, #tpu.memory_space<semaphore_mem>> -> memref<!tpu.dma_semaphore, #tpu.memory_space<semaphore_mem>>
        tpu.wait_indirect_dma semaphore(%dma_wait3A_103 : memref<!tpu.dma_semaphore, #tpu.memory_space<semaphore_mem>>) src(%dma_wait3A_101 : memref<10000x64xf32, #tpu.memory_space<hbm>>) dst(%dma_wait3A_95 : memref<128x64xf32, #tpu.memory_space<vmem>>)
        %run_scoped3A = arith.constant 1 : i32
        %run_scoped3A_104 = arith.constant 1 : i32
        "tpu.region"() ({
          %run_scoped3A_111 = tpu.sem_alloc : memref<!tpu.dma_semaphore, #tpu.memory_space<semaphore_mem>>
          %dma_start3A = arith.constant 0 : i32
          %dma_start3A_112 = arith.constant 0 : i32
          %dma_start3A_113 = tpu.memref_slice %arg8[%run_scoped3A, %dma_start3A, %dma_start3A_112] : memref<4x128x64xf32, #tpu.memory_space<vmem>> -> memref<1x128x64xf32, #tpu.memory_space<vmem>>
          %dma_start3A_114 = tpu.memref_squeeze %dma_start3A_113 : memref<1x128x64xf32, #tpu.memory_space<vmem>> -> memref<128x64xf32, #tpu.memory_space<vmem>>
          %dma_start3A_115 = arith.constant 0 : i32
          %dma_start3A_116 = tpu.memref_slice %arg7[%add3A_68, %run_scoped3A_104, %dma_start3A_115] : memref<79x2x128xi32, #tpu.memory_space<vmem>> -> memref<1x1x128xi32, #tpu.memory_space<vmem>>
          %dma_start3A_117 = tpu.memref_squeeze %dma_start3A_116 : memref<1x1x128xi32, #tpu.memory_space<vmem>> -> memref<128xi32, #tpu.memory_space<vmem>>
          %dma_start3A_118 = arith.constant 0 : i32
          %dma_start3A_119 = arith.constant 0 : i32
          %dma_start3A_120 = tpu.memref_slice %arg6[%dma_start3A_118, %dma_start3A_119] : memref<10000x64xf32, #tpu.memory_space<vmem_shared>> -> memref<10000x64xf32, #tpu.memory_space<vmem_shared>>
          tpu.enqueue_indirect_dma source(%dma_start3A_114 : memref<128x64xf32, #tpu.memory_space<vmem>>) target(%dma_start3A_120 : memref<10000x64xf32, #tpu.memory_space<vmem_shared>>) offsets(%dma_start3A_117 : memref<128xi32, #tpu.memory_space<vmem>>) semaphore(%run_scoped3A_111 : memref<!tpu.dma_semaphore, #tpu.memory_space<semaphore_mem>>) {add = true}
          %dma_wait3A_121 = arith.constant 0 : i32
          %dma_wait3A_122 = arith.constant 0 : i32
          %dma_wait3A_123 = tpu.memref_slice %arg8[%run_scoped3A, %dma_wait3A_121, %dma_wait3A_122] : memref<4x128x64xf32, #tpu.memory_space<vmem>> -> memref<1x128x64xf32, #tpu.memory_space<vmem>>
          %dma_wait3A_124 = tpu.memref_squeeze %dma_wait3A_123 : memref<1x128x64xf32, #tpu.memory_space<vmem>> -> memref<128x64xf32, #tpu.memory_space<vmem>>
          %dma_wait3A_125 = arith.constant 0 : i32
          %dma_wait3A_126 = tpu.memref_slice %arg7[%add3A_68, %run_scoped3A_104, %dma_wait3A_125] : memref<79x2x128xi32, #tpu.memory_space<vmem>> -> memref<1x1x128xi32, #tpu.memory_space<vmem>>
          %dma_wait3A_127 = tpu.memref_squeeze %dma_wait3A_126 : memref<1x1x128xi32, #tpu.memory_space<vmem>> -> memref<128xi32, #tpu.memory_space<vmem>>
          %dma_wait3A_128 = arith.constant 0 : i32
          %dma_wait3A_129 = arith.constant 0 : i32
          %dma_wait3A_130 = tpu.memref_slice %arg6[%dma_wait3A_128, %dma_wait3A_129] : memref<10000x64xf32, #tpu.memory_space<vmem_shared>> -> memref<10000x64xf32, #tpu.memory_space<vmem_shared>>
          tpu.wait_indirect_dma semaphore(%run_scoped3A_111 : memref<!tpu.dma_semaphore, #tpu.memory_space<semaphore_mem>>) src(%dma_wait3A_124 : memref<128x64xf32, #tpu.memory_space<vmem>>) dst(%dma_wait3A_130 : memref<10000x64xf32, #tpu.memory_space<vmem_shared>>)
          tpu.yield
        }) : () -> ()
        %add3A_105 = arith.constant 4 : i32
        %add3A_106 = arith.addi %add3A_68, %add3A_105 : i32
        %lt3A_107 = arith.cmpi slt, %add3A_106, %min3A_23 : i32
        %convert_element_type3A_108 = arith.extui %lt3A_107 : i1 to i32
        %cond3A_109 = arith.constant 0 : i32
        %cond3A_110 = arith.cmpi ne, %convert_element_type3A_108, %cond3A_109 : i32
        scf.if %cond3A_110 {
          %add3A_111 = arith.constant 4 : i32
          %add3A_112 = arith.addi %add3A_68, %add3A_111 : i32
          %dma_start3A = arith.constant 0 : i32
          %dma_start3A_113 = arith.constant 1 : i32
          %dma_start3A_114 = arith.constant 1 : i32
          %dma_start3A_115 = arith.constant 0 : i32
          %dma_start3A_116 = arith.constant 0 : i32
          %dma_start3A_117 = tpu.memref_slice %arg8[%dma_start3A_113, %dma_start3A_115, %dma_start3A_116] : memref<4x128x64xf32, #tpu.memory_space<vmem>> -> memref<1x128x64xf32, #tpu.memory_space<vmem>>
          %dma_start3A_118 = tpu.memref_squeeze %dma_start3A_117 : memref<1x128x64xf32, #tpu.memory_space<vmem>> -> memref<128x64xf32, #tpu.memory_space<vmem>>
          %dma_start3A_119 = arith.constant 0 : i32
          %dma_start3A_120 = tpu.memref_slice %arg7[%add3A_112, %dma_start3A, %dma_start3A_119] : memref<79x2x128xi32, #tpu.memory_space<vmem>> -> memref<1x1x128xi32, #tpu.memory_space<vmem>>
          %dma_start3A_121 = tpu.memref_squeeze %dma_start3A_120 : memref<1x1x128xi32, #tpu.memory_space<vmem>> -> memref<128xi32, #tpu.memory_space<vmem>>
          %dma_start3A_122 = arith.constant 0 : i32
          %dma_start3A_123 = arith.constant 0 : i32
          %dma_start3A_124 = tpu.memref_slice %arg2[%dma_start3A_122, %dma_start3A_123] : memref<10000x64xf32, #tpu.memory_space<hbm>> -> memref<10000x64xf32, #tpu.memory_space<hbm>>
          %dma_start3A_125 = tpu.memref_slice %arg9[%dma_start3A_114] : memref<4x!tpu.dma_semaphore, #tpu.memory_space<semaphore_mem>> -> memref<1x!tpu.dma_semaphore, #tpu.memory_space<semaphore_mem>>
          %dma_start3A_126 = tpu.memref_squeeze %dma_start3A_125 : memref<1x!tpu.dma_semaphore, #tpu.memory_space<semaphore_mem>> -> memref<!tpu.dma_semaphore, #tpu.memory_space<semaphore_mem>>
          tpu.enqueue_indirect_dma source(%dma_start3A_124 : memref<10000x64xf32, #tpu.memory_space<hbm>>) target(%dma_start3A_118 : memref<128x64xf32, #tpu.memory_space<vmem>>) offsets(%dma_start3A_121 : memref<128xi32, #tpu.memory_space<vmem>>) semaphore(%dma_start3A_126 : memref<!tpu.dma_semaphore, #tpu.memory_space<semaphore_mem>>)
        } else {
        }
      } else {
      }
      %mul3A_73 = arith.constant 4 : i32
      %mul3A_74 = arith.muli %scan3A_56, %mul3A_73 : i32
      %add3A_75 = arith.constant 2 : i32
      %add3A_76 = arith.addi %mul3A_74, %add3A_75 : i32
      %lt3A_77 = arith.cmpi slt, %add3A_76, %min3A_23 : i32
      %convert_element_type3A_78 = arith.extui %lt3A_77 : i1 to i32
      %cond3A_79 = arith.constant 0 : i32
      %cond3A_80 = arith.cmpi ne, %convert_element_type3A_78, %cond3A_79 : i32
      scf.if %cond3A_80 {
        %dma_wait3A = arith.constant 2 : i32
        %dma_wait3A_89 = arith.constant 0 : i32
        %dma_wait3A_90 = arith.constant 2 : i32
        %dma_wait3A_91 = arith.constant 2 : i32
        %dma_wait3A_92 = arith.constant 0 : i32
        %dma_wait3A_93 = arith.constant 0 : i32
        %dma_wait3A_94 = tpu.memref_slice %arg8[%dma_wait3A_90, %dma_wait3A_92, %dma_wait3A_93] : memref<4x128x64xf32, #tpu.memory_space<vmem>> -> memref<1x128x64xf32, #tpu.memory_space<vmem>>
        %dma_wait3A_95 = tpu.memref_squeeze %dma_wait3A_94 : memref<1x128x64xf32, #tpu.memory_space<vmem>> -> memref<128x64xf32, #tpu.memory_space<vmem>>
        %dma_wait3A_96 = arith.constant 0 : i32
        %dma_wait3A_97 = tpu.memref_slice %arg7[%dma_wait3A, %dma_wait3A_89, %dma_wait3A_96] : memref<79x2x128xi32, #tpu.memory_space<vmem>> -> memref<1x1x128xi32, #tpu.memory_space<vmem>>
        %dma_wait3A_98 = tpu.memref_squeeze %dma_wait3A_97 : memref<1x1x128xi32, #tpu.memory_space<vmem>> -> memref<128xi32, #tpu.memory_space<vmem>>
        %dma_wait3A_99 = arith.constant 0 : i32
        %dma_wait3A_100 = arith.constant 0 : i32
        %dma_wait3A_101 = tpu.memref_slice %arg2[%dma_wait3A_99, %dma_wait3A_100] : memref<10000x64xf32, #tpu.memory_space<hbm>> -> memref<10000x64xf32, #tpu.memory_space<hbm>>
        %dma_wait3A_102 = tpu.memref_slice %arg9[%dma_wait3A_91] : memref<4x!tpu.dma_semaphore, #tpu.memory_space<semaphore_mem>> -> memref<1x!tpu.dma_semaphore, #tpu.memory_space<semaphore_mem>>
        %dma_wait3A_103 = tpu.memref_squeeze %dma_wait3A_102 : memref<1x!tpu.dma_semaphore, #tpu.memory_space<semaphore_mem>> -> memref<!tpu.dma_semaphore, #tpu.memory_space<semaphore_mem>>
        tpu.wait_indirect_dma semaphore(%dma_wait3A_103 : memref<!tpu.dma_semaphore, #tpu.memory_space<semaphore_mem>>) src(%dma_wait3A_101 : memref<10000x64xf32, #tpu.memory_space<hbm>>) dst(%dma_wait3A_95 : memref<128x64xf32, #tpu.memory_space<vmem>>)
        %run_scoped3A = arith.constant 2 : i32
        %run_scoped3A_104 = arith.constant 1 : i32
        "tpu.region"() ({
          %run_scoped3A_111 = tpu.sem_alloc : memref<!tpu.dma_semaphore, #tpu.memory_space<semaphore_mem>>
          %dma_start3A = arith.constant 0 : i32
          %dma_start3A_112 = arith.constant 0 : i32
          %dma_start3A_113 = tpu.memref_slice %arg8[%run_scoped3A, %dma_start3A, %dma_start3A_112] : memref<4x128x64xf32, #tpu.memory_space<vmem>> -> memref<1x128x64xf32, #tpu.memory_space<vmem>>
          %dma_start3A_114 = tpu.memref_squeeze %dma_start3A_113 : memref<1x128x64xf32, #tpu.memory_space<vmem>> -> memref<128x64xf32, #tpu.memory_space<vmem>>
          %dma_start3A_115 = arith.constant 0 : i32
          %dma_start3A_116 = tpu.memref_slice %arg7[%add3A_76, %run_scoped3A_104, %dma_start3A_115] : memref<79x2x128xi32, #tpu.memory_space<vmem>> -> memref<1x1x128xi32, #tpu.memory_space<vmem>>
          %dma_start3A_117 = tpu.memref_squeeze %dma_start3A_116 : memref<1x1x128xi32, #tpu.memory_space<vmem>> -> memref<128xi32, #tpu.memory_space<vmem>>
          %dma_start3A_118 = arith.constant 0 : i32
          %dma_start3A_119 = arith.constant 0 : i32
          %dma_start3A_120 = tpu.memref_slice %arg6[%dma_start3A_118, %dma_start3A_119] : memref<10000x64xf32, #tpu.memory_space<vmem_shared>> -> memref<10000x64xf32, #tpu.memory_space<vmem_shared>>
          tpu.enqueue_indirect_dma source(%dma_start3A_114 : memref<128x64xf32, #tpu.memory_space<vmem>>) target(%dma_start3A_120 : memref<10000x64xf32, #tpu.memory_space<vmem_shared>>) offsets(%dma_start3A_117 : memref<128xi32, #tpu.memory_space<vmem>>) semaphore(%run_scoped3A_111 : memref<!tpu.dma_semaphore, #tpu.memory_space<semaphore_mem>>) {add = true}
          %dma_wait3A_121 = arith.constant 0 : i32
          %dma_wait3A_122 = arith.constant 0 : i32
          %dma_wait3A_123 = tpu.memref_slice %arg8[%run_scoped3A, %dma_wait3A_121, %dma_wait3A_122] : memref<4x128x64xf32, #tpu.memory_space<vmem>> -> memref<1x128x64xf32, #tpu.memory_space<vmem>>
          %dma_wait3A_124 = tpu.memref_squeeze %dma_wait3A_123 : memref<1x128x64xf32, #tpu.memory_space<vmem>> -> memref<128x64xf32, #tpu.memory_space<vmem>>
          %dma_wait3A_125 = arith.constant 0 : i32
          %dma_wait3A_126 = tpu.memref_slice %arg7[%add3A_76, %run_scoped3A_104, %dma_wait3A_125] : memref<79x2x128xi32, #tpu.memory_space<vmem>> -> memref<1x1x128xi32, #tpu.memory_space<vmem>>
          %dma_wait3A_127 = tpu.memref_squeeze %dma_wait3A_126 : memref<1x1x128xi32, #tpu.memory_space<vmem>> -> memref<128xi32, #tpu.memory_space<vmem>>
          %dma_wait3A_128 = arith.constant 0 : i32
          %dma_wait3A_129 = arith.constant 0 : i32
          %dma_wait3A_130 = tpu.memref_slice %arg6[%dma_wait3A_128, %dma_wait3A_129] : memref<10000x64xf32, #tpu.memory_space<vmem_shared>> -> memref<10000x64xf32, #tpu.memory_space<vmem_shared>>
          tpu.wait_indirect_dma semaphore(%run_scoped3A_111 : memref<!tpu.dma_semaphore, #tpu.memory_space<semaphore_mem>>) src(%dma_wait3A_124 : memref<128x64xf32, #tpu.memory_space<vmem>>) dst(%dma_wait3A_130 : memref<10000x64xf32, #tpu.memory_space<vmem_shared>>)
          tpu.yield
        }) : () -> ()
        %add3A_105 = arith.constant 4 : i32
        %add3A_106 = arith.addi %add3A_76, %add3A_105 : i32
        %lt3A_107 = arith.cmpi slt, %add3A_106, %min3A_23 : i32
        %convert_element_type3A_108 = arith.extui %lt3A_107 : i1 to i32
        %cond3A_109 = arith.constant 0 : i32
        %cond3A_110 = arith.cmpi ne, %convert_element_type3A_108, %cond3A_109 : i32
        scf.if %cond3A_110 {
          %add3A_111 = arith.constant 4 : i32
          %add3A_112 = arith.addi %add3A_76, %add3A_111 : i32
          %dma_start3A = arith.constant 0 : i32
          %dma_start3A_113 = arith.constant 2 : i32
          %dma_start3A_114 = arith.constant 2 : i32
          %dma_start3A_115 = arith.constant 0 : i32
          %dma_start3A_116 = arith.constant 0 : i32
          %dma_start3A_117 = tpu.memref_slice %arg8[%dma_start3A_113, %dma_start3A_115, %dma_start3A_116] : memref<4x128x64xf32, #tpu.memory_space<vmem>> -> memref<1x128x64xf32, #tpu.memory_space<vmem>>
          %dma_start3A_118 = tpu.memref_squeeze %dma_start3A_117 : memref<1x128x64xf32, #tpu.memory_space<vmem>> -> memref<128x64xf32, #tpu.memory_space<vmem>>
          %dma_start3A_119 = arith.constant 0 : i32
          %dma_start3A_120 = tpu.memref_slice %arg7[%add3A_112, %dma_start3A, %dma_start3A_119] : memref<79x2x128xi32, #tpu.memory_space<vmem>> -> memref<1x1x128xi32, #tpu.memory_space<vmem>>
          %dma_start3A_121 = tpu.memref_squeeze %dma_start3A_120 : memref<1x1x128xi32, #tpu.memory_space<vmem>> -> memref<128xi32, #tpu.memory_space<vmem>>
          %dma_start3A_122 = arith.constant 0 : i32
          %dma_start3A_123 = arith.constant 0 : i32
          %dma_start3A_124 = tpu.memref_slice %arg2[%dma_start3A_122, %dma_start3A_123] : memref<10000x64xf32, #tpu.memory_space<hbm>> -> memref<10000x64xf32, #tpu.memory_space<hbm>>
          %dma_start3A_125 = tpu.memref_slice %arg9[%dma_start3A_114] : memref<4x!tpu.dma_semaphore, #tpu.memory_space<semaphore_mem>> -> memref<1x!tpu.dma_semaphore, #tpu.memory_space<semaphore_mem>>
          %dma_start3A_126 = tpu.memref_squeeze %dma_start3A_125 : memref<1x!tpu.dma_semaphore, #tpu.memory_space<semaphore_mem>> -> memref<!tpu.dma_semaphore, #tpu.memory_space<semaphore_mem>>
          tpu.enqueue_indirect_dma source(%dma_start3A_124 : memref<10000x64xf32, #tpu.memory_space<hbm>>) target(%dma_start3A_118 : memref<128x64xf32, #tpu.memory_space<vmem>>) offsets(%dma_start3A_121 : memref<128xi32, #tpu.memory_space<vmem>>) semaphore(%dma_start3A_126 : memref<!tpu.dma_semaphore, #tpu.memory_space<semaphore_mem>>)
        } else {
        }
      } else {
      }
      %mul3A_81 = arith.constant 4 : i32
      %mul3A_82 = arith.muli %scan3A_56, %mul3A_81 : i32
      %add3A_83 = arith.constant 3 : i32
      %add3A_84 = arith.addi %mul3A_82, %add3A_83 : i32
      %lt3A_85 = arith.cmpi slt, %add3A_84, %min3A_23 : i32
      %convert_element_type3A_86 = arith.extui %lt3A_85 : i1 to i32
      %cond3A_87 = arith.constant 0 : i32
      %cond3A_88 = arith.cmpi ne, %convert_element_type3A_86, %cond3A_87 : i32
      scf.if %cond3A_88 {
        %dma_wait3A = arith.constant 3 : i32
        %dma_wait3A_89 = arith.constant 0 : i32
        %dma_wait3A_90 = arith.constant 3 : i32
        %dma_wait3A_91 = arith.constant 3 : i32
        %dma_wait3A_92 = arith.constant 0 : i32
        %dma_wait3A_93 = arith.constant 0 : i32
        %dma_wait3A_94 = tpu.memref_slice %arg8[%dma_wait3A_90, %dma_wait3A_92, %dma_wait3A_93] : memref<4x128x64xf32, #tpu.memory_space<vmem>> -> memref<1x128x64xf32, #tpu.memory_space<vmem>>
        %dma_wait3A_95 = tpu.memref_squeeze %dma_wait3A_94 : memref<1x128x64xf32, #tpu.memory_space<vmem>> -> memref<128x64xf32, #tpu.memory_space<vmem>>
        %dma_wait3A_96 = arith.constant 0 : i32
        %dma_wait3A_97 = tpu.memref_slice %arg7[%dma_wait3A, %dma_wait3A_89, %dma_wait3A_96] : memref<79x2x128xi32, #tpu.memory_space<vmem>> -> memref<1x1x128xi32, #tpu.memory_space<vmem>>
        %dma_wait3A_98 = tpu.memref_squeeze %dma_wait3A_97 : memref<1x1x128xi32, #tpu.memory_space<vmem>> -> memref<128xi32, #tpu.memory_space<vmem>>
        %dma_wait3A_99 = arith.constant 0 : i32
        %dma_wait3A_100 = arith.constant 0 : i32
        %dma_wait3A_101 = tpu.memref_slice %arg2[%dma_wait3A_99, %dma_wait3A_100] : memref<10000x64xf32, #tpu.memory_space<hbm>> -> memref<10000x64xf32, #tpu.memory_space<hbm>>
        %dma_wait3A_102 = tpu.memref_slice %arg9[%dma_wait3A_91] : memref<4x!tpu.dma_semaphore, #tpu.memory_space<semaphore_mem>> -> memref<1x!tpu.dma_semaphore, #tpu.memory_space<semaphore_mem>>
        %dma_wait3A_103 = tpu.memref_squeeze %dma_wait3A_102 : memref<1x!tpu.dma_semaphore, #tpu.memory_space<semaphore_mem>> -> memref<!tpu.dma_semaphore, #tpu.memory_space<semaphore_mem>>
        tpu.wait_indirect_dma semaphore(%dma_wait3A_103 : memref<!tpu.dma_semaphore, #tpu.memory_space<semaphore_mem>>) src(%dma_wait3A_101 : memref<10000x64xf32, #tpu.memory_space<hbm>>) dst(%dma_wait3A_95 : memref<128x64xf32, #tpu.memory_space<vmem>>)
        %run_scoped3A = arith.constant 3 : i32
        %run_scoped3A_104 = arith.constant 1 : i32
        "tpu.region"() ({
          %run_scoped3A_111 = tpu.sem_alloc : memref<!tpu.dma_semaphore, #tpu.memory_space<semaphore_mem>>
          %dma_start3A = arith.constant 0 : i32
          %dma_start3A_112 = arith.constant 0 : i32
          %dma_start3A_113 = tpu.memref_slice %arg8[%run_scoped3A, %dma_start3A, %dma_start3A_112] : memref<4x128x64xf32, #tpu.memory_space<vmem>> -> memref<1x128x64xf32, #tpu.memory_space<vmem>>
          %dma_start3A_114 = tpu.memref_squeeze %dma_start3A_113 : memref<1x128x64xf32, #tpu.memory_space<vmem>> -> memref<128x64xf32, #tpu.memory_space<vmem>>
          %dma_start3A_115 = arith.constant 0 : i32
          %dma_start3A_116 = tpu.memref_slice %arg7[%add3A_84, %run_scoped3A_104, %dma_start3A_115] : memref<79x2x128xi32, #tpu.memory_space<vmem>> -> memref<1x1x128xi32, #tpu.memory_space<vmem>>
          %dma_start3A_117 = tpu.memref_squeeze %dma_start3A_116 : memref<1x1x128xi32, #tpu.memory_space<vmem>> -> memref<128xi32, #tpu.memory_space<vmem>>
          %dma_start3A_118 = arith.constant 0 : i32
          %dma_start3A_119 = arith.constant 0 : i32
          %dma_start3A_120 = tpu.memref_slice %arg6[%dma_start3A_118, %dma_start3A_119] : memref<10000x64xf32, #tpu.memory_space<vmem_shared>> -> memref<10000x64xf32, #tpu.memory_space<vmem_shared>>
          tpu.enqueue_indirect_dma source(%dma_start3A_114 : memref<128x64xf32, #tpu.memory_space<vmem>>) target(%dma_start3A_120 : memref<10000x64xf32, #tpu.memory_space<vmem_shared>>) offsets(%dma_start3A_117 : memref<128xi32, #tpu.memory_space<vmem>>) semaphore(%run_scoped3A_111 : memref<!tpu.dma_semaphore, #tpu.memory_space<semaphore_mem>>) {add = true}
          %dma_wait3A_121 = arith.constant 0 : i32
          %dma_wait3A_122 = arith.constant 0 : i32
          %dma_wait3A_123 = tpu.memref_slice %arg8[%run_scoped3A, %dma_wait3A_121, %dma_wait3A_122] : memref<4x128x64xf32, #tpu.memory_space<vmem>> -> memref<1x128x64xf32, #tpu.memory_space<vmem>>
          %dma_wait3A_124 = tpu.memref_squeeze %dma_wait3A_123 : memref<1x128x64xf32, #tpu.memory_space<vmem>> -> memref<128x64xf32, #tpu.memory_space<vmem>>
          %dma_wait3A_125 = arith.constant 0 : i32
          %dma_wait3A_126 = tpu.memref_slice %arg7[%add3A_84, %run_scoped3A_104, %dma_wait3A_125] : memref<79x2x128xi32, #tpu.memory_space<vmem>> -> memref<1x1x128xi32, #tpu.memory_space<vmem>>
          %dma_wait3A_127 = tpu.memref_squeeze %dma_wait3A_126 : memref<1x1x128xi32, #tpu.memory_space<vmem>> -> memref<128xi32, #tpu.memory_space<vmem>>
          %dma_wait3A_128 = arith.constant 0 : i32
          %dma_wait3A_129 = arith.constant 0 : i32
          %dma_wait3A_130 = tpu.memref_slice %arg6[%dma_wait3A_128, %dma_wait3A_129] : memref<10000x64xf32, #tpu.memory_space<vmem_shared>> -> memref<10000x64xf32, #tpu.memory_space<vmem_shared>>
          tpu.wait_indirect_dma semaphore(%run_scoped3A_111 : memref<!tpu.dma_semaphore, #tpu.memory_space<semaphore_mem>>) src(%dma_wait3A_124 : memref<128x64xf32, #tpu.memory_space<vmem>>) dst(%dma_wait3A_130 : memref<10000x64xf32, #tpu.memory_space<vmem_shared>>)
          tpu.yield
        }) : () -> ()
        %add3A_105 = arith.constant 4 : i32
        %add3A_106 = arith.addi %add3A_84, %add3A_105 : i32
        %lt3A_107 = arith.cmpi slt, %add3A_106, %min3A_23 : i32
        %convert_element_type3A_108 = arith.extui %lt3A_107 : i1 to i32
        %cond3A_109 = arith.constant 0 : i32
        %cond3A_110 = arith.cmpi ne, %convert_element_type3A_108, %cond3A_109 : i32
        scf.if %cond3A_110 {
          %add3A_111 = arith.constant 4 : i32
          %add3A_112 = arith.addi %add3A_84, %add3A_111 : i32
          %dma_start3A = arith.constant 0 : i32
          %dma_start3A_113 = arith.constant 3 : i32
          %dma_start3A_114 = arith.constant 3 : i32
          %dma_start3A_115 = arith.constant 0 : i32
          %dma_start3A_116 = arith.constant 0 : i32
          %dma_start3A_117 = tpu.memref_slice %arg8[%dma_start3A_113, %dma_start3A_115, %dma_start3A_116] : memref<4x128x64xf32, #tpu.memory_space<vmem>> -> memref<1x128x64xf32, #tpu.memory_space<vmem>>
          %dma_start3A_118 = tpu.memref_squeeze %dma_start3A_117 : memref<1x128x64xf32, #tpu.memory_space<vmem>> -> memref<128x64xf32, #tpu.memory_space<vmem>>
          %dma_start3A_119 = arith.constant 0 : i32
          %dma_start3A_120 = tpu.memref_slice %arg7[%add3A_112, %dma_start3A, %dma_start3A_119] : memref<79x2x128xi32, #tpu.memory_space<vmem>> -> memref<1x1x128xi32, #tpu.memory_space<vmem>>
          %dma_start3A_121 = tpu.memref_squeeze %dma_start3A_120 : memref<1x1x128xi32, #tpu.memory_space<vmem>> -> memref<128xi32, #tpu.memory_space<vmem>>
          %dma_start3A_122 = arith.constant 0 : i32
          %dma_start3A_123 = arith.constant 0 : i32
          %dma_start3A_124 = tpu.memref_slice %arg2[%dma_start3A_122, %dma_start3A_123] : memref<10000x64xf32, #tpu.memory_space<hbm>> -> memref<10000x64xf32, #tpu.memory_space<hbm>>
          %dma_start3A_125 = tpu.memref_slice %arg9[%dma_start3A_114] : memref<4x!tpu.dma_semaphore, #tpu.memory_space<semaphore_mem>> -> memref<1x!tpu.dma_semaphore, #tpu.memory_space<semaphore_mem>>
          %dma_start3A_126 = tpu.memref_squeeze %dma_start3A_125 : memref<1x!tpu.dma_semaphore, #tpu.memory_space<semaphore_mem>> -> memref<!tpu.dma_semaphore, #tpu.memory_space<semaphore_mem>>
          tpu.enqueue_indirect_dma source(%dma_start3A_124 : memref<10000x64xf32, #tpu.memory_space<hbm>>) target(%dma_start3A_118 : memref<128x64xf32, #tpu.memory_space<vmem>>) offsets(%dma_start3A_121 : memref<128xi32, #tpu.memory_space<vmem>>) semaphore(%dma_start3A_126 : memref<!tpu.dma_semaphore, #tpu.memory_space<semaphore_mem>>)
        } else {
        }
      } else {
      }
    }
    %scan3A_47 = arith.constant 20 : i32
    %barrier3A_48 = arith.constant 0 : index
    tpu.barrier barrier_id(%barrier3A_48)
    %mul3A_49 = arith.constant 64 : i32
    %mul3A_50 = arith.muli %arg0, %mul3A_49 : i32
    "tpu.region"() ({
      %run_scoped3A = tpu.sem_alloc : memref<!tpu.dma_semaphore, #tpu.memory_space<semaphore_mem>>
      %dma_start3A = tpu.memref_slice %arg5[%multiple_of3A, %mul3A_50] : memref<10000x128xf32, #tpu.memory_space<hbm>> -> memref<624x64xf32, #tpu.memory_space<hbm>>
      %dma_start3A_56 = arith.constant 0 : i32
      %dma_start3A_57 = tpu.memref_slice %arg6[%multiple_of3A, %dma_start3A_56] : memref<10000x64xf32, #tpu.memory_space<vmem_shared>> -> memref<624x64xf32, #tpu.memory_space<vmem_shared>>
      tpu.enqueue_dma source(%dma_start3A_57 : memref<624x64xf32, #tpu.memory_space<vmem_shared>>) target(%dma_start3A : memref<624x64xf32, #tpu.memory_space<hbm>>) target_semaphore(%run_scoped3A : memref<!tpu.dma_semaphore, #tpu.memory_space<semaphore_mem>>)
      %dma_wait3A = tpu.memref_slice %arg5[%multiple_of3A, %mul3A_50] : memref<10000x128xf32, #tpu.memory_space<hbm>> -> memref<624x64xf32, #tpu.memory_space<hbm>>
      %dma_wait3A_58 = arith.constant 0 : i32
      %dma_wait3A_59 = tpu.memref_slice %arg6[%multiple_of3A, %dma_wait3A_58] : memref<10000x64xf32, #tpu.memory_space<vmem_shared>> -> memref<624x64xf32, #tpu.memory_space<vmem_shared>>
      tpu.wait_dma2 semaphore(%run_scoped3A : memref<!tpu.dma_semaphore, #tpu.memory_space<semaphore_mem>>) src(%dma_wait3A_59 : memref<624x64xf32, #tpu.memory_space<vmem_shared>>) dst(%dma_wait3A : memref<624x64xf32, #tpu.memory_space<hbm>>)
      tpu.yield
    }) : () -> ()
    %eq3A_51 = arith.constant 15 : i32
    %eq3A_52 = arith.cmpi eq, %arg1, %eq3A_51 : i32
    %convert_element_type3A_53 = arith.extui %eq3A_52 : i1 to i32
    %cond3A_54 = arith.constant 0 : i32
    %cond3A_55 = arith.cmpi ne, %convert_element_type3A_53, %cond3A_54 : i32
    scf.if %cond3A_55 {
      %mul3A_56 = arith.constant 64 : i32
      %mul3A_57 = arith.muli %arg0, %mul3A_56 : i32
      "tpu.region"() ({
        %run_scoped3A = tpu.sem_alloc : memref<!tpu.dma_semaphore, #tpu.memory_space<semaphore_mem>>
        %dma_start3A = arith.constant 9984 : i32
        %dma_start3A_58 = tpu.memref_slice %arg5[%dma_start3A, %mul3A_57] : memref<10000x128xf32, #tpu.memory_space<hbm>> -> memref<16x64xf32, #tpu.memory_space<hbm>>
        %dma_start3A_59 = arith.constant 9984 : i32
        %dma_start3A_60 = arith.constant 0 : i32
        %dma_start3A_61 = tpu.memref_slice %arg6[%dma_start3A_59, %dma_start3A_60] : memref<10000x64xf32, #tpu.memory_space<vmem_shared>> -> memref<16x64xf32, #tpu.memory_space<vmem_shared>>
        tpu.enqueue_dma source(%dma_start3A_61 : memref<16x64xf32, #tpu.memory_space<vmem_shared>>) target(%dma_start3A_58 : memref<16x64xf32, #tpu.memory_space<hbm>>) target_semaphore(%run_scoped3A : memref<!tpu.dma_semaphore, #tpu.memory_space<semaphore_mem>>)
        %dma_wait3A = arith.constant 9984 : i32
        %dma_wait3A_62 = tpu.memref_slice %arg5[%dma_wait3A, %mul3A_57] : memref<10000x128xf32, #tpu.memory_space<hbm>> -> memref<16x64xf32, #tpu.memory_space<hbm>>
        %dma_wait3A_63 = arith.constant 9984 : i32
        %dma_wait3A_64 = arith.constant 0 : i32
        %dma_wait3A_65 = tpu.memref_slice %arg6[%dma_wait3A_63, %dma_wait3A_64] : memref<10000x64xf32, #tpu.memory_space<vmem_shared>> -> memref<16x64xf32, #tpu.memory_space<vmem_shared>>
        tpu.wait_dma2 semaphore(%run_scoped3A : memref<!tpu.dma_semaphore, #tpu.memory_space<semaphore_mem>>) src(%dma_wait3A_65 : memref<16x64xf32, #tpu.memory_space<vmem_shared>>) dst(%dma_wait3A_62 : memref<16x64xf32, #tpu.memory_space<hbm>>)
        tpu.yield
      }) : () -> ()
    } else {
    }
    return
  }
}

module attributes {stable_mosaic.version = 14 : i64} {
  func.func @_tc1_body(%arg0: memref<10000x128xf32, #tpu.memory_space<vmem>>, %arg1: memref<128x128xf32, #tpu.memory_space<vmem>>, %arg2: memref<128x128xf32, #tpu.memory_space<vmem>>, %arg3: memref<128xf32, #tpu.memory_space<vmem>>, %arg4: memref<32x10000xf32, #tpu.memory_space<vmem>>, %arg5: memref<10000x128xf32, #tpu.memory_space<vmem>>, %arg6: memref<10000x128xf32, #tpu.memory_space<vmem>>, %arg7: memref<10000xf32, #tpu.memory_space<vmem>>) attributes {dimension_semantics = [], scalar_prefetch = 0 : i64, scratch_operands = 0 : i64, tpu.core_type = #tpu.core_type<tc>} {
    %get3A = arith.constant 0 : index
    %get3A_0 = arith.constant 0 : index
    %get3A_1 = vector.load %arg0[%get3A, %get3A_0] : memref<10000x128xf32, #tpu.memory_space<vmem>>, vector<10000x128xf32>
    %get3A_2 = arith.constant 0 : index
    %get3A_3 = arith.constant 0 : index
    %get3A_4 = vector.load %arg4[%get3A_2, %get3A_3] : memref<32x10000xf32, #tpu.memory_space<vmem>>, vector<32x10000xf32>
    %reduce_sum3A = arith.constant dense<0.000000e+00> : vector<10000xf32>
    %reduce_sum3A_5 = vector.multi_reduction <add>, %get3A_4, %reduce_sum3A [0] : vector<32x10000xf32> to vector<10000xf32>
    %gt3A = arith.constant 0.000000e+00 : f32
    %gt3A_6 = vector.broadcast %gt3A : f32 to vector<10000xf32>
    %gt3A_7 = arith.cmpf ogt, %reduce_sum3A_5, %gt3A_6 : vector<10000xf32>
    %max3A = arith.constant 1.000000e+00 : f32
    %max3A_8 = vector.broadcast %max3A : f32 to vector<10000xf32>
    %max3A_9 = arith.maximumf %reduce_sum3A_5, %max3A_8 : vector<10000xf32>
    %rsqrt3A = math.rsqrt %max3A_9 : vector<10000xf32>
    %jit3A = arith.constant 0.000000e+00 : f32
    %broadcast_in_dim3A = vector.broadcast %jit3A : f32 to vector<10000xf32>
    %select_n3A = arith.select %gt3A_7, %rsqrt3A, %broadcast_in_dim3A : vector<10000xi1>, vector<10000xf32>
    %get3A_10 = arith.constant 0 : index
    %get3A_11 = arith.constant 0 : index
    %get3A_12 = vector.load %arg1[%get3A_10, %get3A_11] : memref<128x128xf32, #tpu.memory_space<vmem>>, vector<128x128xf32>
    %dot_general3A = arith.constant dense<0.000000e+00> : vector<10000x128xf32>
    %dot_general3A_13 = tpu.matmul %get3A_1, %get3A_12, %dot_general3A {dimension_numbers = #tpu.dot_dimension_numbers<[1], [0], [0], [1], [0, 0, 1, 1], [], []>, transpose_lhs_hint = false} : vector<10000x128xf32>, vector<128x128xf32>, vector<10000x128xf32> -> vector<10000x128xf32>
    %broadcast_in_dim3A_14 = vector.shape_cast %select_n3A : vector<10000xf32> to vector<10000x1xf32>
    %mul3A = vector.broadcast %broadcast_in_dim3A_14 : vector<10000x1xf32> to vector<10000x128xf32>
    %mul3A_15 = arith.mulf %dot_general3A_13, %mul3A : vector<10000x128xf32>
    %swap3A = arith.constant 0 : index
    %swap3A_16 = arith.constant 0 : index
    %swap3A_17 = vector.load %arg5[%swap3A, %swap3A_16] : memref<10000x128xf32, #tpu.memory_space<vmem>>, vector<10000x128xf32>
    tpu.vector_store %arg5[%swap3A, %swap3A_16], %mul3A_15 {strides = array<i32>} : memref<10000x128xf32, #tpu.memory_space<vmem>>, vector<10000x128xf32>,
    %get3A_18 = arith.constant 0 : index
    %get3A_19 = arith.constant 0 : index
    %get3A_20 = vector.load %arg2[%get3A_18, %get3A_19] : memref<128x128xf32, #tpu.memory_space<vmem>>, vector<128x128xf32>
    %dot_general3A_21 = arith.constant dense<0.000000e+00> : vector<10000x128xf32>
    %dot_general3A_22 = tpu.matmul %get3A_1, %get3A_20, %dot_general3A_21 {dimension_numbers = #tpu.dot_dimension_numbers<[1], [0], [0], [1], [0, 0, 1, 1], [], []>, transpose_lhs_hint = false} : vector<10000x128xf32>, vector<128x128xf32>, vector<10000x128xf32> -> vector<10000x128xf32>
    %get3A_23 = arith.constant 0 : index
    %get3A_24 = vector.load %arg3[%get3A_23] : memref<128xf32, #tpu.memory_space<vmem>>, vector<128xf32>
    %broadcast_in_dim3A_25 = vector.shape_cast %get3A_24 : vector<128xf32> to vector<1x128xf32>
    %add3A = vector.broadcast %broadcast_in_dim3A_25 : vector<1x128xf32> to vector<10000x128xf32>
    %add3A_26 = arith.addf %dot_general3A_22, %add3A : vector<10000x128xf32>
    %swap3A_27 = arith.constant 0 : index
    %swap3A_28 = arith.constant 0 : index
    %swap3A_29 = vector.load %arg6[%swap3A_27, %swap3A_28] : memref<10000x128xf32, #tpu.memory_space<vmem>>, vector<10000x128xf32>
    tpu.vector_store %arg6[%swap3A_27, %swap3A_28], %add3A_26 {strides = array<i32>} : memref<10000x128xf32, #tpu.memory_space<vmem>>, vector<10000x128xf32>,
    %swap3A_30 = arith.constant 0 : index
    %swap3A_31 = vector.load %arg7[%swap3A_30] : memref<10000xf32, #tpu.memory_space<vmem>>, vector<10000xf32>
    tpu.vector_store %arg7[%swap3A_30], %select_n3A {strides = array<i32>} : memref<10000xf32, #tpu.memory_space<vmem>>, vector<10000xf32>,
    return
  }
}

module attributes {stable_mosaic.version = 14 : i64} {
  func.func @_tc2_body(%arg0: memref<10000x128xf32, #tpu.memory_space<vmem>>, %arg1: memref<10000x128xf32, #tpu.memory_space<vmem>>, %arg2: memref<10000xf32, #tpu.memory_space<vmem>>, %arg3: memref<128x64xf32, #tpu.memory_space<vmem>>, %arg4: memref<128x64xf32, #tpu.memory_space<vmem>>, %arg5: memref<64xf32, #tpu.memory_space<vmem>>, %arg6: memref<10000x64xf32, #tpu.memory_space<vmem>>, %arg7: memref<10000x64xf32, #tpu.memory_space<vmem>>) attributes {dimension_semantics = [], scalar_prefetch = 0 : i64, scratch_operands = 0 : i64, tpu.core_type = #tpu.core_type<tc>} {
    %get3A = arith.constant 0 : index
    %get3A_0 = arith.constant 0 : index
    %get3A_1 = vector.load %arg0[%get3A, %get3A_0] : memref<10000x128xf32, #tpu.memory_space<vmem>>, vector<10000x128xf32>
    %get3A_2 = arith.constant 0 : index
    %get3A_3 = vector.load %arg2[%get3A_2] : memref<10000xf32, #tpu.memory_space<vmem>>, vector<10000xf32>
    %broadcast_in_dim3A = vector.shape_cast %get3A_3 : vector<10000xf32> to vector<10000x1xf32>
    %mul3A = vector.broadcast %broadcast_in_dim3A : vector<10000x1xf32> to vector<10000x128xf32>
    %mul3A_4 = arith.mulf %get3A_1, %mul3A : vector<10000x128xf32>
    %get3A_5 = arith.constant 0 : index
    %get3A_6 = arith.constant 0 : index
    %get3A_7 = vector.load %arg1[%get3A_5, %get3A_6] : memref<10000x128xf32, #tpu.memory_space<vmem>>, vector<10000x128xf32>
    %add3A = arith.addf %mul3A_4, %get3A_7 : vector<10000x128xf32>
    %max3A = arith.constant 0.000000e+00 : f32
    %max3A_8 = vector.broadcast %max3A : f32 to vector<10000x128xf32>
    %max3A_9 = arith.maximumf %add3A, %max3A_8 : vector<10000x128xf32>
    %get3A_10 = arith.constant 0 : index
    %get3A_11 = arith.constant 0 : index
    %get3A_12 = vector.load %arg3[%get3A_10, %get3A_11] : memref<128x64xf32, #tpu.memory_space<vmem>>, vector<128x64xf32>
    %dot_general3A = arith.constant dense<0.000000e+00> : vector<10000x64xf32>
    %dot_general3A_13 = tpu.matmul %max3A_9, %get3A_12, %dot_general3A {dimension_numbers = #tpu.dot_dimension_numbers<[1], [0], [0], [1], [0, 0, 1, 1], [], []>, transpose_lhs_hint = false} : vector<10000x128xf32>, vector<128x64xf32>, vector<10000x64xf32> -> vector<10000x64xf32>
    %broadcast_in_dim3A_14 = vector.shape_cast %get3A_3 : vector<10000xf32> to vector<10000x1xf32>
    %mul3A_15 = vector.broadcast %broadcast_in_dim3A_14 : vector<10000x1xf32> to vector<10000x64xf32>
    %mul3A_16 = arith.mulf %dot_general3A_13, %mul3A_15 : vector<10000x64xf32>
    %swap3A = arith.constant 0 : index
    %swap3A_17 = arith.constant 0 : index
    %swap3A_18 = vector.load %arg6[%swap3A, %swap3A_17] : memref<10000x64xf32, #tpu.memory_space<vmem>>, vector<10000x64xf32>
    tpu.vector_store %arg6[%swap3A, %swap3A_17], %mul3A_16 {strides = array<i32>} : memref<10000x64xf32, #tpu.memory_space<vmem>>, vector<10000x64xf32>,
    %get3A_19 = arith.constant 0 : index
    %get3A_20 = arith.constant 0 : index
    %get3A_21 = vector.load %arg4[%get3A_19, %get3A_20] : memref<128x64xf32, #tpu.memory_space<vmem>>, vector<128x64xf32>
    %dot_general3A_22 = arith.constant dense<0.000000e+00> : vector<10000x64xf32>
    %dot_general3A_23 = tpu.matmul %max3A_9, %get3A_21, %dot_general3A_22 {dimension_numbers = #tpu.dot_dimension_numbers<[1], [0], [0], [1], [0, 0, 1, 1], [], []>, transpose_lhs_hint = false} : vector<10000x128xf32>, vector<128x64xf32>, vector<10000x64xf32> -> vector<10000x64xf32>
    %get3A_24 = arith.constant 0 : index
    %get3A_25 = vector.load %arg5[%get3A_24] : memref<64xf32, #tpu.memory_space<vmem>>, vector<64xf32>
    %broadcast_in_dim3A_26 = vector.shape_cast %get3A_25 : vector<64xf32> to vector<1x64xf32>
    %add3A_27 = vector.broadcast %broadcast_in_dim3A_26 : vector<1x64xf32> to vector<10000x64xf32>
    %add3A_28 = arith.addf %dot_general3A_23, %add3A_27 : vector<10000x64xf32>
    %swap3A_29 = arith.constant 0 : index
    %swap3A_30 = arith.constant 0 : index
    %swap3A_31 = vector.load %arg7[%swap3A_29, %swap3A_30] : memref<10000x64xf32, #tpu.memory_space<vmem>>, vector<10000x64xf32>
    tpu.vector_store %arg7[%swap3A_29, %swap3A_30], %add3A_28 {strides = array<i32>} : memref<10000x64xf32, #tpu.memory_space<vmem>>, vector<10000x64xf32>,
    return
  }
}

module attributes {stable_mosaic.version = 14 : i64} {
  func.func @_tc3_body(%arg0: memref<10000x128xf32, #tpu.memory_space<vmem>>, %arg1: memref<10000x64xf32, #tpu.memory_space<vmem>>, %arg2: memref<10000xf32, #tpu.memory_space<vmem>>, %arg3: memref<10000x64xf32, #tpu.memory_space<vmem>>) attributes {dimension_semantics = [], scalar_prefetch = 0 : i64, scratch_operands = 0 : i64, tpu.core_type = #tpu.core_type<tc>} {
    %get3A = arith.constant 0 : index
    %get3A_0 = arith.constant 0 : index
    %get3A_1 = vector.load %arg0[%get3A, %get3A_0] : memref<10000x128xf32, #tpu.memory_space<vmem>>, vector<10000x64xf32>
    %get3A_2 = arith.constant 0 : index
    %get3A_3 = arith.constant 64 : index
    %get3A_4 = vector.load %arg0[%get3A_2, %get3A_3] : memref<10000x128xf32, #tpu.memory_space<vmem>>, vector<10000x64xf32>
    %add3A = arith.addf %get3A_1, %get3A_4 : vector<10000x64xf32>
    %get3A_5 = arith.constant 0 : index
    %get3A_6 = vector.load %arg2[%get3A_5] : memref<10000xf32, #tpu.memory_space<vmem>>, vector<10000xf32>
    %broadcast_in_dim3A = vector.shape_cast %get3A_6 : vector<10000xf32> to vector<10000x1xf32>
    %mul3A = vector.broadcast %broadcast_in_dim3A : vector<10000x1xf32> to vector<10000x64xf32>
    %mul3A_7 = arith.mulf %add3A, %mul3A : vector<10000x64xf32>
    %get3A_8 = arith.constant 0 : index
    %get3A_9 = arith.constant 0 : index
    %get3A_10 = vector.load %arg1[%get3A_8, %get3A_9] : memref<10000x64xf32, #tpu.memory_space<vmem>>, vector<10000x64xf32>
    %add3A_11 = arith.addf %mul3A_7, %get3A_10 : vector<10000x64xf32>
    %max3A = arith.constant 0.000000e+00 : f32
    %max3A_12 = vector.broadcast %max3A : f32 to vector<10000x64xf32>
    %max3A_13 = arith.maximumf %add3A_11, %max3A_12 : vector<10000x64xf32>
    %swap3A = arith.constant 0 : index
    %swap3A_14 = arith.constant 0 : index
    %swap3A_15 = vector.load %arg3[%swap3A, %swap3A_14] : memref<10000x64xf32, #tpu.memory_space<vmem>>, vector<10000x64xf32>
    tpu.vector_store %arg3[%swap3A, %swap3A_14], %max3A_13 {strides = array<i32>} : memref<10000x64xf32, #tpu.memory_space<vmem>>, vector<10000x64xf32>,
    return
  }
}

</mosaic_0001>

<sc_bundles>
// kernel: kernel.11.cloned.1.call-start
scs
__scs_entry_jumppad:
0x0: {  	(pc) =	sbr.rel $0x88, $3  }
0x1: {  	(tag) =	ssettag $0x0;
	lr =	simm.s32 $0x1  }
0x2: {  	[smem:$0x3F99] =	sst lr;
	_ =	strace $0xD0000000  }
0x3: {  	_ = 	snop  }
0x4: {  	_ = 	snop  }
0x5: {  	_ = 	snop  }
0x6: {  	_ = 	snop  }
0x7: {  	_ = 	snop  }
__scs_overlays_trampoline_lowered:
0x8: {  	[smem:$0x3FA8] =	sst s0  }
0x9: {  	[smem:$0x3FA9] =	sst s1  }
0xa: {  	[smem:$0x3FAA] =	sst s2  }
0xb: {  	[smem:$0x3FAB] =	sst s3  }
0xc: {  	[smem:$0x3FAC] =	sst s4  }
0xd: {  	[smem:$0x3FAD] =	sst s5  }
0xe: {  	[smem:$0x3FAE] =	sst s6  }
0xf: {  	[smem:$0x3FAF] =	sst s7  }
0x10: {  	[smem:$0x3FB0] =	sst s8  }
0x11: {  	[smem:$0x3FB1] =	sst s9;
	s0 =	simm.s32 @!p0 $0x0  }
0x12: {  	s1 =	sld [smem:$0x3F97];
	s0 =	simm.s32 @p0 $0x1  }
0x13: {  	[smem:$0x3FB2] =	sst s0;
	s0 =	simm.s32 @!p1 $0x0  }
0x14: {  	s2 =	sld [smem:$0x3F96];
	s0 =	simm.s32 @p1 $0x1  }
0x15: {  	[smem:$0x3FB3] =	sst s0;
	s0 =	simm.s32 @!p2 $0x0  }
0x16: {  	s3 =	sld [smem:$0x3FDB];
	s0 =	simm.s32 @p2 $0x1  }
0x17: {  	s4 =	simm.s32 $0x1BF5;
	[smem:$0x3FB5] =	sst s0  }
0x18: {  	s0 =	sld [smem:$0x3F98];
	_ =	swait.ge [sflag:s4], $0x0  }
0x19: {  	s7 =	sld [smem:$0x3F99]  }
0x1a: {  	s8 =	sadd.s32 $0xFFFFE003, lr  }
0x1b: {  	s9 =	sadd.s32 $0xFFFFFEF7, lr;
	s5 =	simm.s32 $0xFFFFFFFF;
	p2 =	slt.u32 s8, $0xFFFFF086  }
0x1c: {  	p1 =	slt.u32 s9, $0xF7A;
	s5 =	simm.s32 @!p2 $0x0  }
0x1d: {  	s5 =	simm.s32 @p1 $0x1;
	p0 =	seq.s32 s7, s2  }
0x1e: {  	s7 =	smul.u32 @!p0 $0xF7A, s2;
	p2 =	seq.s32 @!p0 s5, $0x0  }
0x1f: {  	s9 =	smul.u32 $0xF7A, s1;
	s8 =	simm.s32 @!p0 $0x1BF5;
	p2 =	por !p2, p0  }
0x20: {  	[sflag:s8] =	ssyncset.s32 @!p0 $0xFFFFF086;
	s6 =	sadd.s32 @!p0 s3, s7;
	s7 =	simm.s32 @!p0 $0x108  }
0x21: {  	s3 =	sadd.s32 s3, s9;
	s6 =	sadd.s32 @!p0 $0x88, s6;
	s7 =	simm.s32 @p2 $0x1082  }
0x22: {  	[simem:s7], [sflag:s8] =	dma.local @!p0 [hbm:s6], $0xF7A  }
0x23: {  	s9 =	sor.u32 $0xD0000000, s2;
	s6 =	simm.s32 $0x108;
	_ =	swait.ge @!p0 [sflag:s8], $0x0  }
0x24: {  	s3 =	sadd.s32 $0x88, s3;
	s6 =	simm.s32 @!p1 $0x1082;
	[sflag:s4] =	ssyncset.s32 $0xFFFFF086  }
0x25: {  	[simem:s6], [sflag:s4] =	dma.local [hbm:s3], $0xF7A  }
0x26: {  	[smem:$0x3F99] =	sst s1;
	(tag) =	ssettag s2;
	_ =	strace s9  }
0x27: {  	s1 =	sld [smem:$0x3FA9]  }
0x28: {  	s2 =	sld [smem:$0x3FAA]  }
0x29: {  	s4 =	sld [smem:$0x3FAC]  }
0x2a: {  	p0 =	seq.s32 s5, $0x0;
	s5 =	sld [smem:$0x3FAD]  }
0x2b: {  	s6 =	sld [smem:$0x3FAE]  }
0x2c: {  	s7 =	sld [smem:$0x3FAF]  }
0x2d: {  	s3 =	simm.s32 $0x108;
	s8 =	sld [smem:$0x3FB0]  }
0x2e: {  	s3 =	simm.s32 @!p0 $0x1082;
	s9 =	sld [smem:$0x3FB1]  }
0x2f: {  	lr =	sadd.s32 s0, s3;
	s0 =	sld [smem:$0x3FA8]  }
0x30: {  	s3 =	sld [smem:$0x3FAB]  }
0x31: {  	[smem:$0x3FB4] =	sst s10  }
0x32: {  	s10 =	sld [smem:$0x3FB2];
	_ =	sdelay $0x3  }
0x33: {  	p0 =	seq.s32 s10, $0x1;
	s10 =	sld [smem:$0x3FB4];
	_ =	sdelay $0x3  }
0x34: {  	[smem:$0x3FB4] =	sst s10  }
0x35: {  	s10 =	sld [smem:$0x3FB3];
	_ =	sdelay $0x3  }
0x36: {  	p1 =	seq.s32 s10, $0x1;
	s10 =	sld [smem:$0x3FB4];
	_ =	sdelay $0x3  }
0x37: {  	[smem:$0x3FB4] =	sst s10  }
0x38: {  	s10 =	sld [smem:$0x3FB5]  }
0x39: {  	_ = 	snop;
	(pc) =	sbr.ind lr, $3  }
0x3a: {  	_ = 	snop  }
0x3b: {  	_ = 	snop  }
0x3c: {  	p2 =	seq.s32 s10, $0x1;
	s10 =	sld [smem:$0x3FB4]  }
0x3d: {  	_ =	shalt  }
0x3e: {  	_ =	shalt  }
0x3f: {  	_ =	shalt  }
0x40: {  	_ =	shalt  }
0x41: {  	_ =	shalt  }
0x42: {  	_ =	shalt  }
0x43: {  	_ =	shalt  }
0x44: {  	_ =	shalt  }
0x45: {  	_ =	shalt  }
0x46: {  	_ =	shalt  }
0x47: {  	_ =	shalt  }
0x48: {  	_ =	shalt  }
0x49: {  	_ =	shalt  }
0x4a: {  	_ =	shalt  }
0x4b: {  	_ =	shalt  }
0x4c: {  	_ =	shalt  }
0x4d: {  	_ =	shalt  }
0x4e: {  	_ =	shalt  }
0x4f: {  	_ =	shalt  }
0x50: {  	_ =	shalt  }
0x51: {  	_ =	shalt  }
0x52: {  	_ =	shalt  }
0x53: {  	_ =	shalt  }
0x54: {  	_ =	shalt  }
0x55: {  	_ =	shalt  }
0x56: {  	_ =	shalt  }
0x57: {  	_ =	shalt  }
0x58: {  	_ =	shalt  }
0x59: {  	_ =	shalt  }
0x5a: {  	_ =	shalt  }
0x5b: {  	_ =	shalt  }
0x5c: {  	_ =	shalt  }
0x5d: {  	_ =	shalt  }
0x5e: {  	_ =	shalt  }
0x5f: {  	_ =	shalt  }
0x60: {  	_ =	shalt  }
0x61: {  	_ =	shalt  }
0x62: {  	_ =	shalt  }
0x63: {  	_ =	shalt  }
0x64: {  	_ =	shalt  }
0x65: {  	_ =	shalt  }
0x66: {  	_ =	shalt  }
0x67: {  	_ =	shalt  }
0x68: {  	_ =	shalt  }
0x69: {  	_ =	shalt  }
0x6a: {  	_ =	shalt  }
0x6b: {  	_ =	shalt  }
0x6c: {  	_ =	shalt  }
0x6d: {  	_ =	shalt  }
0x6e: {  	_ =	shalt  }
0x6f: {  	_ =	shalt  }
0x70: {  	_ =	shalt  }
0x71: {  	_ =	shalt  }
0x72: {  	_ =	shalt  }
0x73: {  	_ =	shalt  }
0x74: {  	_ =	shalt  }
0x75: {  	_ =	shalt  }
0x76: {  	_ =	shalt  }
0x77: {  	_ =	shalt  }
0x78: {  	_ =	shalt  }
0x79: {  	_ =	shalt  }
0x7a: {  	_ =	shalt  }
0x7b: {  	_ =	shalt  }
0x7c: {  	_ =	shalt  }
0x7d: {  	_ =	shalt  }
0x7e: {  	_ =	shalt  }
0x7f: {  	_ =	shalt  }
0x80: {  	_ =	shalt  }
0x81: {  	_ =	shalt  }
0x82: {  	_ =	shalt  }
0x83: {  	_ =	shalt  }
0x84: {  	_ =	shalt  }
0x85: {  	_ =	shalt  }
0x86: {  	_ =	shalt  }
0x87: {  	_ =	shalt  }
.Lfunc_end0:
.L_simem_size_0:
called_computation.1_lowered:
.L_overlay_start_0:
0x88: {  	s2 =	sld [smem:$0x3FD9]  }
0x89: {  	s3 =	sld [smem:$0x3FFE];
	_ =	sdelay $0x1  }
0x8a: {  	s1 =	srdreg.scid  }
0x8b: {  	s0 =	sand.u32 $0x1, s1  }
0x8c: {  	s17 =	sshll.u32 s0, $0xA;
	s2 =	sadd.s32 s3, s2  }
0x8d: {  	s2 =	sadd.s32 s2, s17  }
0x8e: {  	[smem:$0x3FC0] =	sst s2  }
0x8f: {  	_ = 	snop  }
0x90: {  	s2 =	sld [smem:$0x3FC8]  }
0x91: {  	s18 =	sld [smem:$0x3FD0];
	(tm) =	ssettm $0x1  }
0x92: {  	s4 =	sld [smem:$0x3FFB];
	_ =	sdelay $0x3  }
0x93: {  	_ =	strace s4  }
0x94: {  	s4 =	sld [smem:$0x3FFC];
	_ =	sdelay $0x3  }
0x95: {  	_ =	strace s4  }
0x96: {  	s4 =	sld [smem:$0x3FFD];
	_ =	sdelay $0x3  }
0x97: {  	_ =	strace s4  }
0x98: {  	_ =	strace $0x8FFFFFFF  }
0x99: {  	s19 =	sld [smem:$0x3FDB];
	_ =	sdelay $0x1  }
0x9a: {  	s5 =	simm.s32 $_scs_section_size  }
0x9b: {  	s6 =	simm.s32 $_size__tile_overlayer_lowered;
	s7 =	simm.s32 $_tile_overlayer_lowered  }
0x9c: {  	s22 =	simm.s32 $0x1BFF;
	s21 =	sshll.u32 s7, $0x1;
	s4 =	sadd.s32 s5, s19  }
0x9d: {  	s8 =	simm.s32 $0x0;
	s20 =	sshll.u32 s6, $0x1;
	s6 =	sadd.s32 s21, s4  }
0x9e: {  	[timem:s8], [sflag:s22] =	dma.local [hbm:s6], s20  }
0x9f: {  	_ =	swait.ge [sflag:s22], s20  }
0xa0: {  	s5 =	ssub.s32 $0x0, s20;
	[sflag:s22] =	ssyncset.done $0x0  }
0xa1: {  	[sflag:s22] =	ssyncadd.s32 s5;
	_ =	sdelay $0x1  }
0xa2: {  	s23 =	simm.s32 $0x1B8B  }
0xa3: {  	_ =	swait.ge [sflag:s23], $0x1  }
0xa4: {  	[sflag:s23] =	ssyncset.done $0x0  }
0xa5: {  	s25 =	simm.s32 $0x1B8E;
	s24 =	sld [smem:$0x3FFE];
	[sflag:s23] =	ssyncadd.s32 $0xFFFFFFFF  }
0xa6: {  	s26 =	simm.s32 $execute0_lowered;
	[smem:$0x3FD2] =	sst s25  }
0xa7: {  	s6 =	sshll.u32 s26, $0x1;
	_ =	strace $0x80000049;
	[dreg:$0x1] =	wrdreg $0xFFFFFFFF  }
0xa8: {  	s28 =	simm.s32 $_size_execute0_lowered;
	s4 =	sadd.s32 s4, s6;
	[dreg:$0x0] =	wrdreg $0x0  }
0xa9: {  	s6 =	sshll.u32 s28, $0x1;
	[dreg:$0x2] =	wrdreg s4  }
0xaa: {  	[dreg:$0x3] =	wrdreg s6  }
0xab: {  	[dreg:$0x4] =	wrdreg $0xC0  }
0xac: {  	_ =	task [dreg:s8], $0x5FFFF  }
0xad: {  	[dreg:$0x1] =	wrdreg $0xFFFFFFFF  }
0xae: {  	[dreg:$0x0] =	wrdreg $0x60  }
0xaf: {  	[dreg:$0x2] =	wrdreg s24  }
0xb0: {  	[dreg:$0x3] =	wrdreg s2  }
0xb1: {  	[dreg:$0x4] =	wrdreg s18  }
0xb2: {  	[dreg:$0x5] =	wrdreg $0x0  }
0xb3: {  	[dreg:$0x6] =	wrdreg $0x9  }
0xb4: {  	_ =	task.clear_ibuf [dreg:s8], $0x7FFFF;
	_ =	strace $0x90000049  }
0xb5: {  	s29 =	simm.s32 $0x9;
	_ =	strace $0x8000004B  }
0xb6: {  	_ =	swait.ge [sflag:s29], $0x1  }
0xb7: {  	[sflag:s29] =	ssyncadd.s32 $0xFFFFFFFF  }
0xb8: {  	_ =	strace $0x9000004B  }
0xb9: {  	_ =	sfence  }
0xba: {  	s30 =	sld [smem:$0x0];
	_ =	sdelay $0x2  }
0xbb: {  	s31 =	sshll.u32 s1, $0xD;
	s1 =	sshrl.u32 s1, $0x2  }
0xbc: {  	s3 =	sand.u32 $0x4000, s31;
	s1 =	sadd.s32 s1, s30  }
0xbd: {  	s0 =	sor.u32 s3, s0;
	s1 =	sshll.u32 s1, $0x11  }
0xbe: {  	s0 =	sor.u32 s1, s0  }
0xbf: {  	s0 =	sadd.s32 $0x8F2B, s0  }
0xc0: {  	[sflag:s0] =	ssyncadd.remote.s32 $0x1  }
0xc1: {  	_ =	sfence.sel $0xFFFF  }
0xc2: {  	[dreg:$0x0] =	wrdreg $0xFFFFFFFF;
	(pc) =	sbr.abs _section_cstart, $3  }
0xc3: {  	[dreg:$0x1] =	wrdreg $0xFFFFFFFF  }
0xc4: {  	_ =	task.clear_ibuf [dreg:s8], $0x2FFFF;
	_ =	strace $0x9FFFFFFF  }
0xc5: {  	(tm) =	ssettm $0x7FFFFFFF  }
tec
execute0_lowered:
.L_overlay_start_1:
0x0: {  	(tag) =	ssettag $0x1  }
0x1: {  	s0 =	rddreg [dreg:$0x0]  }
0x2: {  	s1 =	rddreg [dreg:$0x1]  }
0x3: {  	s3 =	rddreg [dreg:$0x2]  }
0x4: {  	s2 =	rddreg [dreg:$0x3];
	s4 =	srdreg.scid  }
0x5: {  	s5 =	simm.s32 $0x0;
	s16 =	stileid.u32;
	s9 =	simm.s32 $0x9D  }
0x6: {  	s15 =	simm.s32 $0x5;
	s17 =	simm.s32 $0x9C40;
	s18 =	simm.s32 $0x80  }
0x7: {  	s19 =	simm.s32 $0x13940;
	s28 =	simm.s32 $0x2;
	s29 =	simm.s32 $0x3  }
0x8: {  	s30 =	simm.s32 $0x4;
	s20 =	simm.s32 $0x8;
	s8 =	sand.u32 $0x1, s4  }
0x9: {  	[smem:$0x7FF] =	sst s5;
	s6 =	smul.u32 $0x9C00, s16;
	s4 =	sadd.s32 $0x2A00, s0  }
0xa: {  	s0 =	sadd.s32 $0x29C00, s0;
	s23 =	sshll.u32 s16, $0x6;
	s10 =	smul.u32 $0x9C, s16  }
0xb: {  	s24 =	smin.u32 s16, $0x4;
	s11 =	smul.u32 $0x13800, s16;
	p0 =	slt.u32 s16, $0x4  }
0xc: {  	p1 =	sgt.u32 s16, $0x3;
	s21 =	ssub.s32 $0x2, s8;
	_ =	strace $0x8000004A  }
0xd: {  	s12 =	sshll.u32 s8, $0x6;
	s9 =	simm.s32 @!p0 $0x9C;
	s26 =	sshll.u32 s8, $0x3  }
0xe: {  	p0 =	sne.s32 s16, $0xF;
	v0 =	vmov s8;
	s8 =	simm.s32 $0x10;
	s7 =	sshrl.u32 s21, $0x1  }
0xf: {  	s22 =	sshrl.u32 s6, $0x3;
	s14 =	sadd.s32 s6, s2;
	s6 =	sor.u32 $0x1C05, s23  }
0x10: {  	s25 =	sor.u32 s12, s11;
	s23 =	simm.s32 $0x17940;
	s13 =	ssub.s32 s21, s7  }
0x11: {  	s5 =	sadd.s32 s3, s22;
	s7 =	sadd.s32 $0x9C000, s2;
	s3 =	sadd.s32 $0x13800, s3  }
0x12: {  	s11 =	sshrl.u32 s25, $0x3;
	s14 =	sshrl.u32 s14, $0x3;
	s21 =	simm.s32 $0x15940  }
0x13: {  	s25 =	simm.s32 $0x19940;
	s22 =	simm.s32 $0x0;
	[dreg:$0x5] =	wrdreg s3  }
0x14: {  	s3 =	sadd.s32 s24, s10;
	s11 =	sadd.s32 s0, s11;
	s0 =	sadd.s32 s26, s0  }
0x15: {  	s13 =	smax.u32 s13, $0x1;
	s31 =	sshrl.u32 s7, $0x3;
	s26 =	simm.s32 $0x1  }
0x16: {  	s3 =	sshll.u32 s3, $0x5;
	s12 =	sadd.s32 $0x27000, s0;
	[dreg:$0x6] =	wrdreg s31  }
0x17: {  	s10 =	sadd.s32 s1, s3;
	s1 =	simm.s32 $0x136C0;
	s3 =	simm.s32 $0x137C0  }
.LBB2_1:
.Ltmp0:
0x18: {  	(pc) =	sbr.rel @p0 .LBB2_4-.Ltmp0, $4  }
0x19: {  	[spmem:s14], [sflag:s6] =	dma.local [hbm:s5], $0x1380  }
0x1a: {  	_ =	swait.ge [sflag:s15], $0x1380  }
0x1b: {  	[sflag:s15] =	ssyncset.done $0x0  }
0x1c: {  	[sflag:s15] =	ssyncadd.s32 $0xFFFFEC80  }
0x1d: {  	s0 =	rddreg [dreg:$0x5]  }
0x1e: {  	s16 =	rddreg [dreg:$0x6]  }
0x1f: {  	[spmem:s16], [sflag:s6] =	dma.local [hbm:s0], $0x80  }
.Ltmp1:
0x20: {  	_ =	swait.ge [sflag:s15], $0x80;
	(pc) =	sbr.rel .LBB2_3-.Ltmp1, $3  }
0x21: {  	[sflag:s15] =	ssyncset.done $0x0  }
0x22: {  	[sflag:s15] =	ssyncadd.s32 $0xFFFFFF80  }
0x23: {  	[bflag:$0x0] =	sbarrier.arrive $0xFFFF;
	_ =	sdelay $0x1  }
.LBB2_4:
.Ltmp2:
0x24: {  	(pc) =	sbr.rel @p1 .LBB2_3-.Ltmp2, $2  }
0x25: {  	_ =	sdelay $0x1  }
0x26: {  	[bflag:$0x0] =	sbarrier.arrive $0xFFFF;
	_ =	sdelay $0x1  }
.Ltmp3:
0x27: {  	s0 =	simm.s32 $0x0;
	(pc) =	sbr.rel .LBB2_6-.Ltmp3, $4  }
0x28: {  	[tilespmem:s17], [sflag:$0x5] =	stream.linear.gather [hbm4b:s10+s0], $0x9D00, $0x38;
	[tilespmem:$0x1B940] =	vst v63  }
0x29: {  	_ =	swait.ge [sflag:s15], $0x9D00  }
0x2a: {  	[sflag:s15] =	ssyncset.done $0x0  }
0x2b: {  	[sflag:s15] =	ssyncadd.s32 $0xFFFF6300  }
.LBB2_3:
0x2c: {  	s0 =	simm.s32 $0x0  }
0x2d: {  	[tilespmem:s17], [sflag:$0x5] =	stream.linear.gather [hbm4b:s10+s0], $0x9C00, $0x38;
	[tilespmem:$0x1B940] =	vst v63  }
0x2e: {  	_ =	swait.ge [sflag:s15], $0x9C00  }
0x2f: {  	[sflag:s15] =	ssyncset.done $0x0  }
0x30: {  	[sflag:s15] =	ssyncadd.s32 $0xFFFF6400  }
.LBB2_6:
0x31: {  	s24 =	simm.s32 $0x9C80  }
0x32: {  	v2 =	vld [tilespmem:s24+$0xFFFFFFC0]  }
0x33: {  	p2 =	sne.s32 s9, $0x1;
	v4 =	vld [tilespmem:s24+$0xFFFFFFD0]  }
.Ltmp4:
0x34: {  	v5 =	vld [tilespmem:s24+$0xFFFFFFE0];
	(pc) =	sbr.rel @!p2 .LBB2_8-.Ltmp4, $4  }
0x35: {  	v3 =	vld [tilespmem:s24+$0x0]  }
0x36: {  	v1 =	vld [tilespmem:s24+$0x10]  }
0x37: {  	v6 =	vshll.u32 v2, $0x1;
	v2 =	vld [tilespmem:s24+$0x20]  }
0x38: {  	s16 =	sadd.s32 $0xFFFFFFFF, s9;
	s31 =	simm.s32 $0x9C80;
	v7 =	vshll.u32 v4, $0x1;
	v4 =	vld [tilespmem:s24+$0x30];
	v6 =	vor.u32 v0, v6  }
.LBB2_7:
0x39: {  	p2 =	sne.s32 s16, $0x1;
	[tilespmem:s24+$0xFFFFFFC0] =	vst v6;
	v6 =	vor.u32 v0, v7;
	v5 =	vshll.u32 v5, $0x1;
	v7 =	vld [tilespmem:s24+$0xFFFFFFF0];
	s31 =	sadd.s32 $0x100, s31  }
0x3a: {  	v8 =	vld [tilespmem:s31+$0xFFFFFFC0];
	[tilespmem:s24+$0xFFFFFFD0] =	vst v6;
	v5 =	vor.u32 v0, v5;
	v3 =	vshll.u32 v3, $0x1  }
0x3b: {  	v9 =	vld [tilespmem:s31+$0xFFFFFFD0];
	[tilespmem:s24+$0xFFFFFFE0] =	vst v5;
	v3 =	vor.u32 v0, v3;
	v1 =	vshll.u32 v1, $0x1  }
.Ltmp5:
0x3c: {  	v5 =	vld [tilespmem:s31+$0xFFFFFFE0];
	[tilespmem:s24+$0x0] =	vst v3;
	v1 =	vor.u32 v0, v1;
	v2 =	vshll.u32 v2, $0x1;
	(pc) =	sbr.rel @p2 .LBB2_7-.Ltmp5, $4  }
0x3d: {  	v3 =	vld [tilespmem:s31+$0x0];
	[tilespmem:s24+$0x10] =	vst v1;
	v2 =	vor.u32 v0, v2;
	v4 =	vshll.u32 v4, $0x1  }
0x3e: {  	v1 =	vld [tilespmem:s31+$0x10];
	v6 =	vshll.u32 v7, $0x1;
	[tilespmem:s24+$0x20] =	vst v2;
	v4 =	vor.u32 v0, v4  }
0x3f: {  	v7 =	vshll.u32 v8, $0x1;
	v2 =	vld [tilespmem:s31+$0x20];
	v8 =	vor.u32 v0, v6;
	[tilespmem:s24+$0x30] =	vst v4  }
0x40: {  	s16 =	sadd.s32 $0xFFFFFFFF, s16;
	v6 =	vor.u32 v0, v7;
	v7 =	vshll.u32 v9, $0x1;
	v4 =	vld [tilespmem:s31+$0x30];
	[tilespmem:s24+$0xFFFFFFF0] =	vst v8;
	s24 =	smov.u32 s31  }
.LBB2_8:
0x41: {  	[tilespmem:s24+$0xFFFFFFC0] =	vst v6;
	v62 =	vor.u32 v0, v7;
	v5 =	vshll.u32 v5, $0x1;
	v63 =	vld [tilespmem:s24+$0xFFFFFFF0]  }
0x42: {  	[tilespmem:s24+$0xFFFFFFD0] =	vst v62;
	v5 =	vor.u32 v0, v5;
	v3 =	vshll.u32 v3, $0x1  }
0x43: {  	[tilespmem:s24+$0xFFFFFFE0] =	vst v5;
	v3 =	vor.u32 v0, v3;
	v1 =	vshll.u32 v1, $0x1  }
0x44: {  	[tilespmem:s24+$0x0] =	vst v3;
	v1 =	vor.u32 v0, v1;
	v2 =	vshll.u32 v2, $0x1  }
0x45: {  	[tilespmem:s24+$0x10] =	vst v1;
	v1 =	vor.u32 v0, v2;
	v2 =	vshll.u32 v4, $0x1  }
0x46: {  	v3 =	vshll.u32 v63, $0x1;
	[tilespmem:s24+$0x20] =	vst v1;
	v1 =	vor.u32 v0, v2  }
0x47: {  	v2 =	vor.u32 v0, v3;
	[tilespmem:s24+$0x30] =	vst v1  }
0x48: {  	[tilespmem:s24+$0xFFFFFFF0] =	vst v2  }
0x49: {  	[tilespmem:s19], [sflag:$0x1] =	stream.indirect.gather [hbm4b:s4+s18], $0x40, s17, s18, $0xb8;
	[tilespmem:$0x1B940] =	vst v63  }
0x4a: {  	s0 =	simm.s32 $0x9D40  }
0x4b: {  	[tilespmem:s21], [sflag:$0x2] =	stream.indirect.gather [hbm4b:s4+s18], $0x40, s0, s18, $0xb8;
	[tilespmem:$0x1B940] =	vst v63  }
0x4c: {  	s24 =	simm.s32 $0x9E40  }
0x4d: {  	[tilespmem:s23], [sflag:$0x3] =	stream.indirect.gather [hbm4b:s4+s18], $0x40, s24, s18, $0xb8;
	[tilespmem:$0x1B940] =	vst v63  }
0x4e: {  	s31 =	simm.s32 $0x9F40  }
0x4f: {  	[tilespmem:s25], [sflag:$0x4] =	stream.indirect.gather [hbm4b:s4+s18], $0x40, s31, s18, $0xb8;
	[tilespmem:$0x1B940] =	vst v63  }
0x50: {  	_ =	swait.ge [sflag:s26], $0x2000  }
0x51: {  	[sflag:s26] =	ssyncset.done $0x0  }
0x52: {  	s16 =	simm.s32 $0x9CC0;
	[sflag:s26] =	ssyncadd.s32 $0xFFFFE000  }
0x53: {  	[spmem:s2] =	stream.indirect.scatter.add.f32 [tilespmem:s19], [sflag:$0x5], $0x40, s16, s18, $0xb8;
	[tilespmem:$0x1B940] =	vst v63  }
0x54: {  	_ =	swait.ge [sflag:s15], $0x2000  }
0x55: {  	[sflag:s15] =	ssyncset.done $0x0  }
0x56: {  	s0 =	simm.s32 $0xA040;
	[sflag:s15] =	ssyncadd.s32 $0xFFFFE000  }
0x57: {  	[tilespmem:s19], [sflag:$0x1] =	stream.indirect.gather [hbm4b:s4+s18], $0x40, s0, s18, $0xb8;
	[tilespmem:$0x1B940] =	vst v63  }
0x58: {  	_ =	swait.ge [sflag:s28], $0x2000  }
0x59: {  	[sflag:s28] =	ssyncset.done $0x0  }
0x5a: {  	s24 =	simm.s32 $0x9DC0;
	[sflag:s28] =	ssyncadd.s32 $0xFFFFE000  }
0x5b: {  	[spmem:s2] =	stream.indirect.scatter.add.f32 [tilespmem:s21], [sflag:$0x5], $0x40, s24, s18, $0xb8;
	[tilespmem:$0x1B940] =	vst v63  }
0x5c: {  	_ =	swait.ge [sflag:s15], $0x2000  }
0x5d: {  	[sflag:s15] =	ssyncset.done $0x0  }
0x5e: {  	s31 =	simm.s32 $0xA140;
	[sflag:s15] =	ssyncadd.s32 $0xFFFFE000  }
0x5f: {  	[tilespmem:s21], [sflag:$0x2] =	stream.indirect.gather [hbm4b:s4+s18], $0x40, s31, s18, $0xb8;
	[tilespmem:$0x1B940] =	vst v63  }
0x60: {  	_ =	swait.ge [sflag:s29], $0x2000  }
0x61: {  	[sflag:s29] =	ssyncset.done $0x0  }
0x62: {  	s0 =	simm.s32 $0x9EC0;
	[sflag:s29] =	ssyncadd.s32 $0xFFFFE000  }
0x63: {  	[spmem:s2] =	stream.indirect.scatter.add.f32 [tilespmem:s23], [sflag:$0x5], $0x40, s0, s18, $0xb8;
	[tilespmem:$0x1B940] =	vst v63  }
0x64: {  	_ =	swait.ge [sflag:s15], $0x2000  }
0x65: {  	[sflag:s15] =	ssyncset.done $0x0  }
0x66: {  	s24 =	simm.s32 $0xA240;
	[sflag:s15] =	ssyncadd.s32 $0xFFFFE000  }
0x67: {  	[tilespmem:s23], [sflag:$0x3] =	stream.indirect.gather [hbm4b:s4+s18], $0x40, s24, s18, $0xb8;
	[tilespmem:$0x1B940] =	vst v63  }
0x68: {  	_ =	swait.ge [sflag:s30], $0x2000  }
0x69: {  	[sflag:s30] =	ssyncset.done $0x0  }
0x6a: {  	s31 =	simm.s32 $0x9FC0;
	[sflag:s30] =	ssyncadd.s32 $0xFFFFE000  }
0x6b: {  	[spmem:s2] =	stream.indirect.scatter.add.f32 [tilespmem:s25], [sflag:$0x5], $0x40, s31, s18, $0xb8;
	[tilespmem:$0x1B940] =	vst v63  }
0x6c: {  	_ =	swait.ge [sflag:s15], $0x2000  }
0x6d: {  	[sflag:s15] =	ssyncset.done $0x0  }
0x6e: {  	s16 =	simm.s32 $0xA340;
	s24 =	simm.s32 $0x1000;
	[sflag:s15] =	ssyncadd.s32 $0xFFFFE000  }
.LBB2_9:
0x6f: {  	[tilespmem:s25], [sflag:$0x4] =	stream.indirect.gather [hbm4b:s4+s18], $0x40, s16, s18, $0xb8;
	[tilespmem:$0x1B940] =	vst v63  }
0x70: {  	s16 =	smov.u32 s24  }
0x71: {  	p2 =	sne.s32 s24, $0x25000;
	s24 =	sadd.s32 $0x1000, s24;
	_ =	swait.ge [sflag:s26], $0x2000  }
0x72: {  	s16 =	sshra.s32 s16, $0x2;
	[sflag:s26] =	ssyncset.done $0x0  }
0x73: {  	s31 =	sadd.s32 $0x9CC0, s16;
	[sflag:s26] =	ssyncadd.s32 $0xFFFFE000  }
0x74: {  	[spmem:s2] =	stream.indirect.scatter.add.f32 [tilespmem:s19], [sflag:$0x5], $0x40, s31, s18, $0xb8;
	[tilespmem:$0x1B940] =	vst v63  }
0x75: {  	_ =	swait.ge [sflag:s15], $0x2000  }
0x76: {  	[sflag:s15] =	ssyncset.done $0x0  }
0x77: {  	s31 =	sadd.s32 $0xA040, s16;
	[sflag:s15] =	ssyncadd.s32 $0xFFFFE000  }
0x78: {  	[tilespmem:s19], [sflag:$0x1] =	stream.indirect.gather [hbm4b:s4+s18], $0x40, s31, s18, $0xb8;
	[tilespmem:$0x1B940] =	vst v63  }
0x79: {  	_ =	swait.ge [sflag:s28], $0x2000  }
0x7a: {  	[sflag:s28] =	ssyncset.done $0x0  }
0x7b: {  	s31 =	sadd.s32 $0x9DC0, s16;
	[sflag:s28] =	ssyncadd.s32 $0xFFFFE000  }
0x7c: {  	[spmem:s2] =	stream.indirect.scatter.add.f32 [tilespmem:s21], [sflag:$0x5], $0x40, s31, s18, $0xb8;
	[tilespmem:$0x1B940] =	vst v63  }
0x7d: {  	_ =	swait.ge [sflag:s15], $0x2000  }
0x7e: {  	[sflag:s15] =	ssyncset.done $0x0  }
0x7f: {  	s31 =	sadd.s32 $0xA140, s16;
	[sflag:s15] =	ssyncadd.s32 $0xFFFFE000  }
0x80: {  	[tilespmem:s21], [sflag:$0x2] =	stream.indirect.gather [hbm4b:s4+s18], $0x40, s31, s18, $0xb8;
	[tilespmem:$0x1B940] =	vst v63  }
0x81: {  	_ =	swait.ge [sflag:s29], $0x2000  }
0x82: {  	[sflag:s29] =	ssyncset.done $0x0  }
0x83: {  	s31 =	sadd.s32 $0x9EC0, s16;
	[sflag:s29] =	ssyncadd.s32 $0xFFFFE000  }
0x84: {  	[spmem:s2] =	stream.indirect.scatter.add.f32 [tilespmem:s23], [sflag:$0x5], $0x40, s31, s18, $0xb8;
	[tilespmem:$0x1B940] =	vst v63  }
0x85: {  	_ =	swait.ge [sflag:s15], $0x2000  }
0x86: {  	[sflag:s15] =	ssyncset.done $0x0  }
0x87: {  	s31 =	sadd.s32 $0xA240, s16;
	[sflag:s15] =	ssyncadd.s32 $0xFFFFE000  }
0x88: {  	[tilespmem:s23], [sflag:$0x3] =	stream.indirect.gather [hbm4b:s4+s18], $0x40, s31, s18, $0xb8;
	[tilespmem:$0x1B940] =	vst v63  }
0x89: {  	_ =	swait.ge [sflag:s30], $0x2000  }
0x8a: {  	[sflag:s30] =	ssyncset.done $0x0  }
.Ltmp6:
0x8b: {  	s31 =	sadd.s32 $0x9FC0, s16;
	[sflag:s30] =	ssyncadd.s32 $0xFFFFE000;
	(pc) =	sbr.rel @p2 .LBB2_9-.Ltmp6, $4  }
0x8c: {  	[spmem:s2] =	stream.indirect.scatter.add.f32 [tilespmem:s25], [sflag:$0x5], $0x40, s31, s18, $0xb8;
	[tilespmem:$0x1B940] =	vst v63  }
0x8d: {  	_ =	swait.ge [sflag:s15], $0x2000  }
0x8e: {  	[sflag:s15] =	ssyncset.done $0x0  }
0x8f: {  	s16 =	sadd.s32 $0xA340, s16;
	[sflag:s15] =	ssyncadd.s32 $0xFFFFE000  }
0x90: {  	[tilespmem:s25], [sflag:$0x4] =	stream.indirect.gather [hbm4b:s4+s18], $0x40, s16, s18, $0xb8;
	[tilespmem:$0x1B940] =	vst v63  }
0x91: {  	_ =	swait.ge [sflag:s26], $0x2000  }
0x92: {  	[sflag:s26] =	ssyncset.done $0x0  }
0x93: {  	s0 =	simm.s32 $0x134C0;
	[sflag:s26] =	ssyncadd.s32 $0xFFFFE000  }
0x94: {  	[spmem:s2] =	stream.indirect.scatter.add.f32 [tilespmem:s19], [sflag:$0x5], $0x40, s0, s18, $0xb8;
	[tilespmem:$0x1B940] =	vst v63  }
0x95: {  	_ =	swait.ge [sflag:s15], $0x2000  }
0x96: {  	s16 =	simm.s32 @!p1 $0x80;
	[sflag:s15] =	ssyncset.done $0x0  }
0x97: {  	s24 =	simm.s32 @!p1 $0x13840;
	s31 =	simm.s32 @!p1 $0x13940;
	[sflag:s15] =	ssyncadd.s32 $0xFFFFE000  }
0x98: {  	[tilespmem:s31], [sflag:$0x1] =	stream.indirect.gather @!p1 [hbm4b:s4+s16], $0x40, s24, s16, $0xb8;
	[tilespmem:$0x1B940] =	vst v63  }
0x99: {  	_ =	swait.ge [sflag:s28], $0x2000  }
0x9a: {  	[sflag:s28] =	ssyncset.done $0x0  }
0x9b: {  	s24 =	simm.s32 $0x135C0;
	[sflag:s28] =	ssyncadd.s32 $0xFFFFE000  }
0x9c: {  	[spmem:s2] =	stream.indirect.scatter.add.f32 [tilespmem:s21], [sflag:$0x5], $0x40, s24, s18, $0xb8;
	[tilespmem:$0x1B940] =	vst v63  }
0x9d: {  	_ =	swait.ge [sflag:s15], $0x2000  }
0x9e: {  	[sflag:s15] =	ssyncset.done $0x0  }
0x9f: {  	[sflag:s15] =	ssyncadd.s32 $0xFFFFE000  }
0xa0: {  	_ =	swait.ge [sflag:s29], $0x2000  }
0xa1: {  	[sflag:s29] =	ssyncset.done $0x0  }
0xa2: {  	[sflag:s29] =	ssyncadd.s32 $0xFFFFE000  }
0xa3: {  	[spmem:s2] =	stream.indirect.scatter.add.f32 [tilespmem:s23], [sflag:$0x5], $0x40, s1, s18, $0xb8;
	[tilespmem:$0x1B940] =	vst v63  }
0xa4: {  	_ =	swait.ge [sflag:s15], $0x2000  }
0xa5: {  	[sflag:s15] =	ssyncset.done $0x0  }
0xa6: {  	[sflag:s15] =	ssyncadd.s32 $0xFFFFE000  }
0xa7: {  	_ =	swait.ge [sflag:s30], $0x2000  }
0xa8: {  	[sflag:s30] =	ssyncset.done $0x0  }
0xa9: {  	[sflag:s30] =	ssyncadd.s32 $0xFFFFE000  }
0xaa: {  	[spmem:s2] =	stream.indirect.scatter.add.f32 [tilespmem:s25], [sflag:$0x5], $0x40, s3, s18, $0xb8;
	[tilespmem:$0x1B940] =	vst v63  }
0xab: {  	_ =	swait.ge [sflag:s15], $0x2000  }
0xac: {  	[sflag:s15] =	ssyncset.done $0x0  }
0xad: {  	s24 =	simm.s32 @!p1 $0x1;
	[sflag:s15] =	ssyncadd.s32 $0xFFFFE000  }
0xae: {  	_ =	swait.ge @!p1 [sflag:s24], $0x2000  }
0xaf: {  	[sflag:s24] =	ssyncset.done @!p1 $0x0  }
0xb0: {  	[sflag:s24] =	ssyncadd.s32 @!p1 $0xFFFFE000;
	s24 =	simm.s32 @!p1 $0x138C0  }
0xb1: {  	[spmem:s2] =	stream.indirect.scatter.add.f32 @!p1 [tilespmem:s31], [sflag:$0x5], $0x40, s24, s16, $0xb8;
	[tilespmem:$0x1B940] =	vst v63  }
0xb2: {  	s16 =	simm.s32 @!p1 $0x5  }
0xb3: {  	_ =	swait.ge @!p1 [sflag:s16], $0x2000  }
0xb4: {  	[sflag:s16] =	ssyncset.done @!p1 $0x0  }
0xb5: {  	[sflag:s16] =	ssyncadd.s32 @!p1 $0xFFFFE000  }
0xb6: {  	s22 =	sadd.s32 $0x1, s22;
	[bflag:$0x0] =	sbarrier.arrive $0xFFFF  }
0xb7: {  	[hbm:s11@s8], [sflag:s6] =	dma.strided [spmem:s14@s20], $0x1380, s26, $0x8   }
0xb8: {  	p2 =	sne.s32 s22, s13;
	_ =	swait.ge [sflag:s15], $0x1380  }
0xb9: {  	s0 =	simm.s32 @!p0 $0x8;
	s24 =	simm.s32 @!p0 $0x1;
	[sflag:s15] =	ssyncset.done $0x0  }
0xba: {  	s31 =	simm.s32 @!p0 $0x10;
	s16 =	sshrl.u32 @!p0 s7, $0x3;
	[sflag:s15] =	ssyncadd.s32 $0xFFFFEC80  }
0xbb: {  	[hbm:s12@s31], [sflag:s6] =	dma.strided @!p0 [spmem:s16@s0], $0x80, s24, $0x8   }
.Ltmp7:
0xbc: {  	_ = 	snop;
	(pc) =	sbr.rel @p2 .LBB2_1-.Ltmp7, $4  }
0xbd: {  	s0 =	simm.s32 @!p0 $0x5  }
0xbe: {  	_ =	swait.ge @!p0 [sflag:s0], $0x80  }
0xbf: {  	[sflag:s0] =	ssyncset.done @!p0 $0x0  }
0xc0: {  	[sflag:s0] =	ssyncadd.s32 @!p0 $0xFFFFFF80  }
0xc1: {  	_ =	sfence.sel $0x180000  }
0xc2: {  	[bflag:$0x0] =	sbarrier.arrive $0xFFFF  }
0xc3: {  	_ =	strace $0x9000004A  }
0xc4: {  	s0 =	stileid.u32;
	[bflag:$0x2] =	sbarrier.arrive $0xFFFF  }
0xc5: {  	p0 =	sne.s32 s0, $0x0;
	s0 =	rddreg [dreg:$0x4]  }
0xc6: {  	s0 =	sadd.s32 @!p0 $0x100000, s0  }
0xc7: {  	[sflag:s0] =	ssyncadd.tile.s32 @!p0 $0x1;
	_ =	shalt  }
.Lfunc_end2:
_tile_overlayer_lowered:
.L_overlay_start_2:
0xc8: {  	(tag) =	ssettag $0x2  }
0xc9: {  	s0 =	rddreg [dreg:$0x0];
	s2 =	stileid.u32  }
0xca: {  	s1 =	rddreg [dreg:$0x1];
	p0 =	sne.s32 s2, $0x0  }
0xcb: {  	s3 =	rddreg [dreg:$0x2];
	[bflag:$0x3] =	sbarrier.arrive $0xFFFF;
	s2 =	simm.s32 @!p0 $0x1C05  }
0xcc: {  	[timem:s3], [sflag:s2] =	dma.local @!p0 [hbm:s0], s1  }
0xcd: {  	s0 =	simm.s32 @!p0 $0x5  }
0xce: {  	_ =	swait.ge @!p0 [sflag:s0], s1  }
0xcf: {  	s1 =	ssub.s32 @!p0 $0x0, s1;
	[sflag:s0] =	ssyncset.done @!p0 $0x0  }
0xd0: {  	[sflag:s0] =	ssyncadd.s32 @!p0 s1  }
0xd1: {  	[bflag:$0x3] =	sbarrier.arrive $0xFFFF  }
0xd2: {  	_ =	shalt  }

// kernel: kernel.14.cloned.1.call-start
scs
__scs_entry_jumppad:
0x0: {  	(pc) =	sbr.rel $0x88, $3  }
0x1: {  	(tag) =	ssettag $0x0;
	lr =	simm.s32 $0x1  }
0x2: {  	[smem:$0x3F99] =	sst lr;
	_ =	strace $0xD0000000  }
0x3: {  	_ = 	snop  }
0x4: {  	_ = 	snop  }
0x5: {  	_ = 	snop  }
0x6: {  	_ = 	snop  }
0x7: {  	_ = 	snop  }
__scs_overlays_trampoline_lowered:
0x8: {  	[smem:$0x3FA8] =	sst s0  }
0x9: {  	[smem:$0x3FA9] =	sst s1  }
0xa: {  	[smem:$0x3FAA] =	sst s2  }
0xb: {  	[smem:$0x3FAB] =	sst s3  }
0xc: {  	[smem:$0x3FAC] =	sst s4  }
0xd: {  	[smem:$0x3FAD] =	sst s5  }
0xe: {  	[smem:$0x3FAE] =	sst s6  }
0xf: {  	[smem:$0x3FAF] =	sst s7  }
0x10: {  	[smem:$0x3FB0] =	sst s8  }
0x11: {  	[smem:$0x3FB1] =	sst s9;
	s0 =	simm.s32 @!p0 $0x0  }
0x12: {  	s1 =	sld [smem:$0x3F97];
	s0 =	simm.s32 @p0 $0x1  }
0x13: {  	[smem:$0x3FB2] =	sst s0;
	s0 =	simm.s32 @!p1 $0x0  }
0x14: {  	s2 =	sld [smem:$0x3F96];
	s0 =	simm.s32 @p1 $0x1  }
0x15: {  	[smem:$0x3FB3] =	sst s0;
	s0 =	simm.s32 @!p2 $0x0  }
0x16: {  	s3 =	sld [smem:$0x3FDB];
	s0 =	simm.s32 @p2 $0x1  }
0x17: {  	s4 =	simm.s32 $0x1BF5;
	[smem:$0x3FB5] =	sst s0  }
0x18: {  	s0 =	sld [smem:$0x3F98];
	_ =	swait.ge [sflag:s4], $0x0  }
0x19: {  	s7 =	sld [smem:$0x3F99]  }
0x1a: {  	s8 =	sadd.s32 $0xFFFFE003, lr  }
0x1b: {  	s9 =	sadd.s32 $0xFFFFFEF7, lr;
	s5 =	simm.s32 $0xFFFFFFFF;
	p2 =	slt.u32 s8, $0xFFFFF086  }
0x1c: {  	p1 =	slt.u32 s9, $0xF7A;
	s5 =	simm.s32 @!p2 $0x0  }
0x1d: {  	s5 =	simm.s32 @p1 $0x1;
	p0 =	seq.s32 s7, s2  }
0x1e: {  	s7 =	smul.u32 @!p0 $0xF7A, s2;
	p2 =	seq.s32 @!p0 s5, $0x0  }
0x1f: {  	s9 =	smul.u32 $0xF7A, s1;
	s8 =	simm.s32 @!p0 $0x1BF5;
	p2 =	por !p2, p0  }
0x20: {  	[sflag:s8] =	ssyncset.s32 @!p0 $0xFFFFF086;
	s6 =	sadd.s32 @!p0 s3, s7;
	s7 =	simm.s32 @!p0 $0x108  }
0x21: {  	s3 =	sadd.s32 s3, s9;
	s6 =	sadd.s32 @!p0 $0x88, s6;
	s7 =	simm.s32 @p2 $0x1082  }
0x22: {  	[simem:s7], [sflag:s8] =	dma.local @!p0 [hbm:s6], $0xF7A  }
0x23: {  	s9 =	sor.u32 $0xD0000000, s2;
	s6 =	simm.s32 $0x108;
	_ =	swait.ge @!p0 [sflag:s8], $0x0  }
0x24: {  	s3 =	sadd.s32 $0x88, s3;
	s6 =	simm.s32 @!p1 $0x1082;
	[sflag:s4] =	ssyncset.s32 $0xFFFFF086  }
0x25: {  	[simem:s6], [sflag:s4] =	dma.local [hbm:s3], $0xF7A  }
0x26: {  	[smem:$0x3F99] =	sst s1;
	(tag) =	ssettag s2;
	_ =	strace s9  }
0x27: {  	s1 =	sld [smem:$0x3FA9]  }
0x28: {  	s2 =	sld [smem:$0x3FAA]  }
0x29: {  	s4 =	sld [smem:$0x3FAC]  }
0x2a: {  	p0 =	seq.s32 s5, $0x0;
	s5 =	sld [smem:$0x3FAD]  }
0x2b: {  	s6 =	sld [smem:$0x3FAE]  }
0x2c: {  	s7 =	sld [smem:$0x3FAF]  }
0x2d: {  	s3 =	simm.s32 $0x108;
	s8 =	sld [smem:$0x3FB0]  }
0x2e: {  	s3 =	simm.s32 @!p0 $0x1082;
	s9 =	sld [smem:$0x3FB1]  }
0x2f: {  	lr =	sadd.s32 s0, s3;
	s0 =	sld [smem:$0x3FA8]  }
0x30: {  	s3 =	sld [smem:$0x3FAB]  }
0x31: {  	[smem:$0x3FB4] =	sst s10  }
0x32: {  	s10 =	sld [smem:$0x3FB2];
	_ =	sdelay $0x3  }
0x33: {  	p0 =	seq.s32 s10, $0x1;
	s10 =	sld [smem:$0x3FB4];
	_ =	sdelay $0x3  }
0x34: {  	[smem:$0x3FB4] =	sst s10  }
0x35: {  	s10 =	sld [smem:$0x3FB3];
	_ =	sdelay $0x3  }
0x36: {  	p1 =	seq.s32 s10, $0x1;
	s10 =	sld [smem:$0x3FB4];
	_ =	sdelay $0x3  }
0x37: {  	[smem:$0x3FB4] =	sst s10  }
0x38: {  	s10 =	sld [smem:$0x3FB5]  }
0x39: {  	_ = 	snop;
	(pc) =	sbr.ind lr, $3  }
0x3a: {  	_ = 	snop  }
0x3b: {  	_ = 	snop  }
0x3c: {  	p2 =	seq.s32 s10, $0x1;
	s10 =	sld [smem:$0x3FB4]  }
0x3d: {  	_ =	shalt  }
0x3e: {  	_ =	shalt  }
0x3f: {  	_ =	shalt  }
0x40: {  	_ =	shalt  }
0x41: {  	_ =	shalt  }
0x42: {  	_ =	shalt  }
0x43: {  	_ =	shalt  }
0x44: {  	_ =	shalt  }
0x45: {  	_ =	shalt  }
0x46: {  	_ =	shalt  }
0x47: {  	_ =	shalt  }
0x48: {  	_ =	shalt  }
0x49: {  	_ =	shalt  }
0x4a: {  	_ =	shalt  }
0x4b: {  	_ =	shalt  }
0x4c: {  	_ =	shalt  }
0x4d: {  	_ =	shalt  }
0x4e: {  	_ =	shalt  }
0x4f: {  	_ =	shalt  }
0x50: {  	_ =	shalt  }
0x51: {  	_ =	shalt  }
0x52: {  	_ =	shalt  }
0x53: {  	_ =	shalt  }
0x54: {  	_ =	shalt  }
0x55: {  	_ =	shalt  }
0x56: {  	_ =	shalt  }
0x57: {  	_ =	shalt  }
0x58: {  	_ =	shalt  }
0x59: {  	_ =	shalt  }
0x5a: {  	_ =	shalt  }
0x5b: {  	_ =	shalt  }
0x5c: {  	_ =	shalt  }
0x5d: {  	_ =	shalt  }
0x5e: {  	_ =	shalt  }
0x5f: {  	_ =	shalt  }
0x60: {  	_ =	shalt  }
0x61: {  	_ =	shalt  }
0x62: {  	_ =	shalt  }
0x63: {  	_ =	shalt  }
0x64: {  	_ =	shalt  }
0x65: {  	_ =	shalt  }
0x66: {  	_ =	shalt  }
0x67: {  	_ =	shalt  }
0x68: {  	_ =	shalt  }
0x69: {  	_ =	shalt  }
0x6a: {  	_ =	shalt  }
0x6b: {  	_ =	shalt  }
0x6c: {  	_ =	shalt  }
0x6d: {  	_ =	shalt  }
0x6e: {  	_ =	shalt  }
0x6f: {  	_ =	shalt  }
0x70: {  	_ =	shalt  }
0x71: {  	_ =	shalt  }
0x72: {  	_ =	shalt  }
0x73: {  	_ =	shalt  }
0x74: {  	_ =	shalt  }
0x75: {  	_ =	shalt  }
0x76: {  	_ =	shalt  }
0x77: {  	_ =	shalt  }
0x78: {  	_ =	shalt  }
0x79: {  	_ =	shalt  }
0x7a: {  	_ =	shalt  }
0x7b: {  	_ =	shalt  }
0x7c: {  	_ =	shalt  }
0x7d: {  	_ =	shalt  }
0x7e: {  	_ =	shalt  }
0x7f: {  	_ =	shalt  }
0x80: {  	_ =	shalt  }
0x81: {  	_ =	shalt  }
0x82: {  	_ =	shalt  }
0x83: {  	_ =	shalt  }
0x84: {  	_ =	shalt  }
0x85: {  	_ =	shalt  }
0x86: {  	_ =	shalt  }
0x87: {  	_ =	shalt  }
.Lfunc_end0:
.L_simem_size_0:
called_computation.2_lowered:
.L_overlay_start_0:
0x88: {  	s2 =	sld [smem:$0x3FD9]  }
0x89: {  	s3 =	sld [smem:$0x3FFE];
	_ =	sdelay $0x1  }
0x8a: {  	s1 =	srdreg.scid  }
0x8b: {  	s0 =	sand.u32 $0x1, s1  }
0x8c: {  	s17 =	sshll.u32 s0, $0xA;
	s2 =	sadd.s32 s3, s2  }
0x8d: {  	s2 =	sadd.s32 s2, s17  }
0x8e: {  	[smem:$0x3FC0] =	sst s2  }
0x8f: {  	_ = 	snop  }
0x90: {  	s2 =	sld [smem:$0x3FC8]  }
0x91: {  	s18 =	sld [smem:$0x3FD0];
	(tm) =	ssettm $0x1  }
0x92: {  	s4 =	sld [smem:$0x3FFB];
	_ =	sdelay $0x3  }
0x93: {  	_ =	strace s4  }
0x94: {  	s4 =	sld [smem:$0x3FFC];
	_ =	sdelay $0x3  }
0x95: {  	_ =	strace s4  }
0x96: {  	s4 =	sld [smem:$0x3FFD];
	_ =	sdelay $0x3  }
0x97: {  	_ =	strace s4  }
0x98: {  	_ =	strace $0x8FFFFFFF  }
0x99: {  	s19 =	sld [smem:$0x3FDB];
	_ =	sdelay $0x1  }
0x9a: {  	s5 =	simm.s32 $_scs_section_size  }
0x9b: {  	s6 =	simm.s32 $_size__tile_overlayer_lowered;
	s7 =	simm.s32 $_tile_overlayer_lowered  }
0x9c: {  	s22 =	simm.s32 $0x1BFF;
	s21 =	sshll.u32 s7, $0x1;
	s4 =	sadd.s32 s5, s19  }
0x9d: {  	s8 =	simm.s32 $0x0;
	s20 =	sshll.u32 s6, $0x1;
	s6 =	sadd.s32 s21, s4  }
0x9e: {  	[timem:s8], [sflag:s22] =	dma.local [hbm:s6], s20  }
0x9f: {  	_ =	swait.ge [sflag:s22], s20  }
0xa0: {  	s5 =	ssub.s32 $0x0, s20;
	[sflag:s22] =	ssyncset.done $0x0  }
0xa1: {  	[sflag:s22] =	ssyncadd.s32 s5;
	_ =	sdelay $0x1  }
0xa2: {  	s23 =	simm.s32 $0x1B8B  }
0xa3: {  	_ =	swait.ge [sflag:s23], $0x1  }
0xa4: {  	[sflag:s23] =	ssyncset.done $0x0  }
0xa5: {  	s25 =	simm.s32 $0x1B8E;
	s24 =	sld [smem:$0x3FFE];
	[sflag:s23] =	ssyncadd.s32 $0xFFFFFFFF  }
0xa6: {  	s26 =	simm.s32 $execute0_lowered;
	[smem:$0x3FD2] =	sst s25  }
0xa7: {  	s6 =	sshll.u32 s26, $0x1;
	_ =	strace $0x8000004C;
	[dreg:$0x1] =	wrdreg $0xFFFFFFFF  }
0xa8: {  	s28 =	simm.s32 $_size_execute0_lowered;
	s4 =	sadd.s32 s4, s6;
	[dreg:$0x0] =	wrdreg $0x0  }
0xa9: {  	s6 =	sshll.u32 s28, $0x1;
	[dreg:$0x2] =	wrdreg s4  }
0xaa: {  	[dreg:$0x3] =	wrdreg s6  }
0xab: {  	[dreg:$0x4] =	wrdreg $0xC0  }
0xac: {  	_ =	task [dreg:s8], $0x5FFFF  }
0xad: {  	[dreg:$0x1] =	wrdreg $0xFFFFFFFF  }
0xae: {  	[dreg:$0x0] =	wrdreg $0x60  }
0xaf: {  	[dreg:$0x2] =	wrdreg s24  }
0xb0: {  	[dreg:$0x3] =	wrdreg s2  }
0xb1: {  	[dreg:$0x4] =	wrdreg s18  }
0xb2: {  	[dreg:$0x5] =	wrdreg $0x0  }
0xb3: {  	[dreg:$0x6] =	wrdreg $0x9  }
0xb4: {  	_ =	task.clear_ibuf [dreg:s8], $0x7FFFF;
	_ =	strace $0x9000004C  }
0xb5: {  	s29 =	simm.s32 $0x9;
	_ =	strace $0x8000004E  }
0xb6: {  	_ =	swait.ge [sflag:s29], $0x1  }
0xb7: {  	[sflag:s29] =	ssyncadd.s32 $0xFFFFFFFF  }
0xb8: {  	_ =	strace $0x9000004E  }
0xb9: {  	_ =	sfence  }
0xba: {  	s30 =	sld [smem:$0x0];
	_ =	sdelay $0x2  }
0xbb: {  	s31 =	sshll.u32 s1, $0xD;
	s1 =	sshrl.u32 s1, $0x2  }
0xbc: {  	s3 =	sand.u32 $0x4000, s31;
	s1 =	sadd.s32 s1, s30  }
0xbd: {  	s0 =	sor.u32 s3, s0;
	s1 =	sshll.u32 s1, $0x11  }
0xbe: {  	s0 =	sor.u32 s1, s0  }
0xbf: {  	s0 =	sadd.s32 $0x8F2B, s0  }
0xc0: {  	[sflag:s0] =	ssyncadd.remote.s32 $0x1  }
0xc1: {  	_ =	sfence.sel $0xFFFF  }
0xc2: {  	[dreg:$0x0] =	wrdreg $0xFFFFFFFF;
	(pc) =	sbr.abs _section_cstart, $3  }
0xc3: {  	[dreg:$0x1] =	wrdreg $0xFFFFFFFF  }
0xc4: {  	_ =	task.clear_ibuf [dreg:s8], $0x2FFFF;
	_ =	strace $0x9FFFFFFF  }
0xc5: {  	(tm) =	ssettm $0x7FFFFFFF  }
tec
execute0_lowered:
.L_overlay_start_1:
0x0: {  	(tag) =	ssettag $0x1  }
0x1: {  	s0 =	rddreg [dreg:$0x0]  }
0x2: {  	s1 =	rddreg [dreg:$0x1]  }
0x3: {  	s3 =	rddreg [dreg:$0x2]  }
0x4: {  	s2 =	rddreg [dreg:$0x3];
	s4 =	srdreg.scid  }
0x5: {  	s5 =	simm.s32 $0x0;
	s15 =	stileid.u32;
	s14 =	simm.s32 $0x5  }
0x6: {  	s16 =	simm.s32 $0x9C40;
	s17 =	simm.s32 $0x80;
	s18 =	simm.s32 $0xEB40  }
0x7: {  	s20 =	simm.s32 $0x10B40;
	s28 =	simm.s32 $0x3;
	s29 =	simm.s32 $0x4  }
0x8: {  	s19 =	simm.s32 $0xE8C0;
	s21 =	simm.s32 $0xE9C0;
	s30 =	simm.s32 $0x0  }
0x9: {  	s8 =	sand.u32 $0x1, s4;
	[smem:$0x7FF] =	sst s5;
	s6 =	smul.u32 $0x9C00, s15  }
0xa: {  	s4 =	sadd.s32 $0x2A00, s0;
	s0 =	sadd.s32 $0x16400, s0;
	s10 =	smul.u32 $0x4E, s15  }
0xb: {  	s24 =	sshll.u32 s15, $0x6;
	s25 =	smul.u32 $0x13800, s15;
	s26 =	smin.u32 s15, $0x2  }
0xc: {  	p0 =	sne.s32 s15, $0xF;
	p1 =	sgt.u32 s15, $0x1;
	s15 =	simm.s32 $0x8  }
0xd: {  	s22 =	ssub.s32 $0x2, s8;
	_ =	strace $0x8000004D;
	s9 =	smul.u32 $0x4E2, s8  }
0xe: {  	s11 =	sshll.u32 s8, $0x6;
	s8 =	sshll.u32 s8, $0x3;
	s7 =	sshrl.u32 s22, $0x1  }
0xf: {  	s13 =	sadd.s32 s6, s2;
	s23 =	sshrl.u32 s6, $0x3;
	s6 =	sor.u32 $0x1C05, s24  }
0x10: {  	s8 =	sadd.s32 s8, s0;
	s24 =	simm.s32 $0x14B40;
	s12 =	ssub.s32 s22, s7  }
0x11: {  	s5 =	sadd.s32 s3, s23;
	s7 =	sadd.s32 $0x9C000, s2;
	s3 =	sadd.s32 $0x13800, s3  }
0x12: {  	s9 =	sadd.s32 s10, s9;
	s13 =	sshrl.u32 s13, $0x3;
	s22 =	simm.s32 $0x12B40  }
0x13: {  	s23 =	simm.s32 $0x10;
	[dreg:$0x5] =	wrdreg s3;
	s9 =	sadd.s32 s26, s9  }
0x14: {  	s3 =	sor.u32 s11, s25;
	s11 =	sadd.s32 $0x27000, s8;
	s12 =	smax.u32 s12, $0x1  }
0x15: {  	s31 =	sshrl.u32 s7, $0x3;
	s25 =	simm.s32 $0x1;
	s26 =	simm.s32 $0x2  }
0x16: {  	s8 =	simm.s32 $0xE7C0;
	s9 =	sshll.u32 s9, $0x5;
	s3 =	sshrl.u32 s3, $0x3  }
0x17: {  	[dreg:$0x6] =	wrdreg s31;
	s9 =	sadd.s32 s1, s9;
	s10 =	sadd.s32 s0, s3  }
.LBB2_1:
.Ltmp0:
0x18: {  	(pc) =	sbr.rel @p0 .LBB2_4-.Ltmp0, $4  }
0x19: {  	[spmem:s13], [sflag:s6] =	dma.local [hbm:s5], $0x1380  }
0x1a: {  	_ =	swait.ge [sflag:s14], $0x1380  }
0x1b: {  	[sflag:s14] =	ssyncset.done $0x0  }
0x1c: {  	[sflag:s14] =	ssyncadd.s32 $0xFFFFEC80  }
0x1d: {  	s0 =	rddreg [dreg:$0x5]  }
0x1e: {  	s1 =	rddreg [dreg:$0x6]  }
0x1f: {  	[spmem:s1], [sflag:s6] =	dma.local [hbm:s0], $0x80  }
.Ltmp1:
0x20: {  	_ =	swait.ge [sflag:s14], $0x80;
	(pc) =	sbr.rel .LBB2_3-.Ltmp1, $3  }
0x21: {  	[sflag:s14] =	ssyncset.done $0x0  }
0x22: {  	[sflag:s14] =	ssyncadd.s32 $0xFFFFFF80  }
0x23: {  	[bflag:$0x0] =	sbarrier.arrive $0xFFFF;
	_ =	sdelay $0x1  }
.LBB2_4:
.Ltmp2:
0x24: {  	(pc) =	sbr.rel @p1 .LBB2_3-.Ltmp2, $2  }
0x25: {  	_ =	sdelay $0x1  }
0x26: {  	[bflag:$0x0] =	sbarrier.arrive $0xFFFF;
	_ =	sdelay $0x1  }
.Ltmp3:
0x27: {  	s0 =	simm.s32 $0x0;
	(pc) =	sbr.rel .LBB2_6-.Ltmp3, $4  }
0x28: {  	[tilespmem:s16], [sflag:$0x5] =	stream.linear.gather [hbm4b:s9+s0], $0x4F00, $0x38;
	[tilespmem:$0x16B40] =	vst v63  }
0x29: {  	_ =	swait.ge [sflag:s14], $0x4F00  }
0x2a: {  	[sflag:s14] =	ssyncset.done $0x0  }
0x2b: {  	[sflag:s14] =	ssyncadd.s32 $0xFFFFB100  }
.LBB2_3:
0x2c: {  	s0 =	simm.s32 $0x0  }
0x2d: {  	[tilespmem:s16], [sflag:$0x5] =	stream.linear.gather [hbm4b:s9+s0], $0x4E00, $0x38;
	[tilespmem:$0x16B40] =	vst v63  }
0x2e: {  	_ =	swait.ge [sflag:s14], $0x4E00  }
0x2f: {  	[sflag:s14] =	ssyncset.done $0x0  }
0x30: {  	[sflag:s14] =	ssyncadd.s32 $0xFFFFB200  }
.LBB2_6:
0x31: {  	[tilespmem:s18], [sflag:$0x1] =	stream.indirect.gather [hbm4b:s4+s17], $0x40, s16, s17, $0xb8;
	[tilespmem:$0x16B40] =	vst v63  }
0x32: {  	s0 =	simm.s32 $0x9D40  }
0x33: {  	[tilespmem:s20], [sflag:$0x2] =	stream.indirect.gather [hbm4b:s4+s17], $0x40, s0, s17, $0xb8;
	[tilespmem:$0x16B40] =	vst v63  }
0x34: {  	s3 =	simm.s32 $0x9E40  }
0x35: {  	[tilespmem:s22], [sflag:$0x3] =	stream.indirect.gather [hbm4b:s4+s17], $0x40, s3, s17, $0xb8;
	[tilespmem:$0x16B40] =	vst v63  }
0x36: {  	s1 =	simm.s32 $0x9F40  }
0x37: {  	[tilespmem:s24], [sflag:$0x4] =	stream.indirect.gather [hbm4b:s4+s17], $0x40, s1, s17, $0xb8;
	[tilespmem:$0x16B40] =	vst v63  }
0x38: {  	_ =	swait.ge [sflag:s25], $0x2000  }
0x39: {  	[sflag:s25] =	ssyncset.done $0x0  }
0x3a: {  	s3 =	simm.s32 $0x9CC0;
	[sflag:s25] =	ssyncadd.s32 $0xFFFFE000  }
0x3b: {  	[spmem:s2] =	stream.indirect.scatter.add.f32 [tilespmem:s18], [sflag:$0x5], $0x40, s3, s17, $0xb8;
	[tilespmem:$0x16B40] =	vst v63  }
0x3c: {  	_ =	swait.ge [sflag:s14], $0x2000  }
0x3d: {  	[sflag:s14] =	ssyncset.done $0x0  }
0x3e: {  	s1 =	simm.s32 $0xA040;
	[sflag:s14] =	ssyncadd.s32 $0xFFFFE000  }
0x3f: {  	[tilespmem:s18], [sflag:$0x1] =	stream.indirect.gather [hbm4b:s4+s17], $0x40, s1, s17, $0xb8;
	[tilespmem:$0x16B40] =	vst v63  }
0x40: {  	_ =	swait.ge [sflag:s26], $0x2000  }
0x41: {  	[sflag:s26] =	ssyncset.done $0x0  }
0x42: {  	s3 =	simm.s32 $0x9DC0;
	[sflag:s26] =	ssyncadd.s32 $0xFFFFE000  }
0x43: {  	[spmem:s2] =	stream.indirect.scatter.add.f32 [tilespmem:s20], [sflag:$0x5], $0x40, s3, s17, $0xb8;
	[tilespmem:$0x16B40] =	vst v63  }
0x44: {  	_ =	swait.ge [sflag:s14], $0x2000  }
0x45: {  	[sflag:s14] =	ssyncset.done $0x0  }
0x46: {  	s1 =	simm.s32 $0xA140;
	[sflag:s14] =	ssyncadd.s32 $0xFFFFE000  }
0x47: {  	[tilespmem:s20], [sflag:$0x2] =	stream.indirect.gather [hbm4b:s4+s17], $0x40, s1, s17, $0xb8;
	[tilespmem:$0x16B40] =	vst v63  }
0x48: {  	_ =	swait.ge [sflag:s28], $0x2000  }
0x49: {  	[sflag:s28] =	ssyncset.done $0x0  }
0x4a: {  	s3 =	simm.s32 $0x9EC0;
	[sflag:s28] =	ssyncadd.s32 $0xFFFFE000  }
0x4b: {  	[spmem:s2] =	stream.indirect.scatter.add.f32 [tilespmem:s22], [sflag:$0x5], $0x40, s3, s17, $0xb8;
	[tilespmem:$0x16B40] =	vst v63  }
0x4c: {  	_ =	swait.ge [sflag:s14], $0x2000  }
0x4d: {  	[sflag:s14] =	ssyncset.done $0x0  }
0x4e: {  	s1 =	simm.s32 $0xA240;
	[sflag:s14] =	ssyncadd.s32 $0xFFFFE000  }
0x4f: {  	[tilespmem:s22], [sflag:$0x3] =	stream.indirect.gather [hbm4b:s4+s17], $0x40, s1, s17, $0xb8;
	[tilespmem:$0x16B40] =	vst v63  }
0x50: {  	_ =	swait.ge [sflag:s29], $0x2000  }
0x51: {  	[sflag:s29] =	ssyncset.done $0x0  }
0x52: {  	s3 =	simm.s32 $0x9FC0;
	[sflag:s29] =	ssyncadd.s32 $0xFFFFE000  }
0x53: {  	[spmem:s2] =	stream.indirect.scatter.add.f32 [tilespmem:s24], [sflag:$0x5], $0x40, s3, s17, $0xb8;
	[tilespmem:$0x16B40] =	vst v63  }
0x54: {  	_ =	swait.ge [sflag:s14], $0x2000  }
0x55: {  	[sflag:s14] =	ssyncset.done $0x0  }
0x56: {  	s31 =	simm.s32 $0x1000;
	s0 =	simm.s32 $0xA340;
	[sflag:s14] =	ssyncadd.s32 $0xFFFFE000  }
.LBB2_7:
0x57: {  	[tilespmem:s24], [sflag:$0x4] =	stream.indirect.gather [hbm4b:s4+s17], $0x40, s0, s17, $0xb8;
	[tilespmem:$0x16B40] =	vst v63  }
0x58: {  	s0 =	smov.u32 s31  }
0x59: {  	p2 =	sne.s32 s31, $0x11000;
	s31 =	sadd.s32 $0x1000, s31;
	_ =	swait.ge [sflag:s25], $0x2000  }
0x5a: {  	s0 =	sshra.s32 s0, $0x2;
	[sflag:s25] =	ssyncset.done $0x0  }
0x5b: {  	s1 =	sadd.s32 $0x9CC0, s0;
	[sflag:s25] =	ssyncadd.s32 $0xFFFFE000  }
0x5c: {  	[spmem:s2] =	stream.indirect.scatter.add.f32 [tilespmem:s18], [sflag:$0x5], $0x40, s1, s17, $0xb8;
	[tilespmem:$0x16B40] =	vst v63  }
0x5d: {  	_ =	swait.ge [sflag:s14], $0x2000  }
0x5e: {  	[sflag:s14] =	ssyncset.done $0x0  }
0x5f: {  	s1 =	sadd.s32 $0xA040, s0;
	[sflag:s14] =	ssyncadd.s32 $0xFFFFE000  }
0x60: {  	[tilespmem:s18], [sflag:$0x1] =	stream.indirect.gather [hbm4b:s4+s17], $0x40, s1, s17, $0xb8;
	[tilespmem:$0x16B40] =	vst v63  }
0x61: {  	_ =	swait.ge [sflag:s26], $0x2000  }
0x62: {  	[sflag:s26] =	ssyncset.done $0x0  }
0x63: {  	s1 =	sadd.s32 $0x9DC0, s0;
	[sflag:s26] =	ssyncadd.s32 $0xFFFFE000  }
0x64: {  	[spmem:s2] =	stream.indirect.scatter.add.f32 [tilespmem:s20], [sflag:$0x5], $0x40, s1, s17, $0xb8;
	[tilespmem:$0x16B40] =	vst v63  }
0x65: {  	_ =	swait.ge [sflag:s14], $0x2000  }
0x66: {  	[sflag:s14] =	ssyncset.done $0x0  }
0x67: {  	s1 =	sadd.s32 $0xA140, s0;
	[sflag:s14] =	ssyncadd.s32 $0xFFFFE000  }
0x68: {  	[tilespmem:s20], [sflag:$0x2] =	stream.indirect.gather [hbm4b:s4+s17], $0x40, s1, s17, $0xb8;
	[tilespmem:$0x16B40] =	vst v63  }
0x69: {  	_ =	swait.ge [sflag:s28], $0x2000  }
0x6a: {  	[sflag:s28] =	ssyncset.done $0x0  }
0x6b: {  	s1 =	sadd.s32 $0x9EC0, s0;
	[sflag:s28] =	ssyncadd.s32 $0xFFFFE000  }
0x6c: {  	[spmem:s2] =	stream.indirect.scatter.add.f32 [tilespmem:s22], [sflag:$0x5], $0x40, s1, s17, $0xb8;
	[tilespmem:$0x16B40] =	vst v63  }
0x6d: {  	_ =	swait.ge [sflag:s14], $0x2000  }
0x6e: {  	[sflag:s14] =	ssyncset.done $0x0  }
0x6f: {  	s1 =	sadd.s32 $0xA240, s0;
	[sflag:s14] =	ssyncadd.s32 $0xFFFFE000  }
0x70: {  	[tilespmem:s22], [sflag:$0x3] =	stream.indirect.gather [hbm4b:s4+s17], $0x40, s1, s17, $0xb8;
	[tilespmem:$0x16B40] =	vst v63  }
0x71: {  	_ =	swait.ge [sflag:s29], $0x2000  }
0x72: {  	[sflag:s29] =	ssyncset.done $0x0  }
.Ltmp4:
0x73: {  	s1 =	sadd.s32 $0x9FC0, s0;
	[sflag:s29] =	ssyncadd.s32 $0xFFFFE000;
	(pc) =	sbr.rel @p2 .LBB2_7-.Ltmp4, $4  }
0x74: {  	[spmem:s2] =	stream.indirect.scatter.add.f32 [tilespmem:s24], [sflag:$0x5], $0x40, s1, s17, $0xb8;
	[tilespmem:$0x16B40] =	vst v63  }
0x75: {  	_ =	swait.ge [sflag:s14], $0x2000  }
0x76: {  	[sflag:s14] =	ssyncset.done $0x0  }
0x77: {  	s0 =	sadd.s32 $0xA340, s0;
	[sflag:s14] =	ssyncadd.s32 $0xFFFFE000  }
0x78: {  	[tilespmem:s24], [sflag:$0x4] =	stream.indirect.gather [hbm4b:s4+s17], $0x40, s0, s17, $0xb8;
	[tilespmem:$0x16B40] =	vst v63  }
0x79: {  	_ =	swait.ge [sflag:s25], $0x2000  }
0x7a: {  	[sflag:s25] =	ssyncset.done $0x0  }
0x7b: {  	s3 =	simm.s32 $0xE4C0;
	[sflag:s25] =	ssyncadd.s32 $0xFFFFE000  }
0x7c: {  	[spmem:s2] =	stream.indirect.scatter.add.f32 [tilespmem:s18], [sflag:$0x5], $0x40, s3, s17, $0xb8;
	[tilespmem:$0x16B40] =	vst v63  }
0x7d: {  	_ =	swait.ge [sflag:s14], $0x2000  }
0x7e: {  	[sflag:s14] =	ssyncset.done $0x0  }
0x7f: {  	s31 =	simm.s32 $0xE840;
	[sflag:s14] =	ssyncadd.s32 $0xFFFFE000  }
0x80: {  	[tilespmem:s18], [sflag:$0x1] =	stream.indirect.gather [hbm4b:s4+s17], $0x40, s31, s17, $0xb8;
	[tilespmem:$0x16B40] =	vst v63  }
0x81: {  	_ =	swait.ge [sflag:s26], $0x2000  }
0x82: {  	[sflag:s26] =	ssyncset.done $0x0  }
0x83: {  	s1 =	simm.s32 $0xE5C0;
	[sflag:s26] =	ssyncadd.s32 $0xFFFFE000  }
0x84: {  	[spmem:s2] =	stream.indirect.scatter.add.f32 [tilespmem:s20], [sflag:$0x5], $0x40, s1, s17, $0xb8;
	[tilespmem:$0x16B40] =	vst v63  }
0x85: {  	_ =	swait.ge [sflag:s14], $0x2000  }
0x86: {  	[sflag:s14] =	ssyncset.done $0x0  }
0x87: {  	s3 =	simm.s32 $0xE940;
	[sflag:s14] =	ssyncadd.s32 $0xFFFFE000  }
0x88: {  	[tilespmem:s20], [sflag:$0x2] =	stream.indirect.gather [hbm4b:s4+s17], $0x40, s3, s17, $0xb8;
	[tilespmem:$0x16B40] =	vst v63  }
0x89: {  	_ =	swait.ge [sflag:s28], $0x2000  }
0x8a: {  	[sflag:s28] =	ssyncset.done $0x0  }
0x8b: {  	s31 =	simm.s32 $0xE6C0;
	[sflag:s28] =	ssyncadd.s32 $0xFFFFE000  }
0x8c: {  	[spmem:s2] =	stream.indirect.scatter.add.f32 [tilespmem:s22], [sflag:$0x5], $0x40, s31, s17, $0xb8;
	[tilespmem:$0x16B40] =	vst v63  }
0x8d: {  	_ =	swait.ge [sflag:s14], $0x2000  }
0x8e: {  	s0 =	simm.s32 @!p1 $0x80;
	[sflag:s14] =	ssyncset.done $0x0  }
0x8f: {  	s1 =	simm.s32 @!p1 $0xEA40;
	s31 =	simm.s32 @!p1 $0x12B40;
	[sflag:s14] =	ssyncadd.s32 $0xFFFFE000  }
0x90: {  	[tilespmem:s31], [sflag:$0x3] =	stream.indirect.gather @!p1 [hbm4b:s4+s0], $0x40, s1, s0, $0xb8;
	[tilespmem:$0x16B40] =	vst v63  }
0x91: {  	_ =	swait.ge [sflag:s29], $0x2000  }
0x92: {  	[sflag:s29] =	ssyncset.done $0x0  }
0x93: {  	[sflag:s29] =	ssyncadd.s32 $0xFFFFE000  }
0x94: {  	[spmem:s2] =	stream.indirect.scatter.add.f32 [tilespmem:s24], [sflag:$0x5], $0x40, s8, s17, $0xb8;
	[tilespmem:$0x16B40] =	vst v63  }
0x95: {  	_ =	swait.ge [sflag:s14], $0x2000  }
0x96: {  	[sflag:s14] =	ssyncset.done $0x0  }
0x97: {  	[sflag:s14] =	ssyncadd.s32 $0xFFFFE000  }
0x98: {  	_ =	swait.ge [sflag:s25], $0x2000  }
0x99: {  	[sflag:s25] =	ssyncset.done $0x0  }
0x9a: {  	[sflag:s25] =	ssyncadd.s32 $0xFFFFE000  }
0x9b: {  	[spmem:s2] =	stream.indirect.scatter.add.f32 [tilespmem:s18], [sflag:$0x5], $0x40, s19, s17, $0xb8;
	[tilespmem:$0x16B40] =	vst v63  }
0x9c: {  	_ =	swait.ge [sflag:s14], $0x2000  }
0x9d: {  	[sflag:s14] =	ssyncset.done $0x0  }
0x9e: {  	[sflag:s14] =	ssyncadd.s32 $0xFFFFE000  }
0x9f: {  	_ =	swait.ge [sflag:s26], $0x2000  }
0xa0: {  	[sflag:s26] =	ssyncset.done $0x0  }
0xa1: {  	[sflag:s26] =	ssyncadd.s32 $0xFFFFE000  }
0xa2: {  	[spmem:s2] =	stream.indirect.scatter.add.f32 [tilespmem:s20], [sflag:$0x5], $0x40, s21, s17, $0xb8;
	[tilespmem:$0x16B40] =	vst v63  }
0xa3: {  	_ =	swait.ge [sflag:s14], $0x2000  }
0xa4: {  	[sflag:s14] =	ssyncset.done $0x0  }
0xa5: {  	s1 =	simm.s32 @!p1 $0x3;
	[sflag:s14] =	ssyncadd.s32 $0xFFFFE000  }
0xa6: {  	_ =	swait.ge @!p1 [sflag:s1], $0x2000  }
0xa7: {  	[sflag:s1] =	ssyncset.done @!p1 $0x0  }
0xa8: {  	[sflag:s1] =	ssyncadd.s32 @!p1 $0xFFFFE000;
	s1 =	simm.s32 @!p1 $0xEAC0  }
0xa9: {  	[spmem:s2] =	stream.indirect.scatter.add.f32 @!p1 [tilespmem:s31], [sflag:$0x5], $0x40, s1, s0, $0xb8;
	[tilespmem:$0x16B40] =	vst v63  }
0xaa: {  	s0 =	simm.s32 @!p1 $0x5  }
0xab: {  	_ =	swait.ge @!p1 [sflag:s0], $0x2000  }
0xac: {  	[sflag:s0] =	ssyncset.done @!p1 $0x0  }
0xad: {  	[sflag:s0] =	ssyncadd.s32 @!p1 $0xFFFFE000  }
0xae: {  	s30 =	sadd.s32 $0x1, s30;
	[bflag:$0x0] =	sbarrier.arrive $0xFFFF  }
0xaf: {  	[hbm:s10@s23], [sflag:s6] =	dma.strided [spmem:s13@s15], $0x1380, s25, $0x8   }
0xb0: {  	p2 =	sne.s32 s30, s12;
	_ =	swait.ge [sflag:s14], $0x1380  }
0xb1: {  	s3 =	simm.s32 @!p0 $0x8;
	s1 =	simm.s32 @!p0 $0x1;
	[sflag:s14] =	ssyncset.done $0x0  }
0xb2: {  	s31 =	simm.s32 @!p0 $0x10;
	s0 =	sshrl.u32 @!p0 s7, $0x3;
	[sflag:s14] =	ssyncadd.s32 $0xFFFFEC80  }
0xb3: {  	[hbm:s11@s31], [sflag:s6] =	dma.strided @!p0 [spmem:s0@s3], $0x80, s1, $0x8   }
.Ltmp5:
0xb4: {  	_ = 	snop;
	(pc) =	sbr.rel @p2 .LBB2_1-.Ltmp5, $4  }
0xb5: {  	s0 =	simm.s32 @!p0 $0x5  }
0xb6: {  	_ =	swait.ge @!p0 [sflag:s0], $0x80  }
0xb7: {  	[sflag:s0] =	ssyncset.done @!p0 $0x0  }
0xb8: {  	[sflag:s0] =	ssyncadd.s32 @!p0 $0xFFFFFF80  }
0xb9: {  	_ =	sfence.sel $0x180000  }
0xba: {  	[bflag:$0x0] =	sbarrier.arrive $0xFFFF  }
0xbb: {  	_ =	strace $0x9000004D  }
0xbc: {  	s0 =	stileid.u32;
	[bflag:$0x2] =	sbarrier.arrive $0xFFFF  }
0xbd: {  	p0 =	sne.s32 s0, $0x0;
	s0 =	rddreg [dreg:$0x4]  }
0xbe: {  	s0 =	sadd.s32 @!p0 $0x100000, s0  }
0xbf: {  	[sflag:s0] =	ssyncadd.tile.s32 @!p0 $0x1;
	_ =	shalt  }
.Lfunc_end2:
_tile_overlayer_lowered:
.L_overlay_start_2:
0xc0: {  	(tag) =	ssettag $0x2  }
0xc1: {  	s0 =	rddreg [dreg:$0x0];
	s2 =	stileid.u32  }
0xc2: {  	s1 =	rddreg [dreg:$0x1];
	p0 =	sne.s32 s2, $0x0  }
0xc3: {  	s3 =	rddreg [dreg:$0x2];
	[bflag:$0x3] =	sbarrier.arrive $0xFFFF;
	s2 =	simm.s32 @!p0 $0x1C05  }
0xc4: {  	[timem:s3], [sflag:s2] =	dma.local @!p0 [hbm:s0], s1  }
0xc5: {  	s0 =	simm.s32 @!p0 $0x5  }
0xc6: {  	_ =	swait.ge @!p0 [sflag:s0], s1  }
0xc7: {  	s1 =	ssub.s32 @!p0 $0x0, s1;
	[sflag:s0] =	ssyncset.done @!p0 $0x0  }
0xc8: {  	[sflag:s0] =	ssyncadd.s32 @!p0 s1  }
0xc9: {  	[bflag:$0x3] =	sbarrier.arrive $0xFFFF  }
0xca: {  	_ =	shalt  }

// kernel: kernel.8.cloned.1.call-start
scs
__scs_entry_jumppad:
0x0: {  	(pc) =	sbr.rel $0x88, $3  }
0x1: {  	(tag) =	ssettag $0x0;
	lr =	simm.s32 $0x1  }
0x2: {  	[smem:$0x3F99] =	sst lr;
	_ =	strace $0xD0000000  }
0x3: {  	_ = 	snop  }
0x4: {  	_ = 	snop  }
0x5: {  	_ = 	snop  }
0x6: {  	_ = 	snop  }
0x7: {  	_ = 	snop  }
__scs_overlays_trampoline_lowered:
0x8: {  	[smem:$0x3FA8] =	sst s0  }
0x9: {  	[smem:$0x3FA9] =	sst s1  }
0xa: {  	[smem:$0x3FAA] =	sst s2  }
0xb: {  	[smem:$0x3FAB] =	sst s3  }
0xc: {  	[smem:$0x3FAC] =	sst s4  }
0xd: {  	[smem:$0x3FAD] =	sst s5  }
0xe: {  	[smem:$0x3FAE] =	sst s6  }
0xf: {  	[smem:$0x3FAF] =	sst s7  }
0x10: {  	[smem:$0x3FB0] =	sst s8  }
0x11: {  	[smem:$0x3FB1] =	sst s9;
	s0 =	simm.s32 @!p0 $0x0  }
0x12: {  	s1 =	sld [smem:$0x3F97];
	s0 =	simm.s32 @p0 $0x1  }
0x13: {  	[smem:$0x3FB2] =	sst s0;
	s0 =	simm.s32 @!p1 $0x0  }
0x14: {  	s2 =	sld [smem:$0x3F96];
	s0 =	simm.s32 @p1 $0x1  }
0x15: {  	[smem:$0x3FB3] =	sst s0;
	s0 =	simm.s32 @!p2 $0x0  }
0x16: {  	s3 =	sld [smem:$0x3FDB];
	s0 =	simm.s32 @p2 $0x1  }
0x17: {  	s4 =	simm.s32 $0x1BF5;
	[smem:$0x3FB5] =	sst s0  }
0x18: {  	s0 =	sld [smem:$0x3F98];
	_ =	swait.ge [sflag:s4], $0x0  }
0x19: {  	s7 =	sld [smem:$0x3F99]  }
0x1a: {  	s8 =	sadd.s32 $0xFFFFE003, lr  }
0x1b: {  	s9 =	sadd.s32 $0xFFFFFEF7, lr;
	s5 =	simm.s32 $0xFFFFFFFF;
	p2 =	slt.u32 s8, $0xFFFFF086  }
0x1c: {  	p1 =	slt.u32 s9, $0xF7A;
	s5 =	simm.s32 @!p2 $0x0  }
0x1d: {  	s5 =	simm.s32 @p1 $0x1;
	p0 =	seq.s32 s7, s2  }
0x1e: {  	s7 =	smul.u32 @!p0 $0xF7A, s2;
	p2 =	seq.s32 @!p0 s5, $0x0  }
0x1f: {  	s9 =	smul.u32 $0xF7A, s1;
	s8 =	simm.s32 @!p0 $0x1BF5;
	p2 =	por !p2, p0  }
0x20: {  	[sflag:s8] =	ssyncset.s32 @!p0 $0xFFFFF086;
	s6 =	sadd.s32 @!p0 s3, s7;
	s7 =	simm.s32 @!p0 $0x108  }
0x21: {  	s3 =	sadd.s32 s3, s9;
	s6 =	sadd.s32 @!p0 $0x88, s6;
	s7 =	simm.s32 @p2 $0x1082  }
0x22: {  	[simem:s7], [sflag:s8] =	dma.local @!p0 [hbm:s6], $0xF7A  }
0x23: {  	s9 =	sor.u32 $0xD0000000, s2;
	s6 =	simm.s32 $0x108;
	_ =	swait.ge @!p0 [sflag:s8], $0x0  }
0x24: {  	s3 =	sadd.s32 $0x88, s3;
	s6 =	simm.s32 @!p1 $0x1082;
	[sflag:s4] =	ssyncset.s32 $0xFFFFF086  }
0x25: {  	[simem:s6], [sflag:s4] =	dma.local [hbm:s3], $0xF7A  }
0x26: {  	[smem:$0x3F99] =	sst s1;
	(tag) =	ssettag s2;
	_ =	strace s9  }
0x27: {  	s1 =	sld [smem:$0x3FA9]  }
0x28: {  	s2 =	sld [smem:$0x3FAA]  }
0x29: {  	s4 =	sld [smem:$0x3FAC]  }
0x2a: {  	p0 =	seq.s32 s5, $0x0;
	s5 =	sld [smem:$0x3FAD]  }
0x2b: {  	s6 =	sld [smem:$0x3FAE]  }
0x2c: {  	s7 =	sld [smem:$0x3FAF]  }
0x2d: {  	s3 =	simm.s32 $0x108;
	s8 =	sld [smem:$0x3FB0]  }
0x2e: {  	s3 =	simm.s32 @!p0 $0x1082;
	s9 =	sld [smem:$0x3FB1]  }
0x2f: {  	lr =	sadd.s32 s0, s3;
	s0 =	sld [smem:$0x3FA8]  }
0x30: {  	s3 =	sld [smem:$0x3FAB]  }
0x31: {  	[smem:$0x3FB4] =	sst s10  }
0x32: {  	s10 =	sld [smem:$0x3FB2];
	_ =	sdelay $0x3  }
0x33: {  	p0 =	seq.s32 s10, $0x1;
	s10 =	sld [smem:$0x3FB4];
	_ =	sdelay $0x3  }
0x34: {  	[smem:$0x3FB4] =	sst s10  }
0x35: {  	s10 =	sld [smem:$0x3FB3];
	_ =	sdelay $0x3  }
0x36: {  	p1 =	seq.s32 s10, $0x1;
	s10 =	sld [smem:$0x3FB4];
	_ =	sdelay $0x3  }
0x37: {  	[smem:$0x3FB4] =	sst s10  }
0x38: {  	s10 =	sld [smem:$0x3FB5]  }
0x39: {  	_ = 	snop;
	(pc) =	sbr.ind lr, $3  }
0x3a: {  	_ = 	snop  }
0x3b: {  	_ = 	snop  }
0x3c: {  	p2 =	seq.s32 s10, $0x1;
	s10 =	sld [smem:$0x3FB4]  }
0x3d: {  	_ =	shalt  }
0x3e: {  	_ =	shalt  }
0x3f: {  	_ =	shalt  }
0x40: {  	_ =	shalt  }
0x41: {  	_ =	shalt  }
0x42: {  	_ =	shalt  }
0x43: {  	_ =	shalt  }
0x44: {  	_ =	shalt  }
0x45: {  	_ =	shalt  }
0x46: {  	_ =	shalt  }
0x47: {  	_ =	shalt  }
0x48: {  	_ =	shalt  }
0x49: {  	_ =	shalt  }
0x4a: {  	_ =	shalt  }
0x4b: {  	_ =	shalt  }
0x4c: {  	_ =	shalt  }
0x4d: {  	_ =	shalt  }
0x4e: {  	_ =	shalt  }
0x4f: {  	_ =	shalt  }
0x50: {  	_ =	shalt  }
0x51: {  	_ =	shalt  }
0x52: {  	_ =	shalt  }
0x53: {  	_ =	shalt  }
0x54: {  	_ =	shalt  }
0x55: {  	_ =	shalt  }
0x56: {  	_ =	shalt  }
0x57: {  	_ =	shalt  }
0x58: {  	_ =	shalt  }
0x59: {  	_ =	shalt  }
0x5a: {  	_ =	shalt  }
0x5b: {  	_ =	shalt  }
0x5c: {  	_ =	shalt  }
0x5d: {  	_ =	shalt  }
0x5e: {  	_ =	shalt  }
0x5f: {  	_ =	shalt  }
0x60: {  	_ =	shalt  }
0x61: {  	_ =	shalt  }
0x62: {  	_ =	shalt  }
0x63: {  	_ =	shalt  }
0x64: {  	_ =	shalt  }
0x65: {  	_ =	shalt  }
0x66: {  	_ =	shalt  }
0x67: {  	_ =	shalt  }
0x68: {  	_ =	shalt  }
0x69: {  	_ =	shalt  }
0x6a: {  	_ =	shalt  }
0x6b: {  	_ =	shalt  }
0x6c: {  	_ =	shalt  }
0x6d: {  	_ =	shalt  }
0x6e: {  	_ =	shalt  }
0x6f: {  	_ =	shalt  }
0x70: {  	_ =	shalt  }
0x71: {  	_ =	shalt  }
0x72: {  	_ =	shalt  }
0x73: {  	_ =	shalt  }
0x74: {  	_ =	shalt  }
0x75: {  	_ =	shalt  }
0x76: {  	_ =	shalt  }
0x77: {  	_ =	shalt  }
0x78: {  	_ =	shalt  }
0x79: {  	_ =	shalt  }
0x7a: {  	_ =	shalt  }
0x7b: {  	_ =	shalt  }
0x7c: {  	_ =	shalt  }
0x7d: {  	_ =	shalt  }
0x7e: {  	_ =	shalt  }
0x7f: {  	_ =	shalt  }
0x80: {  	_ =	shalt  }
0x81: {  	_ =	shalt  }
0x82: {  	_ =	shalt  }
0x83: {  	_ =	shalt  }
0x84: {  	_ =	shalt  }
0x85: {  	_ =	shalt  }
0x86: {  	_ =	shalt  }
0x87: {  	_ =	shalt  }
.Lfunc_end0:
.L_simem_size_0:
called_computation_lowered:
.L_overlay_start_0:
0x88: {  	s2 =	sld [smem:$0x3FD9]  }
0x89: {  	s3 =	sld [smem:$0x3FFE];
	_ =	sdelay $0x1  }
0x8a: {  	s1 =	srdreg.scid  }
0x8b: {  	s0 =	sand.u32 $0x1, s1  }
0x8c: {  	s18 =	sshll.u32 s0, $0xA;
	s2 =	sadd.s32 s3, s2  }
0x8d: {  	s2 =	sadd.s32 s2, s18  }
0x8e: {  	[smem:$0x3FC0] =	sst s2  }
0x8f: {  	_ = 	snop  }
0x90: {  	s2 =	sld [smem:$0x3FC8]  }
0x91: {  	s19 =	sld [smem:$0x3FD0];
	(tm) =	ssettm $0x1  }
0x92: {  	s4 =	sld [smem:$0x3FFB];
	_ =	sdelay $0x3  }
0x93: {  	_ =	strace s4  }
0x94: {  	s4 =	sld [smem:$0x3FFC];
	_ =	sdelay $0x3  }
0x95: {  	_ =	strace s4  }
0x96: {  	s4 =	sld [smem:$0x3FFD];
	_ =	sdelay $0x3  }
0x97: {  	_ =	strace s4  }
0x98: {  	_ =	strace $0x8FFFFFFF  }
0x99: {  	s20 =	sld [smem:$0x3FDB];
	_ =	sdelay $0x1  }
0x9a: {  	s5 =	simm.s32 $_scs_section_size  }
0x9b: {  	s6 =	simm.s32 $_size__tile_overlayer_lowered;
	s7 =	simm.s32 $_tile_overlayer_lowered  }
0x9c: {  	s23 =	simm.s32 $0x1BFF;
	s22 =	sshll.u32 s7, $0x1;
	s4 =	sadd.s32 s5, s20  }
0x9d: {  	s8 =	simm.s32 $0x0;
	s21 =	sshll.u32 s6, $0x1;
	s6 =	sadd.s32 s22, s4  }
0x9e: {  	[timem:s8], [sflag:s23] =	dma.local [hbm:s6], s21  }
0x9f: {  	_ =	swait.ge [sflag:s23], s21  }
0xa0: {  	s5 =	ssub.s32 $0x0, s21;
	[sflag:s23] =	ssyncset.done $0x0  }
0xa1: {  	[sflag:s23] =	ssyncadd.s32 s5;
	_ =	sdelay $0x1  }
0xa2: {  	s24 =	simm.s32 $0x1B8B  }
0xa3: {  	_ =	swait.ge [sflag:s24], $0x1  }
0xa4: {  	[sflag:s24] =	ssyncset.done $0x0  }
0xa5: {  	s25 =	simm.s32 $0x1B8E;
	[sflag:s24] =	ssyncadd.s32 $0xFFFFFFFF  }
0xa6: {  	s26 =	simm.s32 $execute0_lowered;
	[smem:$0x3FD2] =	sst s25  }
0xa7: {  	s5 =	sshll.u32 s26, $0x1;
	_ =	strace $0x80000046;
	[dreg:$0x1] =	wrdreg $0xFFFFFFFF  }
0xa8: {  	s28 =	simm.s32 $_size_execute0_lowered;
	s4 =	sadd.s32 s4, s5;
	[dreg:$0x0] =	wrdreg $0x0  }
0xa9: {  	s5 =	sshll.u32 s28, $0x1;
	[dreg:$0x2] =	wrdreg s4  }
0xaa: {  	[dreg:$0x3] =	wrdreg s5  }
0xab: {  	[dreg:$0x4] =	wrdreg $0xC0  }
0xac: {  	_ =	task [dreg:s8], $0x5FFFF  }
0xad: {  	[dreg:$0x1] =	wrdreg $0xFFFFFFFF  }
0xae: {  	[dreg:$0x0] =	wrdreg $0x60  }
0xaf: {  	[dreg:$0x2] =	wrdreg s2  }
0xb0: {  	[dreg:$0x3] =	wrdreg s19  }
0xb1: {  	[dreg:$0x4] =	wrdreg $0x9  }
0xb2: {  	_ =	task.clear_ibuf [dreg:s8], $0x5FFFF;
	_ =	strace $0x90000046  }
0xb3: {  	s29 =	simm.s32 $0x9;
	_ =	strace $0x80000048  }
0xb4: {  	_ =	swait.ge [sflag:s29], $0x1  }
0xb5: {  	[sflag:s29] =	ssyncadd.s32 $0xFFFFFFFF  }
0xb6: {  	_ =	strace $0x90000048  }
0xb7: {  	_ =	sfence  }
0xb8: {  	s30 =	sld [smem:$0x0];
	_ =	sdelay $0x2  }
0xb9: {  	s31 =	sshll.u32 s1, $0xD;
	s1 =	sshrl.u32 s1, $0x2  }
0xba: {  	s3 =	sand.u32 $0x4000, s31;
	s1 =	sadd.s32 s1, s30  }
0xbb: {  	s0 =	sor.u32 s3, s0;
	s1 =	sshll.u32 s1, $0x11  }
0xbc: {  	s0 =	sor.u32 s1, s0  }
0xbd: {  	s0 =	sadd.s32 $0x8F2B, s0  }
0xbe: {  	[sflag:s0] =	ssyncadd.remote.s32 $0x1  }
0xbf: {  	_ =	sfence.sel $0xFFFF  }
0xc0: {  	[dreg:$0x0] =	wrdreg $0xFFFFFFFF;
	(pc) =	sbr.abs _section_cstart, $3  }
0xc1: {  	[dreg:$0x1] =	wrdreg $0xFFFFFFFF  }
0xc2: {  	_ =	task.clear_ibuf [dreg:s8], $0x2FFFF;
	_ =	strace $0x9FFFFFFF  }
0xc3: {  	(tm) =	ssettm $0x7FFFFFFF  }
tec
execute0_lowered:
.L_overlay_start_1:
0x0: {  	(tag) =	ssettag $0x1  }
0x1: {  	s4 =	rddreg [dreg:$0x0];
	s1 =	srdreg.scid  }
0x2: {  	s0 =	stileid.u32;
	s5 =	rddreg [dreg:$0x1];
	s2 =	simm.s32 $0x0  }
0x3: {  	s3 =	sand.u32 $0x1, s1;
	s6 =	sshll.u32 s0, $0x1;
	s1 =	rddreg [dreg:$0x2]  }
0x4: {  	[smem:$0x7FF] =	sst s2;
	p0 =	slt.u32 s0, $0x2;
	s6 =	sor.u32 s3, s6  }
0x5: {  	_ =	strace $0x80000047;
	s8 =	ssub.s32 $0x2, s3;
	s3 =	simm.s32 $0x4F  }
0x6: {  	s7 =	smul.u32 $0x4E, s6;
	s31 =	smin.u32 s6, $0x4;
	s9 =	sshrl.u32 s8, $0x1  }
0x7: {  	s6 =	smul.u32 $0x4E2, s6;
	s3 =	simm.s32 @!p0 $0x4E;
	p0 =	sgt.u32 s0, $0x1  }
0x8: {  	s8 =	ssub.s32 s8, s9;
	s9 =	simm.s32 $0x0;
	s7 =	sadd.s32 s31, s7  }
0x9: {  	s5 =	sadd.s32 s5, s6;
	s6 =	smax.u32 s8, $0x1;
	s7 =	sshll.u32 s7, $0x5  }
0xa: {  	v0 =	vimm.f32 $0.0e+00;
	v1 =	vimm.f32 $1.000000000e+00;
	s8 =	simm.s32 $0x1;
	s4 =	sadd.s32 s4, s7;
	s7 =	simm.s32 $0x4F00  }
.LBB2_1:
0xb: {  	s10 =	simm.s32 $0x40;
	s11 =	simm.s32 $0x0  }
.LBB2_2:
0xc: {  	p1 =	sne.s32 s10, $0x9C00;
	[tilespmem:s11+$0x4F00] =	vst v0;
	s11 =	smov.u32 s10;
	s10 =	sadd.s32 $0x40, s10  }
.Ltmp0:
0xd: {  	(pc) =	sbr.rel @p1 .LBB2_2-.Ltmp0, $2  }
0xe: {  	_ =	sdelay $0x2  }
0xf: {  	s11 =	sshra.s32 s11, $0x2  }
0x10: {  	[tilespmem:s11+$0x4F00] =	vst v0;
	s10 =	simm.s32 @p0 $0x0  }
0x11: {  	[tilespmem:s10], [sflag:$0x1] =	stream.linear.gather @p0 [hbm4b:s4+s10], $0x4E00, $0x38;
	[tilespmem:$0x7610] =	vst v63  }
0x12: {  	s10 =	simm.s32 @p0 $0x1  }
0x13: {  	_ =	swait.ge @p0 [sflag:s10], $0x4E00  }
0x14: {  	[sflag:s10] =	ssyncset.done @p0 $0x0  }
0x15: {  	[sflag:s10] =	ssyncadd.s32 @p0 $0xFFFFB200;
	s10 =	simm.s32 @!p0 $0x0  }
0x16: {  	[tilespmem:s10], [sflag:$0x1] =	stream.linear.gather @!p0 [hbm4b:s4+s10], $0x4F00, $0x38;
	[tilespmem:$0x7610] =	vst v63  }
0x17: {  	s10 =	simm.s32 @!p0 $0x1  }
0x18: {  	_ =	swait.ge @!p0 [sflag:s10], $0x4F00  }
0x19: {  	[sflag:s10] =	ssyncset.done @!p0 $0x0  }
0x1a: {  	s11 =	smov.u32 s3;
	[sflag:s10] =	ssyncadd.s32 @!p0 $0xFFFFB100;
	s10 =	simm.s32 $0xF0  }
.LBB2_4:
0x1b: {  	v2 =	vld [tilespmem:s10+$0xFFFFFF90];
	_ =	sdelay $0x7  }
0x1c: {  	[tilespmem:v2+s7+$0x0] =	vst.idx.add.f32.msk $0xffff, v1  }
0x1d: {  	v2 =	vld [tilespmem:s10+$0xFFFFFFA0];
	_ =	sdelay $0x7  }
0x1e: {  	[tilespmem:v2+s7+$0x0] =	vst.idx.add.f32.msk $0xffff, v1  }
0x1f: {  	v2 =	vld [tilespmem:s10+$0xFFFFFFB0];
	_ =	sdelay $0x7  }
0x20: {  	[tilespmem:v2+s7+$0x0] =	vst.idx.add.f32.msk $0xffff, v1  }
0x21: {  	v2 =	vld [tilespmem:s10+$0xFFFFFFC0];
	_ =	sdelay $0x7  }
0x22: {  	[tilespmem:v2+s7+$0x0] =	vst.idx.add.f32.msk $0xffff, v1  }
0x23: {  	v2 =	vld [tilespmem:s10+$0xFFFFFFD0];
	_ =	sdelay $0x7  }
0x24: {  	[tilespmem:v2+s7+$0x0] =	vst.idx.add.f32.msk $0xffff, v1  }
0x25: {  	v2 =	vld [tilespmem:s10+$0xFFFFFFE0];
	_ =	sdelay $0x7  }
0x26: {  	[tilespmem:v2+s7+$0x0] =	vst.idx.add.f32.msk $0xffff, v1  }
0x27: {  	v2 =	vld [tilespmem:s10+$0xFFFFFFF0];
	_ =	sdelay $0x7  }
0x28: {  	[tilespmem:v2+s7+$0x0] =	vst.idx.add.f32.msk $0xffff, v1  }
0x29: {  	v2 =	vld [tilespmem:s10+$0x0];
	_ =	sdelay $0x2  }
0x2a: {  	p1 =	sne.s32 s11, $0x1  }
.Ltmp1:
0x2b: {  	_ = 	snop;
	(pc) =	sbr.rel @p1 .LBB2_4-.Ltmp1, $2  }
0x2c: {  	_ =	sdelay $0x2  }
0x2d: {  	s11 =	sadd.s32 $0xFFFFFFFF, s11;
	s10 =	sadd.s32 $0x100, s10;
	[tilespmem:v2+s7+$0x0] =	vst.idx.add.f32.msk $0xffff, v1  }
0x2e: {  	s9 =	sadd.s32 $0x1, s9  }
0x2f: {  	p1 =	sne.s32 s9, s6  }
.Ltmp2:
0x30: {  	_ = 	snop;
	(pc) =	sbr.rel @p1 .LBB2_1-.Ltmp2, $4  }
0x31: {  	[hbm4b:s5+s2] =	stream.linear.scatter [tilespmem:s7], [sflag:$0x1], $0x2710, $0x38;
	[tilespmem:$0x7610] =	vst v63  }
0x32: {  	_ =	swait.ge [sflag:s8], $0x2710  }
0x33: {  	[sflag:s8] =	ssyncset.done $0x0  }
0x34: {  	[sflag:s8] =	ssyncadd.s32 $0xFFFFD8F0  }
0x35: {  	_ =	sfence.sel $0x180000  }
0x36: {  	[bflag:$0x0] =	sbarrier.arrive $0xFFFF  }
0x37: {  	p0 =	sne.s32 s0, $0x0;
	_ =	strace $0x90000047  }
0x38: {  	s0 =	sadd.s32 @!p0 $0x100000, s1;
	[bflag:$0x2] =	sbarrier.arrive $0xFFFF  }
0x39: {  	[sflag:s0] =	ssyncadd.tile.s32 @!p0 $0x1;
	_ =	shalt  }
.Lfunc_end2:
_tile_overlayer_lowered:
.L_overlay_start_2:
0x3a: {  	(tag) =	ssettag $0x2  }
0x3b: {  	s0 =	rddreg [dreg:$0x0];
	s2 =	stileid.u32  }
0x3c: {  	s1 =	rddreg [dreg:$0x1];
	p0 =	sne.s32 s2, $0x0  }
0x3d: {  	s3 =	rddreg [dreg:$0x2];
	[bflag:$0x3] =	sbarrier.arrive $0xFFFF;
	s2 =	simm.s32 @!p0 $0x1C01  }
0x3e: {  	[timem:s3], [sflag:s2] =	dma.local @!p0 [hbm:s0], s1  }
0x3f: {  	s0 =	simm.s32 @!p0 $0x1  }
0x40: {  	_ =	swait.ge @!p0 [sflag:s0], s1  }
0x41: {  	s1 =	ssub.s32 @!p0 $0x0, s1;
	[sflag:s0] =	ssyncset.done @!p0 $0x0  }
0x42: {  	[sflag:s0] =	ssyncadd.s32 @!p0 s1  }
0x43: {  	[bflag:$0x3] =	sbarrier.arrive $0xFFFF  }
0x44: {  	_ =	shalt  }

</sc_bundles>
